<compile_context>
chip_gen: v7x
topology: tpu7x:2x2x1
jax: 0.10.2.dev20260603
libtpu: 0.0.44.dev20260713+nightly
codegen_flags: <defaults>
</compile_context>

<pallas_src>
import dataclasses
import functools

import jax
import jax.numpy as jnp
from jax import lax
from jax.experimental import pallas as pl
from jax.experimental.pallas import tpu as pltpu
from jax.experimental.pallas import tpu_sc as plsc

N = 10000
E = 640000
NODE_IN = 128
EDGE_OUT = 16
NODE_OUT = 128

NC = 2
NS = 16
LANES = 16
NW = NC * NS
C = 40
EPW = E // NW
NCHUNK = EPW // C
NPAIR = (NCHUNK - 2) // 2
NPAD = 10112
RPW = NPAD // NS
RCHUNKS = (80, 80, 80, 80, 80, 80, 80, 72)
F = NODE_OUT


def _sc_body(g_hbm, ae_hbm, row_hbm, col_hbm, outs_hbm, outc_hbm,
             acc,
             row_v0, col_v0, csc_v0, ae_b0, g_b0,
             row_v1, col_v1, csc_v1, ae_b1, g_b1,
             cnt_t,
             sem_i0, sem_i1, sem_a0, sem_a1, sem_g0, sem_g1, sem_s0, sem_s1):
    cid = lax.axis_index("c")
    sid = lax.axis_index("s")
    w = cid * NS + sid

    row_v = (row_v0, row_v1)
    col_v = (col_v0, col_v1)
    csc_v = (csc_v0, csc_v1)
    ae_b = (ae_b0, ae_b1)
    g_b = (g_b0, g_b1)
    sem_i = (sem_i0, sem_i1)
    sem_a = (sem_a0, sem_a1)
    sem_g = (sem_g0, sem_g1)
    sem_s = (sem_s0, sem_s1)

    zero16 = jnp.zeros((LANES,), jnp.float32)
    one16 = jnp.full((LANES,), 1.0, jnp.float32)

    @pl.loop(0, C)
    def _(e):
        for j in range(F // LANES):
            g_b0[e, pl.ds(j * LANES, LANES)] = zero16

    @pl.loop(0, NPAD // LANES)
    def _(i):
        cnt_t[pl.ds(i * LANES, LANES)] = zero16

    base0 = sid * RPW
    off = 0
    for rch in RCHUNKS:
        for c0 in range(0, rch, C):
            cc = min(C, rch - c0)
            pltpu.sync_copy(g_b0.at[pl.ds(0, cc)],
                            acc.at[pl.ds(base0 + off + c0, cc)])
        off += rch
    plsc.subcore_barrier()

    def issue_idx(k, p):
        base = w * EPW + k * C
        pltpu.async_copy(row_hbm.at[pl.ds(base, C)], row_v[p].at[0], sem_i[p])
        pltpu.async_copy(col_hbm.at[pl.ds(base, C)], col_v[p].at[0], sem_i[p])

    def wait_idx(p):
        pltpu.make_async_copy(row_hbm.at[pl.ds(0, C)], row_v[p].at[0],
                              sem_i[p]).wait()
        pltpu.make_async_copy(col_hbm.at[pl.ds(0, C)], col_v[p].at[0],
                              sem_i[p]).wait()

    def issue_data(k, p):
        base = w * EPW + k * C
        pltpu.async_copy(ae_hbm.at[pl.ds(base, C)], ae_b[p], sem_a[p])
        pltpu.async_copy(g_hbm.at[row_v[p].at[0]], g_b[p], sem_g[p])

    def wait_data(p):
        pltpu.make_async_copy(ae_hbm.at[pl.ds(0, C)], ae_b[p], sem_a[p]).wait()
        pltpu.make_async_copy(g_hbm.at[row_v[p].at[0]], g_b[p], sem_g[p]).wait()

    def issue_scatter(p):
        pltpu.async_copy(ae_b[p], acc.at[csc_v[p].at[0]], sem_s[p], add=True)

    def wait_scatter(p):
        pltpu.make_async_copy(ae_b[p], acc.at[csc_v[p].at[0]], sem_s[p]).wait()

    tail_mask = lax.iota(jnp.int32, LANES) >= (LANES - C % LANES)

    def compute(p):
        @pl.loop(0, C)
        def _(e):
            for j in range(F // LANES):
                s = pl.ds(j * LANES, LANES)
                ae_b[p][e, s] = jnp.maximum(ae_b[p][e, s] + g_b[p][e, s], 0.0)
        for i in range(C // LANES):
            s = pl.ds(i * LANES, LANES)
            idx = col_v[p][0, s]
            csc_v[p][0, s] = idx
            plsc.addupdate_scatter(cnt_t, [idx], one16)
        if C % LANES:
            s = pl.ds(C - LANES, LANES)
            idx = col_v[p][0, s]
            csc_v[p][0, s] = idx
            plsc.addupdate_scatter(cnt_t, [idx], one16, mask=tail_mask)

    issue_idx(0, 0)
    wait_idx(0)
    issue_data(0, 0)
    issue_idx(1, 1)

    wait_data(0)
    compute(0)
    issue_scatter(0)
    wait_idx(1)
    issue_data(1, 1)
    issue_idx(2, 0)

    @pl.loop(0, NPAIR)
    def _(m):
        k = m * 2 + 1
        wait_data(1)
        compute(1)
        issue_scatter(1)

        wait_scatter(0)
        wait_idx(0)
        issue_data(k + 1, 0)
        issue_idx(k + 2, 1)

        wait_data(0)
        compute(0)
        issue_scatter(0)

        wait_scatter(1)
        wait_idx(1)
        issue_data(k + 2, 1)

        @pl.when(m != NPAIR - 1)
        def _():
            issue_idx(k + 3, 0)

    wait_data(1)
    compute(1)
    issue_scatter(1)
    wait_scatter(0)
    wait_scatter(1)

    plsc.subcore_barrier()

    off = 0
    for rch in RCHUNKS:
        r = base0 + off
        pltpu.sync_copy(acc.at[pl.ds(r, rch)], outs_hbm.at[cid, pl.ds(r, rch)])
        off += rch
    pltpu.sync_copy(cnt_t, outc_hbm.at[pl.ds(w * NPAD, NPAD)])


_sc_scatter = pl.kernel(
    _sc_body,
    out_type=(
        jax.ShapeDtypeStruct((NC, NPAD, F), jnp.float32),
        jax.ShapeDtypeStruct((NW * NPAD,), jnp.float32),
    ),
    mesh=plsc.VectorSubcoreMesh(core_axis_name="c", subcore_axis_name="s",
                                num_cores=NC, num_subcores=NS),
    scratch_types=[
        pltpu.VMEM_SHARED((NPAD, F), jnp.float32),
        pltpu.VMEM((1, C), jnp.int32),
        pltpu.VMEM((1, C), jnp.int32),
        pltpu.VMEM((1, C), jnp.int32),
        pltpu.VMEM((C, F), jnp.float32),
        pltpu.VMEM((C, F), jnp.float32),
        pltpu.VMEM((1, C), jnp.int32),
        pltpu.VMEM((1, C), jnp.int32),
        pltpu.VMEM((1, C), jnp.int32),
        pltpu.VMEM((C, F), jnp.float32),
        pltpu.VMEM((C, F), jnp.float32),
        pltpu.VMEM((NPAD,), jnp.float32),
        pltpu.SemaphoreType.DMA,
        pltpu.SemaphoreType.DMA,
        pltpu.SemaphoreType.DMA,
        pltpu.SemaphoreType.DMA,
        pltpu.SemaphoreType.DMA,
        pltpu.SemaphoreType.DMA,
        pltpu.SemaphoreType.DMA,
        pltpu.SemaphoreType.DMA,
    ],
    compiler_params=(
        dataclasses.replace(pltpu.CompilerParams(), needs_layout_passes=False)
        if "needs_layout_passes" in pltpu.CompilerParams.__dataclass_fields__
        else pltpu.CompilerParams()
    ),
)


def _g_kernel(x_ref, w_ref, b_ref, o_ref):
    o_ref[...] = jnp.dot(x_ref[...], w_ref[...],
                         preferred_element_type=jnp.float32) + b_ref[...]


def _ae_kernel(ea_ref, w_ref, o_ref):
    o_ref[...] = jnp.dot(ea_ref[...], w_ref[...],
                         preferred_element_type=jnp.float32)


E_BLK = 4000


def _final_kernel(x_ref, s2_ref, c2_ref, w2_ref, b2_ref, w3a_ref, w3b_ref,
                  b3_ref, w4_ref, b4_ref, o_ref):
    S = s2_ref[0] + s2_ref[1]
    counts = jnp.sum(c2_ref[...], axis=1, keepdims=True)
    c1 = jnp.maximum(counts, 1.0)
    M = S / c1
    meanh = (jnp.dot(M, w2_ref[...], preferred_element_type=jnp.float32)
             + b2_ref[...] * (counts / c1))
    h2 = jnp.dot(x_ref[...], w3a_ref[...], preferred_element_type=jnp.float32)
    h2 = h2 + jnp.dot(meanh, w3b_ref[...], preferred_element_type=jnp.float32)
    h2 = jnp.maximum(h2 + b3_ref[...], 0.0)
    o_ref[...] = jnp.dot(h2, w4_ref[...],
                         preferred_element_type=jnp.float32) + b4_ref[...]


N_BLK = 2000


def kernel(x, edge_index, edge_attr, u, batch, W1, b1, W2, b2, W3, b3, W4, b4):
    row = edge_index[0].astype(jnp.int32)
    col = edge_index[1].astype(jnp.int32)
    W1a, W1b = W1[:NODE_IN], W1[NODE_IN:]
    W3a, W3b = W3[:NODE_IN], W3[NODE_IN:]

    g = pl.pallas_call(
        _g_kernel,
        out_shape=jax.ShapeDtypeStruct((N, NODE_OUT), jnp.float32),
    )(x, W1a, b1.reshape(1, NODE_OUT))
    ae = pl.pallas_call(
        _ae_kernel,
        grid=(E // E_BLK,),
        in_specs=[
            pl.BlockSpec((E_BLK, EDGE_OUT), lambda i: (i, 0)),
            pl.BlockSpec((EDGE_OUT, NODE_OUT), lambda i: (0, 0)),
        ],
        out_specs=pl.BlockSpec((E_BLK, NODE_OUT), lambda i: (i, 0)),
        out_shape=jax.ShapeDtypeStruct((E, NODE_OUT), jnp.float32),
    )(edge_attr, W1b)

    sums2, cnt_parts = _sc_scatter(g, ae, row, col)
    cnt2 = cnt_parts.reshape(NW, NPAD).T

    y = pl.pallas_call(
        _final_kernel,
        grid=(N // N_BLK,),
        in_specs=[
            pl.BlockSpec((N_BLK, NODE_IN), lambda i: (i, 0)),
            pl.BlockSpec((NC, N_BLK, F), lambda i: (0, i, 0)),
            pl.BlockSpec((N_BLK, NW), lambda i: (i, 0)),
            pl.BlockSpec((NODE_OUT, NODE_OUT), lambda i: (0, 0)),
            pl.BlockSpec((1, NODE_OUT), lambda i: (0, 0)),
            pl.BlockSpec((NODE_IN, NODE_OUT), lambda i: (0, 0)),
            pl.BlockSpec((NODE_OUT, NODE_OUT), lambda i: (0, 0)),
            pl.BlockSpec((1, NODE_OUT), lambda i: (0, 0)),
            pl.BlockSpec((NODE_OUT, NODE_OUT), lambda i: (0, 0)),
            pl.BlockSpec((1, NODE_OUT), lambda i: (0, 0)),
        ],
        out_specs=pl.BlockSpec((N_BLK, NODE_OUT), lambda i: (i, 0)),
        out_shape=jax.ShapeDtypeStruct((N, NODE_OUT), jnp.float32),
    )(x, sums2, cnt2, W2, b2.reshape(1, NODE_OUT), W3a, W3b,
      b3.reshape(1, NODE_OUT), W4, b4.reshape(1, NODE_OUT))

    return y

# --- scband reference (transcript-rebuilt; emitter-appended) ---
"""Pipeline reference for scband-node-model-input-24773371363899 (READ-ONLY COPY).

The authoritative reference and input builder live on the scoring server;
editing this copy changes nothing except your own understanding.
"""

import jax, jax.numpy as jnp
import numpy as np

N = 10000
E = 640000
NODE_IN = 128
EDGE_OUT = 16
NODE_OUT = 128
GLOBAL_DIM = 64


def setup_inputs(seed: int = 0) -> dict:
    key = jax.random.key(seed)
    ks = jax.random.split(key, 12)
    x = jax.random.normal(ks[0], (N, NODE_IN), dtype=jnp.float32)
    edge_index = jax.random.randint(ks[1], (2, E), 0, N, dtype=jnp.int64)
    edge_attr = jax.random.normal(ks[2], (E, EDGE_OUT), dtype=jnp.float32)
    u = jax.random.normal(ks[3], (1, GLOBAL_DIM), dtype=jnp.float32)
    batch = jnp.zeros((N,), dtype=jnp.int64)
    d1_in = NODE_IN + EDGE_OUT
    d2_in = NODE_IN + NODE_OUT
    W1 = jax.random.normal(ks[4], (d1_in, NODE_OUT), dtype=jnp.float32) / np.sqrt(d1_in)
    b1 = jnp.zeros((NODE_OUT,), dtype=jnp.float32)
    W2 = jax.random.normal(ks[5], (NODE_OUT, NODE_OUT), dtype=jnp.float32) / np.sqrt(NODE_OUT)
    b2 = jnp.zeros((NODE_OUT,), dtype=jnp.float32)
    W3 = jax.random.normal(ks[6], (d2_in, NODE_OUT), dtype=jnp.float32) / np.sqrt(d2_in)
    b3 = jnp.zeros((NODE_OUT,), dtype=jnp.float32)
    W4 = jax.random.normal(ks[7], (NODE_OUT, NODE_OUT), dtype=jnp.float32) / np.sqrt(NODE_OUT)
    b4 = jnp.zeros((NODE_OUT,), dtype=jnp.float32)
    return {"x": x, "edge_index": edge_index, "edge_attr": edge_attr, "u": u, "batch": batch,
            "W1": W1, "b1": b1, "W2": W2, "b2": b2, "W3": W3, "b3": b3, "W4": W4, "b4": b4}


def reference(x, edge_index, edge_attr, u, batch, W1, b1, W2, b2, W3, b3, W4, b4):
    row = edge_index[0]
    col = edge_index[1]
    out = jnp.concatenate([jnp.take(x, row, axis=0), edge_attr], axis=1)
    h = jnp.dot(out, W1) + b1
    h = jnp.maximum(h, 0.0)
    h = jnp.dot(h, W2) + b2
    sums = jax.ops.segment_sum(h, col, num_segments=x.shape[0])
    ones = jnp.ones((col.shape[0], 1), dtype=h.dtype)
    counts = jax.ops.segment_sum(ones, col, num_segments=x.shape[0])
    mean = sums / jnp.maximum(counts, 1.0)
    out2 = jnp.concatenate([x, mean], axis=1)
    h2 = jnp.dot(out2, W3) + b3
    h2 = jnp.maximum(h2, 0.0)
    return jnp.dot(h2, W4) + b4

if __name__ == "__main__":
    import jax
    _d = setup_inputs()
    print(jax.jit(kernel)(*tuple(_d.values())))

</pallas_src>

<mosaic_0001>
#map = affine_map<(d0, d1) -> (0, 0)>
#map1 = affine_map<(d0, d1) -> (0)>
#map2 = affine_map<(d0, d1) -> (0, 0, 0)>
module attributes {stable_mosaic.version = 14 : i64} {
  func.func @_sc_body(%arg0: i32, %arg1: i32, %arg2: memref<10000x128xf32, #tpu.memory_space<hbm>>, %arg3: memref<640000x128xf32, #tpu.memory_space<hbm>>, %arg4: memref<640000xi32, #tpu.memory_space<hbm>>, %arg5: memref<640000xi32, #tpu.memory_space<hbm>>, %arg6: memref<2x10112x128xf32, #tpu.memory_space<hbm>>, %arg7: memref<323584xf32, #tpu.memory_space<hbm>>, %arg8: memref<10112x128xf32, #tpu.memory_space<vmem_shared>>, %arg9: memref<1x40xi32, #tpu.memory_space<vmem>>, %arg10: memref<1x40xi32, #tpu.memory_space<vmem>>, %arg11: memref<1x40xi32, #tpu.memory_space<vmem>>, %arg12: memref<40x128xf32, #tpu.memory_space<vmem>>, %arg13: memref<40x128xf32, #tpu.memory_space<vmem>>, %arg14: memref<1x40xi32, #tpu.memory_space<vmem>>, %arg15: memref<1x40xi32, #tpu.memory_space<vmem>>, %arg16: memref<1x40xi32, #tpu.memory_space<vmem>>, %arg17: memref<40x128xf32, #tpu.memory_space<vmem>>, %arg18: memref<40x128xf32, #tpu.memory_space<vmem>>, %arg19: memref<10112xf32, #tpu.memory_space<vmem>>, %arg20: memref<!tpu.dma_semaphore, #tpu.memory_space<semaphore_mem>>, %arg21: memref<!tpu.dma_semaphore, #tpu.memory_space<semaphore_mem>>, %arg22: memref<!tpu.dma_semaphore, #tpu.memory_space<semaphore_mem>>, %arg23: memref<!tpu.dma_semaphore, #tpu.memory_space<semaphore_mem>>, %arg24: memref<!tpu.dma_semaphore, #tpu.memory_space<semaphore_mem>>, %arg25: memref<!tpu.dma_semaphore, #tpu.memory_space<semaphore_mem>>, %arg26: memref<!tpu.dma_semaphore, #tpu.memory_space<semaphore_mem>>, %arg27: memref<!tpu.dma_semaphore, #tpu.memory_space<semaphore_mem>>) attributes {dimension_semantics = [#tpu.dimension_semantics<core_parallel>, #tpu.dimension_semantics<subcore_parallel>], iteration_bounds = array<i64: 2, 16>, scalar_prefetch = 0 : i64, scratch_operands = 20 : i64, tpu.core_type = #tpu.core_type<sc_vector_subcore>, window_params = [{transform_indices = #map}, {transform_indices = #map}, {transform_indices = #map1}, {transform_indices = #map1}, {transform_indices = #map2}, {transform_indices = #map1}]} {
    %mul3A = arith.constant 16 : i32
    %mul3A_0 = arith.muli %arg0, %mul3A : i32
    %add3A = arith.addi %mul3A_0, %arg1 : i32
    %broadcast_in_dim3A = arith.constant 0.000000e+00 : f32
    %broadcast_in_dim3A_1 = vector.broadcast %broadcast_in_dim3A : f32 to vector<16xf32>
    %broadcast_in_dim3A_2 = arith.constant 1.000000e+00 : f32
    %broadcast_in_dim3A_3 = vector.broadcast %broadcast_in_dim3A_2 : f32 to vector<16xf32>
    %scan3A = arith.constant 0 : i32
    %scan3A_4 = arith.constant 40 : i32
    %scan3A_5 = arith.addi %scan3A, %scan3A_4 : i32
    %scan3A_6 = arith.constant 1 : i32
    scf.for %scan3A_353 = %scan3A to %scan3A_5 step %scan3A_6  : i32 {
      %mul3A_354 = arith.constant 1 : i32
      %mul3A_355 = arith.muli %scan3A_353, %mul3A_354 : i32
      %add3A_356 = arith.constant 0 : i32
      %add3A_357 = arith.addi %add3A_356, %mul3A_355 : i32
      %swap3A_358 = arith.index_cast %add3A_357 : i32 to index
      %swap3A_359 = arith.constant 0 : index
      %swap3A_360 = tpu.vector_load %arg13[%swap3A_358, %swap3A_359] {strides = array<i32>} : memref<40x128xf32, #tpu.memory_space<vmem>>, vector<16xf32>,
      tpu.vector_store %arg13[%swap3A_358, %swap3A_359], %broadcast_in_dim3A_1 {strides = array<i32>} : memref<40x128xf32, #tpu.memory_space<vmem>>, vector<16xf32>,
      %swap3A_361 = arith.index_cast %add3A_357 : i32 to index
      %swap3A_362 = arith.constant 16 : index
      %swap3A_363 = tpu.vector_load %arg13[%swap3A_361, %swap3A_362] {strides = array<i32>} : memref<40x128xf32, #tpu.memory_space<vmem>>, vector<16xf32>,
      tpu.vector_store %arg13[%swap3A_361, %swap3A_362], %broadcast_in_dim3A_1 {strides = array<i32>} : memref<40x128xf32, #tpu.memory_space<vmem>>, vector<16xf32>,
      %swap3A_364 = arith.index_cast %add3A_357 : i32 to index
      %swap3A_365 = arith.constant 32 : index
      %swap3A_366 = tpu.vector_load %arg13[%swap3A_364, %swap3A_365] {strides = array<i32>} : memref<40x128xf32, #tpu.memory_space<vmem>>, vector<16xf32>,
      tpu.vector_store %arg13[%swap3A_364, %swap3A_365], %broadcast_in_dim3A_1 {strides = array<i32>} : memref<40x128xf32, #tpu.memory_space<vmem>>, vector<16xf32>,
      %swap3A_367 = arith.index_cast %add3A_357 : i32 to index
      %swap3A_368 = arith.constant 48 : index
      %swap3A_369 = tpu.vector_load %arg13[%swap3A_367, %swap3A_368] {strides = array<i32>} : memref<40x128xf32, #tpu.memory_space<vmem>>, vector<16xf32>,
      tpu.vector_store %arg13[%swap3A_367, %swap3A_368], %broadcast_in_dim3A_1 {strides = array<i32>} : memref<40x128xf32, #tpu.memory_space<vmem>>, vector<16xf32>,
      %swap3A_370 = arith.index_cast %add3A_357 : i32 to index
      %swap3A_371 = arith.constant 64 : index
      %swap3A_372 = tpu.vector_load %arg13[%swap3A_370, %swap3A_371] {strides = array<i32>} : memref<40x128xf32, #tpu.memory_space<vmem>>, vector<16xf32>,
      tpu.vector_store %arg13[%swap3A_370, %swap3A_371], %broadcast_in_dim3A_1 {strides = array<i32>} : memref<40x128xf32, #tpu.memory_space<vmem>>, vector<16xf32>,
      %swap3A_373 = arith.index_cast %add3A_357 : i32 to index
      %swap3A_374 = arith.constant 80 : index
      %swap3A_375 = tpu.vector_load %arg13[%swap3A_373, %swap3A_374] {strides = array<i32>} : memref<40x128xf32, #tpu.memory_space<vmem>>, vector<16xf32>,
      tpu.vector_store %arg13[%swap3A_373, %swap3A_374], %broadcast_in_dim3A_1 {strides = array<i32>} : memref<40x128xf32, #tpu.memory_space<vmem>>, vector<16xf32>,
      %swap3A_376 = arith.index_cast %add3A_357 : i32 to index
      %swap3A_377 = arith.constant 96 : index
      %swap3A_378 = tpu.vector_load %arg13[%swap3A_376, %swap3A_377] {strides = array<i32>} : memref<40x128xf32, #tpu.memory_space<vmem>>, vector<16xf32>,
      tpu.vector_store %arg13[%swap3A_376, %swap3A_377], %broadcast_in_dim3A_1 {strides = array<i32>} : memref<40x128xf32, #tpu.memory_space<vmem>>, vector<16xf32>,
      %swap3A_379 = arith.index_cast %add3A_357 : i32 to index
      %swap3A_380 = arith.constant 112 : index
      %swap3A_381 = tpu.vector_load %arg13[%swap3A_379, %swap3A_380] {strides = array<i32>} : memref<40x128xf32, #tpu.memory_space<vmem>>, vector<16xf32>,
      tpu.vector_store %arg13[%swap3A_379, %swap3A_380], %broadcast_in_dim3A_1 {strides = array<i32>} : memref<40x128xf32, #tpu.memory_space<vmem>>, vector<16xf32>,
    }
    %scan3A_7 = arith.constant 40 : i32
    %scan3A_8 = arith.constant 0 : i32
    %scan3A_9 = arith.constant 632 : i32
    %scan3A_10 = arith.addi %scan3A_8, %scan3A_9 : i32
    %scan3A_11 = arith.constant 1 : i32
    scf.for %scan3A_353 = %scan3A_8 to %scan3A_10 step %scan3A_11  : i32 {
      %mul3A_354 = arith.constant 1 : i32
      %mul3A_355 = arith.muli %scan3A_353, %mul3A_354 : i32
      %add3A_356 = arith.constant 0 : i32
      %add3A_357 = arith.addi %add3A_356, %mul3A_355 : i32
      %mul3A_358 = arith.constant 16 : i32
      %mul3A_359 = arith.muli %add3A_357, %mul3A_358 : i32
      %swap3A_360 = arith.index_cast %mul3A_359 : i32 to index
      %swap3A_361 = tpu.vector_load %arg19[%swap3A_360] {strides = array<i32>} : memref<10112xf32, #tpu.memory_space<vmem>>, vector<16xf32>,
      tpu.vector_store %arg19[%swap3A_360], %broadcast_in_dim3A_1 {strides = array<i32>} : memref<10112xf32, #tpu.memory_space<vmem>>, vector<16xf32>,
    }
    %scan3A_12 = arith.constant 632 : i32
    %mul3A_13 = arith.constant 632 : i32
    %mul3A_14 = arith.muli %arg1, %mul3A_13 : i32
    %add3A_15 = arith.constant 0 : i32
    %add3A_16 = arith.addi %mul3A_14, %add3A_15 : i32
    %add3A_17 = arith.constant 0 : i32
    %add3A_18 = arith.addi %add3A_16, %add3A_17 : i32
    "tpu.region"() ({
      %run_scoped3A = tpu.sem_alloc : memref<!tpu.dma_semaphore, #tpu.memory_space<semaphore_mem>>
      %dma_start3A_353 = arith.constant 0 : i32
      %dma_start3A_354 = arith.constant 0 : i32
      %dma_start3A_355 = tpu.memref_slice %arg13[%dma_start3A_353, %dma_start3A_354] : memref<40x128xf32, #tpu.memory_space<vmem>> -> memref<40x128xf32, #tpu.memory_space<vmem>>
      %dma_start3A_356 = arith.constant 0 : i32
      %dma_start3A_357 = tpu.memref_slice %arg8[%add3A_18, %dma_start3A_356] : memref<10112x128xf32, #tpu.memory_space<vmem_shared>> -> memref<40x128xf32, #tpu.memory_space<vmem_shared>>
      %dma_start3A_358 = arith.constant 0 : i32
      %dma_start3A_359 = tpu.memref_slice %arg8[%add3A_18, %dma_start3A_358] : memref<10112x128xf32, #tpu.memory_space<vmem_shared>> -> memref<40x128xf32, #tpu.memory_space<vmem_shared>>
      %dma_start3A_360 = arith.constant 0 : i32
      %dma_start3A_361 = arith.constant 0 : i32
      %dma_start3A_362 = tpu.memref_slice %arg13[%dma_start3A_360, %dma_start3A_361] : memref<40x128xf32, #tpu.memory_space<vmem>> -> memref<40x128xf32, #tpu.memory_space<vmem>>
      tpu.enqueue_dma source(%dma_start3A_362 : memref<40x128xf32, #tpu.memory_space<vmem>>) target(%dma_start3A_359 : memref<40x128xf32, #tpu.memory_space<vmem_shared>>) target_semaphore(%run_scoped3A : memref<!tpu.dma_semaphore, #tpu.memory_space<semaphore_mem>>)
      %dma_wait3A_363 = arith.constant 0 : i32
      %dma_wait3A_364 = arith.constant 0 : i32
      %dma_wait3A_365 = tpu.memref_slice %arg13[%dma_wait3A_363, %dma_wait3A_364] : memref<40x128xf32, #tpu.memory_space<vmem>> -> memref<40x128xf32, #tpu.memory_space<vmem>>
      %dma_wait3A_366 = arith.constant 0 : i32
      %dma_wait3A_367 = tpu.memref_slice %arg8[%add3A_18, %dma_wait3A_366] : memref<10112x128xf32, #tpu.memory_space<vmem_shared>> -> memref<40x128xf32, #tpu.memory_space<vmem_shared>>
      %dma_wait3A_368 = arith.constant 0 : i32
      %dma_wait3A_369 = tpu.memref_slice %arg8[%add3A_18, %dma_wait3A_368] : memref<10112x128xf32, #tpu.memory_space<vmem_shared>> -> memref<40x128xf32, #tpu.memory_space<vmem_shared>>
      %dma_wait3A_370 = arith.constant 0 : i32
      %dma_wait3A_371 = arith.constant 0 : i32
      %dma_wait3A_372 = tpu.memref_slice %arg13[%dma_wait3A_370, %dma_wait3A_371] : memref<40x128xf32, #tpu.memory_space<vmem>> -> memref<40x128xf32, #tpu.memory_space<vmem>>
      tpu.wait_dma2 semaphore(%run_scoped3A : memref<!tpu.dma_semaphore, #tpu.memory_space<semaphore_mem>>) src(%dma_wait3A_372 : memref<40x128xf32, #tpu.memory_space<vmem>>) dst(%dma_wait3A_369 : memref<40x128xf32, #tpu.memory_space<vmem_shared>>)
      tpu.yield
    }) : () -> ()
    %add3A_19 = arith.constant 0 : i32
    %add3A_20 = arith.addi %mul3A_14, %add3A_19 : i32
    %add3A_21 = arith.constant 40 : i32
    %add3A_22 = arith.addi %add3A_20, %add3A_21 : i32
    "tpu.region"() ({
      %run_scoped3A = tpu.sem_alloc : memref<!tpu.dma_semaphore, #tpu.memory_space<semaphore_mem>>
      %dma_start3A_353 = arith.constant 0 : i32
      %dma_start3A_354 = arith.constant 0 : i32
      %dma_start3A_355 = tpu.memref_slice %arg13[%dma_start3A_353, %dma_start3A_354] : memref<40x128xf32, #tpu.memory_space<vmem>> -> memref<40x128xf32, #tpu.memory_space<vmem>>
      %dma_start3A_356 = arith.constant 0 : i32
      %dma_start3A_357 = tpu.memref_slice %arg8[%add3A_22, %dma_start3A_356] : memref<10112x128xf32, #tpu.memory_space<vmem_shared>> -> memref<40x128xf32, #tpu.memory_space<vmem_shared>>
      %dma_start3A_358 = arith.constant 0 : i32
      %dma_start3A_359 = tpu.memref_slice %arg8[%add3A_22, %dma_start3A_358] : memref<10112x128xf32, #tpu.memory_space<vmem_shared>> -> memref<40x128xf32, #tpu.memory_space<vmem_shared>>
      %dma_start3A_360 = arith.constant 0 : i32
      %dma_start3A_361 = arith.constant 0 : i32
      %dma_start3A_362 = tpu.memref_slice %arg13[%dma_start3A_360, %dma_start3A_361] : memref<40x128xf32, #tpu.memory_space<vmem>> -> memref<40x128xf32, #tpu.memory_space<vmem>>
      tpu.enqueue_dma source(%dma_start3A_362 : memref<40x128xf32, #tpu.memory_space<vmem>>) target(%dma_start3A_359 : memref<40x128xf32, #tpu.memory_space<vmem_shared>>) target_semaphore(%run_scoped3A : memref<!tpu.dma_semaphore, #tpu.memory_space<semaphore_mem>>)
      %dma_wait3A_363 = arith.constant 0 : i32
      %dma_wait3A_364 = arith.constant 0 : i32
      %dma_wait3A_365 = tpu.memref_slice %arg13[%dma_wait3A_363, %dma_wait3A_364] : memref<40x128xf32, #tpu.memory_space<vmem>> -> memref<40x128xf32, #tpu.memory_space<vmem>>
      %dma_wait3A_366 = arith.constant 0 : i32
      %dma_wait3A_367 = tpu.memref_slice %arg8[%add3A_22, %dma_wait3A_366] : memref<10112x128xf32, #tpu.memory_space<vmem_shared>> -> memref<40x128xf32, #tpu.memory_space<vmem_shared>>
      %dma_wait3A_368 = arith.constant 0 : i32
      %dma_wait3A_369 = tpu.memref_slice %arg8[%add3A_22, %dma_wait3A_368] : memref<10112x128xf32, #tpu.memory_space<vmem_shared>> -> memref<40x128xf32, #tpu.memory_space<vmem_shared>>
      %dma_wait3A_370 = arith.constant 0 : i32
      %dma_wait3A_371 = arith.constant 0 : i32
      %dma_wait3A_372 = tpu.memref_slice %arg13[%dma_wait3A_370, %dma_wait3A_371] : memref<40x128xf32, #tpu.memory_space<vmem>> -> memref<40x128xf32, #tpu.memory_space<vmem>>
      tpu.wait_dma2 semaphore(%run_scoped3A : memref<!tpu.dma_semaphore, #tpu.memory_space<semaphore_mem>>) src(%dma_wait3A_372 : memref<40x128xf32, #tpu.memory_space<vmem>>) dst(%dma_wait3A_369 : memref<40x128xf32, #tpu.memory_space<vmem_shared>>)
      tpu.yield
    }) : () -> ()
    %add3A_23 = arith.constant 80 : i32
    %add3A_24 = arith.addi %mul3A_14, %add3A_23 : i32
    %add3A_25 = arith.constant 0 : i32
    %add3A_26 = arith.addi %add3A_24, %add3A_25 : i32
    "tpu.region"() ({
      %run_scoped3A = tpu.sem_alloc : memref<!tpu.dma_semaphore, #tpu.memory_space<semaphore_mem>>
      %dma_start3A_353 = arith.constant 0 : i32
      %dma_start3A_354 = arith.constant 0 : i32
      %dma_start3A_355 = tpu.memref_slice %arg13[%dma_start3A_353, %dma_start3A_354] : memref<40x128xf32, #tpu.memory_space<vmem>> -> memref<40x128xf32, #tpu.memory_space<vmem>>
      %dma_start3A_356 = arith.constant 0 : i32
      %dma_start3A_357 = tpu.memref_slice %arg8[%add3A_26, %dma_start3A_356] : memref<10112x128xf32, #tpu.memory_space<vmem_shared>> -> memref<40x128xf32, #tpu.memory_space<vmem_shared>>
      %dma_start3A_358 = arith.constant 0 : i32
      %dma_start3A_359 = tpu.memref_slice %arg8[%add3A_26, %dma_start3A_358] : memref<10112x128xf32, #tpu.memory_space<vmem_shared>> -> memref<40x128xf32, #tpu.memory_space<vmem_shared>>
      %dma_start3A_360 = arith.constant 0 : i32
      %dma_start3A_361 = arith.constant 0 : i32
      %dma_start3A_362 = tpu.memref_slice %arg13[%dma_start3A_360, %dma_start3A_361] : memref<40x128xf32, #tpu.memory_space<vmem>> -> memref<40x128xf32, #tpu.memory_space<vmem>>
      tpu.enqueue_dma source(%dma_start3A_362 : memref<40x128xf32, #tpu.memory_space<vmem>>) target(%dma_start3A_359 : memref<40x128xf32, #tpu.memory_space<vmem_shared>>) target_semaphore(%run_scoped3A : memref<!tpu.dma_semaphore, #tpu.memory_space<semaphore_mem>>)
      %dma_wait3A_363 = arith.constant 0 : i32
      %dma_wait3A_364 = arith.constant 0 : i32
      %dma_wait3A_365 = tpu.memref_slice %arg13[%dma_wait3A_363, %dma_wait3A_364] : memref<40x128xf32, #tpu.memory_space<vmem>> -> memref<40x128xf32, #tpu.memory_space<vmem>>
      %dma_wait3A_366 = arith.constant 0 : i32
      %dma_wait3A_367 = tpu.memref_slice %arg8[%add3A_26, %dma_wait3A_366] : memref<10112x128xf32, #tpu.memory_space<vmem_shared>> -> memref<40x128xf32, #tpu.memory_space<vmem_shared>>
      %dma_wait3A_368 = arith.constant 0 : i32
      %dma_wait3A_369 = tpu.memref_slice %arg8[%add3A_26, %dma_wait3A_368] : memref<10112x128xf32, #tpu.memory_space<vmem_shared>> -> memref<40x128xf32, #tpu.memory_space<vmem_shared>>
      %dma_wait3A_370 = arith.constant 0 : i32
      %dma_wait3A_371 = arith.constant 0 : i32
      %dma_wait3A_372 = tpu.memref_slice %arg13[%dma_wait3A_370, %dma_wait3A_371] : memref<40x128xf32, #tpu.memory_space<vmem>> -> memref<40x128xf32, #tpu.memory_space<vmem>>
      tpu.wait_dma2 semaphore(%run_scoped3A : memref<!tpu.dma_semaphore, #tpu.memory_space<semaphore_mem>>) src(%dma_wait3A_372 : memref<40x128xf32, #tpu.memory_space<vmem>>) dst(%dma_wait3A_369 : memref<40x128xf32, #tpu.memory_space<vmem_shared>>)
      tpu.yield
    }) : () -> ()
    %add3A_27 = arith.constant 80 : i32
    %add3A_28 = arith.addi %mul3A_14, %add3A_27 : i32
    %add3A_29 = arith.constant 40 : i32
    %add3A_30 = arith.addi %add3A_28, %add3A_29 : i32
    "tpu.region"() ({
      %run_scoped3A = tpu.sem_alloc : memref<!tpu.dma_semaphore, #tpu.memory_space<semaphore_mem>>
      %dma_start3A_353 = arith.constant 0 : i32
      %dma_start3A_354 = arith.constant 0 : i32
      %dma_start3A_355 = tpu.memref_slice %arg13[%dma_start3A_353, %dma_start3A_354] : memref<40x128xf32, #tpu.memory_space<vmem>> -> memref<40x128xf32, #tpu.memory_space<vmem>>
      %dma_start3A_356 = arith.constant 0 : i32
      %dma_start3A_357 = tpu.memref_slice %arg8[%add3A_30, %dma_start3A_356] : memref<10112x128xf32, #tpu.memory_space<vmem_shared>> -> memref<40x128xf32, #tpu.memory_space<vmem_shared>>
      %dma_start3A_358 = arith.constant 0 : i32
      %dma_start3A_359 = tpu.memref_slice %arg8[%add3A_30, %dma_start3A_358] : memref<10112x128xf32, #tpu.memory_space<vmem_shared>> -> memref<40x128xf32, #tpu.memory_space<vmem_shared>>
      %dma_start3A_360 = arith.constant 0 : i32
      %dma_start3A_361 = arith.constant 0 : i32
      %dma_start3A_362 = tpu.memref_slice %arg13[%dma_start3A_360, %dma_start3A_361] : memref<40x128xf32, #tpu.memory_space<vmem>> -> memref<40x128xf32, #tpu.memory_space<vmem>>
      tpu.enqueue_dma source(%dma_start3A_362 : memref<40x128xf32, #tpu.memory_space<vmem>>) target(%dma_start3A_359 : memref<40x128xf32, #tpu.memory_space<vmem_shared>>) target_semaphore(%run_scoped3A : memref<!tpu.dma_semaphore, #tpu.memory_space<semaphore_mem>>)
      %dma_wait3A_363 = arith.constant 0 : i32
      %dma_wait3A_364 = arith.constant 0 : i32
      %dma_wait3A_365 = tpu.memref_slice %arg13[%dma_wait3A_363, %dma_wait3A_364] : memref<40x128xf32, #tpu.memory_space<vmem>> -> memref<40x128xf32, #tpu.memory_space<vmem>>
      %dma_wait3A_366 = arith.constant 0 : i32
      %dma_wait3A_367 = tpu.memref_slice %arg8[%add3A_30, %dma_wait3A_366] : memref<10112x128xf32, #tpu.memory_space<vmem_shared>> -> memref<40x128xf32, #tpu.memory_space<vmem_shared>>
      %dma_wait3A_368 = arith.constant 0 : i32
      %dma_wait3A_369 = tpu.memref_slice %arg8[%add3A_30, %dma_wait3A_368] : memref<10112x128xf32, #tpu.memory_space<vmem_shared>> -> memref<40x128xf32, #tpu.memory_space<vmem_shared>>
      %dma_wait3A_370 = arith.constant 0 : i32
      %dma_wait3A_371 = arith.constant 0 : i32
      %dma_wait3A_372 = tpu.memref_slice %arg13[%dma_wait3A_370, %dma_wait3A_371] : memref<40x128xf32, #tpu.memory_space<vmem>> -> memref<40x128xf32, #tpu.memory_space<vmem>>
      tpu.wait_dma2 semaphore(%run_scoped3A : memref<!tpu.dma_semaphore, #tpu.memory_space<semaphore_mem>>) src(%dma_wait3A_372 : memref<40x128xf32, #tpu.memory_space<vmem>>) dst(%dma_wait3A_369 : memref<40x128xf32, #tpu.memory_space<vmem_shared>>)
      tpu.yield
    }) : () -> ()
    %add3A_31 = arith.constant 160 : i32
    %add3A_32 = arith.addi %mul3A_14, %add3A_31 : i32
    %add3A_33 = arith.constant 0 : i32
    %add3A_34 = arith.addi %add3A_32, %add3A_33 : i32
    "tpu.region"() ({
      %run_scoped3A = tpu.sem_alloc : memref<!tpu.dma_semaphore, #tpu.memory_space<semaphore_mem>>
      %dma_start3A_353 = arith.constant 0 : i32
      %dma_start3A_354 = arith.constant 0 : i32
      %dma_start3A_355 = tpu.memref_slice %arg13[%dma_start3A_353, %dma_start3A_354] : memref<40x128xf32, #tpu.memory_space<vmem>> -> memref<40x128xf32, #tpu.memory_space<vmem>>
      %dma_start3A_356 = arith.constant 0 : i32
      %dma_start3A_357 = tpu.memref_slice %arg8[%add3A_34, %dma_start3A_356] : memref<10112x128xf32, #tpu.memory_space<vmem_shared>> -> memref<40x128xf32, #tpu.memory_space<vmem_shared>>
      %dma_start3A_358 = arith.constant 0 : i32
      %dma_start3A_359 = tpu.memref_slice %arg8[%add3A_34, %dma_start3A_358] : memref<10112x128xf32, #tpu.memory_space<vmem_shared>> -> memref<40x128xf32, #tpu.memory_space<vmem_shared>>
      %dma_start3A_360 = arith.constant 0 : i32
      %dma_start3A_361 = arith.constant 0 : i32
      %dma_start3A_362 = tpu.memref_slice %arg13[%dma_start3A_360, %dma_start3A_361] : memref<40x128xf32, #tpu.memory_space<vmem>> -> memref<40x128xf32, #tpu.memory_space<vmem>>
      tpu.enqueue_dma source(%dma_start3A_362 : memref<40x128xf32, #tpu.memory_space<vmem>>) target(%dma_start3A_359 : memref<40x128xf32, #tpu.memory_space<vmem_shared>>) target_semaphore(%run_scoped3A : memref<!tpu.dma_semaphore, #tpu.memory_space<semaphore_mem>>)
      %dma_wait3A_363 = arith.constant 0 : i32
      %dma_wait3A_364 = arith.constant 0 : i32
      %dma_wait3A_365 = tpu.memref_slice %arg13[%dma_wait3A_363, %dma_wait3A_364] : memref<40x128xf32, #tpu.memory_space<vmem>> -> memref<40x128xf32, #tpu.memory_space<vmem>>
      %dma_wait3A_366 = arith.constant 0 : i32
      %dma_wait3A_367 = tpu.memref_slice %arg8[%add3A_34, %dma_wait3A_366] : memref<10112x128xf32, #tpu.memory_space<vmem_shared>> -> memref<40x128xf32, #tpu.memory_space<vmem_shared>>
      %dma_wait3A_368 = arith.constant 0 : i32
      %dma_wait3A_369 = tpu.memref_slice %arg8[%add3A_34, %dma_wait3A_368] : memref<10112x128xf32, #tpu.memory_space<vmem_shared>> -> memref<40x128xf32, #tpu.memory_space<vmem_shared>>
      %dma_wait3A_370 = arith.constant 0 : i32
      %dma_wait3A_371 = arith.constant 0 : i32
      %dma_wait3A_372 = tpu.memref_slice %arg13[%dma_wait3A_370, %dma_wait3A_371] : memref<40x128xf32, #tpu.memory_space<vmem>> -> memref<40x128xf32, #tpu.memory_space<vmem>>
      tpu.wait_dma2 semaphore(%run_scoped3A : memref<!tpu.dma_semaphore, #tpu.memory_space<semaphore_mem>>) src(%dma_wait3A_372 : memref<40x128xf32, #tpu.memory_space<vmem>>) dst(%dma_wait3A_369 : memref<40x128xf32, #tpu.memory_space<vmem_shared>>)
      tpu.yield
    }) : () -> ()
    %add3A_35 = arith.constant 160 : i32
    %add3A_36 = arith.addi %mul3A_14, %add3A_35 : i32
    %add3A_37 = arith.constant 40 : i32
    %add3A_38 = arith.addi %add3A_36, %add3A_37 : i32
    "tpu.region"() ({
      %run_scoped3A = tpu.sem_alloc : memref<!tpu.dma_semaphore, #tpu.memory_space<semaphore_mem>>
      %dma_start3A_353 = arith.constant 0 : i32
      %dma_start3A_354 = arith.constant 0 : i32
      %dma_start3A_355 = tpu.memref_slice %arg13[%dma_start3A_353, %dma_start3A_354] : memref<40x128xf32, #tpu.memory_space<vmem>> -> memref<40x128xf32, #tpu.memory_space<vmem>>
      %dma_start3A_356 = arith.constant 0 : i32
      %dma_start3A_357 = tpu.memref_slice %arg8[%add3A_38, %dma_start3A_356] : memref<10112x128xf32, #tpu.memory_space<vmem_shared>> -> memref<40x128xf32, #tpu.memory_space<vmem_shared>>
      %dma_start3A_358 = arith.constant 0 : i32
      %dma_start3A_359 = tpu.memref_slice %arg8[%add3A_38, %dma_start3A_358] : memref<10112x128xf32, #tpu.memory_space<vmem_shared>> -> memref<40x128xf32, #tpu.memory_space<vmem_shared>>
      %dma_start3A_360 = arith.constant 0 : i32
      %dma_start3A_361 = arith.constant 0 : i32
      %dma_start3A_362 = tpu.memref_slice %arg13[%dma_start3A_360, %dma_start3A_361] : memref<40x128xf32, #tpu.memory_space<vmem>> -> memref<40x128xf32, #tpu.memory_space<vmem>>
      tpu.enqueue_dma source(%dma_start3A_362 : memref<40x128xf32, #tpu.memory_space<vmem>>) target(%dma_start3A_359 : memref<40x128xf32, #tpu.memory_space<vmem_shared>>) target_semaphore(%run_scoped3A : memref<!tpu.dma_semaphore, #tpu.memory_space<semaphore_mem>>)
      %dma_wait3A_363 = arith.constant 0 : i32
      %dma_wait3A_364 = arith.constant 0 : i32
      %dma_wait3A_365 = tpu.memref_slice %arg13[%dma_wait3A_363, %dma_wait3A_364] : memref<40x128xf32, #tpu.memory_space<vmem>> -> memref<40x128xf32, #tpu.memory_space<vmem>>
      %dma_wait3A_366 = arith.constant 0 : i32
      %dma_wait3A_367 = tpu.memref_slice %arg8[%add3A_38, %dma_wait3A_366] : memref<10112x128xf32, #tpu.memory_space<vmem_shared>> -> memref<40x128xf32, #tpu.memory_space<vmem_shared>>
      %dma_wait3A_368 = arith.constant 0 : i32
      %dma_wait3A_369 = tpu.memref_slice %arg8[%add3A_38, %dma_wait3A_368] : memref<10112x128xf32, #tpu.memory_space<vmem_shared>> -> memref<40x128xf32, #tpu.memory_space<vmem_shared>>
      %dma_wait3A_370 = arith.constant 0 : i32
      %dma_wait3A_371 = arith.constant 0 : i32
      %dma_wait3A_372 = tpu.memref_slice %arg13[%dma_wait3A_370, %dma_wait3A_371] : memref<40x128xf32, #tpu.memory_space<vmem>> -> memref<40x128xf32, #tpu.memory_space<vmem>>
      tpu.wait_dma2 semaphore(%run_scoped3A : memref<!tpu.dma_semaphore, #tpu.memory_space<semaphore_mem>>) src(%dma_wait3A_372 : memref<40x128xf32, #tpu.memory_space<vmem>>) dst(%dma_wait3A_369 : memref<40x128xf32, #tpu.memory_space<vmem_shared>>)
      tpu.yield
    }) : () -> ()
    %add3A_39 = arith.constant 240 : i32
    %add3A_40 = arith.addi %mul3A_14, %add3A_39 : i32
    %add3A_41 = arith.constant 0 : i32
    %add3A_42 = arith.addi %add3A_40, %add3A_41 : i32
    "tpu.region"() ({
      %run_scoped3A = tpu.sem_alloc : memref<!tpu.dma_semaphore, #tpu.memory_space<semaphore_mem>>
      %dma_start3A_353 = arith.constant 0 : i32
      %dma_start3A_354 = arith.constant 0 : i32
      %dma_start3A_355 = tpu.memref_slice %arg13[%dma_start3A_353, %dma_start3A_354] : memref<40x128xf32, #tpu.memory_space<vmem>> -> memref<40x128xf32, #tpu.memory_space<vmem>>
      %dma_start3A_356 = arith.constant 0 : i32
      %dma_start3A_357 = tpu.memref_slice %arg8[%add3A_42, %dma_start3A_356] : memref<10112x128xf32, #tpu.memory_space<vmem_shared>> -> memref<40x128xf32, #tpu.memory_space<vmem_shared>>
      %dma_start3A_358 = arith.constant 0 : i32
      %dma_start3A_359 = tpu.memref_slice %arg8[%add3A_42, %dma_start3A_358] : memref<10112x128xf32, #tpu.memory_space<vmem_shared>> -> memref<40x128xf32, #tpu.memory_space<vmem_shared>>
      %dma_start3A_360 = arith.constant 0 : i32
      %dma_start3A_361 = arith.constant 0 : i32
      %dma_start3A_362 = tpu.memref_slice %arg13[%dma_start3A_360, %dma_start3A_361] : memref<40x128xf32, #tpu.memory_space<vmem>> -> memref<40x128xf32, #tpu.memory_space<vmem>>
      tpu.enqueue_dma source(%dma_start3A_362 : memref<40x128xf32, #tpu.memory_space<vmem>>) target(%dma_start3A_359 : memref<40x128xf32, #tpu.memory_space<vmem_shared>>) target_semaphore(%run_scoped3A : memref<!tpu.dma_semaphore, #tpu.memory_space<semaphore_mem>>)
      %dma_wait3A_363 = arith.constant 0 : i32
      %dma_wait3A_364 = arith.constant 0 : i32
      %dma_wait3A_365 = tpu.memref_slice %arg13[%dma_wait3A_363, %dma_wait3A_364] : memref<40x128xf32, #tpu.memory_space<vmem>> -> memref<40x128xf32, #tpu.memory_space<vmem>>
      %dma_wait3A_366 = arith.constant 0 : i32
      %dma_wait3A_367 = tpu.memref_slice %arg8[%add3A_42, %dma_wait3A_366] : memref<10112x128xf32, #tpu.memory_space<vmem_shared>> -> memref<40x128xf32, #tpu.memory_space<vmem_shared>>
      %dma_wait3A_368 = arith.constant 0 : i32
      %dma_wait3A_369 = tpu.memref_slice %arg8[%add3A_42, %dma_wait3A_368] : memref<10112x128xf32, #tpu.memory_space<vmem_shared>> -> memref<40x128xf32, #tpu.memory_space<vmem_shared>>
      %dma_wait3A_370 = arith.constant 0 : i32
      %dma_wait3A_371 = arith.constant 0 : i32
      %dma_wait3A_372 = tpu.memref_slice %arg13[%dma_wait3A_370, %dma_wait3A_371] : memref<40x128xf32, #tpu.memory_space<vmem>> -> memref<40x128xf32, #tpu.memory_space<vmem>>
      tpu.wait_dma2 semaphore(%run_scoped3A : memref<!tpu.dma_semaphore, #tpu.memory_space<semaphore_mem>>) src(%dma_wait3A_372 : memref<40x128xf32, #tpu.memory_space<vmem>>) dst(%dma_wait3A_369 : memref<40x128xf32, #tpu.memory_space<vmem_shared>>)
      tpu.yield
    }) : () -> ()
    %add3A_43 = arith.constant 240 : i32
    %add3A_44 = arith.addi %mul3A_14, %add3A_43 : i32
    %add3A_45 = arith.constant 40 : i32
    %add3A_46 = arith.addi %add3A_44, %add3A_45 : i32
    "tpu.region"() ({
      %run_scoped3A = tpu.sem_alloc : memref<!tpu.dma_semaphore, #tpu.memory_space<semaphore_mem>>
      %dma_start3A_353 = arith.constant 0 : i32
      %dma_start3A_354 = arith.constant 0 : i32
      %dma_start3A_355 = tpu.memref_slice %arg13[%dma_start3A_353, %dma_start3A_354] : memref<40x128xf32, #tpu.memory_space<vmem>> -> memref<40x128xf32, #tpu.memory_space<vmem>>
      %dma_start3A_356 = arith.constant 0 : i32
      %dma_start3A_357 = tpu.memref_slice %arg8[%add3A_46, %dma_start3A_356] : memref<10112x128xf32, #tpu.memory_space<vmem_shared>> -> memref<40x128xf32, #tpu.memory_space<vmem_shared>>
      %dma_start3A_358 = arith.constant 0 : i32
      %dma_start3A_359 = tpu.memref_slice %arg8[%add3A_46, %dma_start3A_358] : memref<10112x128xf32, #tpu.memory_space<vmem_shared>> -> memref<40x128xf32, #tpu.memory_space<vmem_shared>>
      %dma_start3A_360 = arith.constant 0 : i32
      %dma_start3A_361 = arith.constant 0 : i32
      %dma_start3A_362 = tpu.memref_slice %arg13[%dma_start3A_360, %dma_start3A_361] : memref<40x128xf32, #tpu.memory_space<vmem>> -> memref<40x128xf32, #tpu.memory_space<vmem>>
      tpu.enqueue_dma source(%dma_start3A_362 : memref<40x128xf32, #tpu.memory_space<vmem>>) target(%dma_start3A_359 : memref<40x128xf32, #tpu.memory_space<vmem_shared>>) target_semaphore(%run_scoped3A : memref<!tpu.dma_semaphore, #tpu.memory_space<semaphore_mem>>)
      %dma_wait3A_363 = arith.constant 0 : i32
      %dma_wait3A_364 = arith.constant 0 : i32
      %dma_wait3A_365 = tpu.memref_slice %arg13[%dma_wait3A_363, %dma_wait3A_364] : memref<40x128xf32, #tpu.memory_space<vmem>> -> memref<40x128xf32, #tpu.memory_space<vmem>>
      %dma_wait3A_366 = arith.constant 0 : i32
      %dma_wait3A_367 = tpu.memref_slice %arg8[%add3A_46, %dma_wait3A_366] : memref<10112x128xf32, #tpu.memory_space<vmem_shared>> -> memref<40x128xf32, #tpu.memory_space<vmem_shared>>
      %dma_wait3A_368 = arith.constant 0 : i32
      %dma_wait3A_369 = tpu.memref_slice %arg8[%add3A_46, %dma_wait3A_368] : memref<10112x128xf32, #tpu.memory_space<vmem_shared>> -> memref<40x128xf32, #tpu.memory_space<vmem_shared>>
      %dma_wait3A_370 = arith.constant 0 : i32
      %dma_wait3A_371 = arith.constant 0 : i32
      %dma_wait3A_372 = tpu.memref_slice %arg13[%dma_wait3A_370, %dma_wait3A_371] : memref<40x128xf32, #tpu.memory_space<vmem>> -> memref<40x128xf32, #tpu.memory_space<vmem>>
      tpu.wait_dma2 semaphore(%run_scoped3A : memref<!tpu.dma_semaphore, #tpu.memory_space<semaphore_mem>>) src(%dma_wait3A_372 : memref<40x128xf32, #tpu.memory_space<vmem>>) dst(%dma_wait3A_369 : memref<40x128xf32, #tpu.memory_space<vmem_shared>>)
      tpu.yield
    }) : () -> ()
    %add3A_47 = arith.constant 320 : i32
    %add3A_48 = arith.addi %mul3A_14, %add3A_47 : i32
    %add3A_49 = arith.constant 0 : i32
    %add3A_50 = arith.addi %add3A_48, %add3A_49 : i32
    "tpu.region"() ({
      %run_scoped3A = tpu.sem_alloc : memref<!tpu.dma_semaphore, #tpu.memory_space<semaphore_mem>>
      %dma_start3A_353 = arith.constant 0 : i32
      %dma_start3A_354 = arith.constant 0 : i32
      %dma_start3A_355 = tpu.memref_slice %arg13[%dma_start3A_353, %dma_start3A_354] : memref<40x128xf32, #tpu.memory_space<vmem>> -> memref<40x128xf32, #tpu.memory_space<vmem>>
      %dma_start3A_356 = arith.constant 0 : i32
      %dma_start3A_357 = tpu.memref_slice %arg8[%add3A_50, %dma_start3A_356] : memref<10112x128xf32, #tpu.memory_space<vmem_shared>> -> memref<40x128xf32, #tpu.memory_space<vmem_shared>>
      %dma_start3A_358 = arith.constant 0 : i32
      %dma_start3A_359 = tpu.memref_slice %arg8[%add3A_50, %dma_start3A_358] : memref<10112x128xf32, #tpu.memory_space<vmem_shared>> -> memref<40x128xf32, #tpu.memory_space<vmem_shared>>
      %dma_start3A_360 = arith.constant 0 : i32
      %dma_start3A_361 = arith.constant 0 : i32
      %dma_start3A_362 = tpu.memref_slice %arg13[%dma_start3A_360, %dma_start3A_361] : memref<40x128xf32, #tpu.memory_space<vmem>> -> memref<40x128xf32, #tpu.memory_space<vmem>>
      tpu.enqueue_dma source(%dma_start3A_362 : memref<40x128xf32, #tpu.memory_space<vmem>>) target(%dma_start3A_359 : memref<40x128xf32, #tpu.memory_space<vmem_shared>>) target_semaphore(%run_scoped3A : memref<!tpu.dma_semaphore, #tpu.memory_space<semaphore_mem>>)
      %dma_wait3A_363 = arith.constant 0 : i32
      %dma_wait3A_364 = arith.constant 0 : i32
      %dma_wait3A_365 = tpu.memref_slice %arg13[%dma_wait3A_363, %dma_wait3A_364] : memref<40x128xf32, #tpu.memory_space<vmem>> -> memref<40x128xf32, #tpu.memory_space<vmem>>
      %dma_wait3A_366 = arith.constant 0 : i32
      %dma_wait3A_367 = tpu.memref_slice %arg8[%add3A_50, %dma_wait3A_366] : memref<10112x128xf32, #tpu.memory_space<vmem_shared>> -> memref<40x128xf32, #tpu.memory_space<vmem_shared>>
      %dma_wait3A_368 = arith.constant 0 : i32
      %dma_wait3A_369 = tpu.memref_slice %arg8[%add3A_50, %dma_wait3A_368] : memref<10112x128xf32, #tpu.memory_space<vmem_shared>> -> memref<40x128xf32, #tpu.memory_space<vmem_shared>>
      %dma_wait3A_370 = arith.constant 0 : i32
      %dma_wait3A_371 = arith.constant 0 : i32
      %dma_wait3A_372 = tpu.memref_slice %arg13[%dma_wait3A_370, %dma_wait3A_371] : memref<40x128xf32, #tpu.memory_space<vmem>> -> memref<40x128xf32, #tpu.memory_space<vmem>>
      tpu.wait_dma2 semaphore(%run_scoped3A : memref<!tpu.dma_semaphore, #tpu.memory_space<semaphore_mem>>) src(%dma_wait3A_372 : memref<40x128xf32, #tpu.memory_space<vmem>>) dst(%dma_wait3A_369 : memref<40x128xf32, #tpu.memory_space<vmem_shared>>)
      tpu.yield
    }) : () -> ()
    %add3A_51 = arith.constant 320 : i32
    %add3A_52 = arith.addi %mul3A_14, %add3A_51 : i32
    %add3A_53 = arith.constant 40 : i32
    %add3A_54 = arith.addi %add3A_52, %add3A_53 : i32
    "tpu.region"() ({
      %run_scoped3A = tpu.sem_alloc : memref<!tpu.dma_semaphore, #tpu.memory_space<semaphore_mem>>
      %dma_start3A_353 = arith.constant 0 : i32
      %dma_start3A_354 = arith.constant 0 : i32
      %dma_start3A_355 = tpu.memref_slice %arg13[%dma_start3A_353, %dma_start3A_354] : memref<40x128xf32, #tpu.memory_space<vmem>> -> memref<40x128xf32, #tpu.memory_space<vmem>>
      %dma_start3A_356 = arith.constant 0 : i32
      %dma_start3A_357 = tpu.memref_slice %arg8[%add3A_54, %dma_start3A_356] : memref<10112x128xf32, #tpu.memory_space<vmem_shared>> -> memref<40x128xf32, #tpu.memory_space<vmem_shared>>
      %dma_start3A_358 = arith.constant 0 : i32
      %dma_start3A_359 = tpu.memref_slice %arg8[%add3A_54, %dma_start3A_358] : memref<10112x128xf32, #tpu.memory_space<vmem_shared>> -> memref<40x128xf32, #tpu.memory_space<vmem_shared>>
      %dma_start3A_360 = arith.constant 0 : i32
      %dma_start3A_361 = arith.constant 0 : i32
      %dma_start3A_362 = tpu.memref_slice %arg13[%dma_start3A_360, %dma_start3A_361] : memref<40x128xf32, #tpu.memory_space<vmem>> -> memref<40x128xf32, #tpu.memory_space<vmem>>
      tpu.enqueue_dma source(%dma_start3A_362 : memref<40x128xf32, #tpu.memory_space<vmem>>) target(%dma_start3A_359 : memref<40x128xf32, #tpu.memory_space<vmem_shared>>) target_semaphore(%run_scoped3A : memref<!tpu.dma_semaphore, #tpu.memory_space<semaphore_mem>>)
      %dma_wait3A_363 = arith.constant 0 : i32
      %dma_wait3A_364 = arith.constant 0 : i32
      %dma_wait3A_365 = tpu.memref_slice %arg13[%dma_wait3A_363, %dma_wait3A_364] : memref<40x128xf32, #tpu.memory_space<vmem>> -> memref<40x128xf32, #tpu.memory_space<vmem>>
      %dma_wait3A_366 = arith.constant 0 : i32
      %dma_wait3A_367 = tpu.memref_slice %arg8[%add3A_54, %dma_wait3A_366] : memref<10112x128xf32, #tpu.memory_space<vmem_shared>> -> memref<40x128xf32, #tpu.memory_space<vmem_shared>>
      %dma_wait3A_368 = arith.constant 0 : i32
      %dma_wait3A_369 = tpu.memref_slice %arg8[%add3A_54, %dma_wait3A_368] : memref<10112x128xf32, #tpu.memory_space<vmem_shared>> -> memref<40x128xf32, #tpu.memory_space<vmem_shared>>
      %dma_wait3A_370 = arith.constant 0 : i32
      %dma_wait3A_371 = arith.constant 0 : i32
      %dma_wait3A_372 = tpu.memref_slice %arg13[%dma_wait3A_370, %dma_wait3A_371] : memref<40x128xf32, #tpu.memory_space<vmem>> -> memref<40x128xf32, #tpu.memory_space<vmem>>
      tpu.wait_dma2 semaphore(%run_scoped3A : memref<!tpu.dma_semaphore, #tpu.memory_space<semaphore_mem>>) src(%dma_wait3A_372 : memref<40x128xf32, #tpu.memory_space<vmem>>) dst(%dma_wait3A_369 : memref<40x128xf32, #tpu.memory_space<vmem_shared>>)
      tpu.yield
    }) : () -> ()
    %add3A_55 = arith.constant 400 : i32
    %add3A_56 = arith.addi %mul3A_14, %add3A_55 : i32
    %add3A_57 = arith.constant 0 : i32
    %add3A_58 = arith.addi %add3A_56, %add3A_57 : i32
    "tpu.region"() ({
      %run_scoped3A = tpu.sem_alloc : memref<!tpu.dma_semaphore, #tpu.memory_space<semaphore_mem>>
      %dma_start3A_353 = arith.constant 0 : i32
      %dma_start3A_354 = arith.constant 0 : i32
      %dma_start3A_355 = tpu.memref_slice %arg13[%dma_start3A_353, %dma_start3A_354] : memref<40x128xf32, #tpu.memory_space<vmem>> -> memref<40x128xf32, #tpu.memory_space<vmem>>
      %dma_start3A_356 = arith.constant 0 : i32
      %dma_start3A_357 = tpu.memref_slice %arg8[%add3A_58, %dma_start3A_356] : memref<10112x128xf32, #tpu.memory_space<vmem_shared>> -> memref<40x128xf32, #tpu.memory_space<vmem_shared>>
      %dma_start3A_358 = arith.constant 0 : i32
      %dma_start3A_359 = tpu.memref_slice %arg8[%add3A_58, %dma_start3A_358] : memref<10112x128xf32, #tpu.memory_space<vmem_shared>> -> memref<40x128xf32, #tpu.memory_space<vmem_shared>>
      %dma_start3A_360 = arith.constant 0 : i32
      %dma_start3A_361 = arith.constant 0 : i32
      %dma_start3A_362 = tpu.memref_slice %arg13[%dma_start3A_360, %dma_start3A_361] : memref<40x128xf32, #tpu.memory_space<vmem>> -> memref<40x128xf32, #tpu.memory_space<vmem>>
      tpu.enqueue_dma source(%dma_start3A_362 : memref<40x128xf32, #tpu.memory_space<vmem>>) target(%dma_start3A_359 : memref<40x128xf32, #tpu.memory_space<vmem_shared>>) target_semaphore(%run_scoped3A : memref<!tpu.dma_semaphore, #tpu.memory_space<semaphore_mem>>)
      %dma_wait3A_363 = arith.constant 0 : i32
      %dma_wait3A_364 = arith.constant 0 : i32
      %dma_wait3A_365 = tpu.memref_slice %arg13[%dma_wait3A_363, %dma_wait3A_364] : memref<40x128xf32, #tpu.memory_space<vmem>> -> memref<40x128xf32, #tpu.memory_space<vmem>>
      %dma_wait3A_366 = arith.constant 0 : i32
      %dma_wait3A_367 = tpu.memref_slice %arg8[%add3A_58, %dma_wait3A_366] : memref<10112x128xf32, #tpu.memory_space<vmem_shared>> -> memref<40x128xf32, #tpu.memory_space<vmem_shared>>
      %dma_wait3A_368 = arith.constant 0 : i32
      %dma_wait3A_369 = tpu.memref_slice %arg8[%add3A_58, %dma_wait3A_368] : memref<10112x128xf32, #tpu.memory_space<vmem_shared>> -> memref<40x128xf32, #tpu.memory_space<vmem_shared>>
      %dma_wait3A_370 = arith.constant 0 : i32
      %dma_wait3A_371 = arith.constant 0 : i32
      %dma_wait3A_372 = tpu.memref_slice %arg13[%dma_wait3A_370, %dma_wait3A_371] : memref<40x128xf32, #tpu.memory_space<vmem>> -> memref<40x128xf32, #tpu.memory_space<vmem>>
      tpu.wait_dma2 semaphore(%run_scoped3A : memref<!tpu.dma_semaphore, #tpu.memory_space<semaphore_mem>>) src(%dma_wait3A_372 : memref<40x128xf32, #tpu.memory_space<vmem>>) dst(%dma_wait3A_369 : memref<40x128xf32, #tpu.memory_space<vmem_shared>>)
      tpu.yield
    }) : () -> ()
    %add3A_59 = arith.constant 400 : i32
    %add3A_60 = arith.addi %mul3A_14, %add3A_59 : i32
    %add3A_61 = arith.constant 40 : i32
    %add3A_62 = arith.addi %add3A_60, %add3A_61 : i32
    "tpu.region"() ({
      %run_scoped3A = tpu.sem_alloc : memref<!tpu.dma_semaphore, #tpu.memory_space<semaphore_mem>>
      %dma_start3A_353 = arith.constant 0 : i32
      %dma_start3A_354 = arith.constant 0 : i32
      %dma_start3A_355 = tpu.memref_slice %arg13[%dma_start3A_353, %dma_start3A_354] : memref<40x128xf32, #tpu.memory_space<vmem>> -> memref<40x128xf32, #tpu.memory_space<vmem>>
      %dma_start3A_356 = arith.constant 0 : i32
      %dma_start3A_357 = tpu.memref_slice %arg8[%add3A_62, %dma_start3A_356] : memref<10112x128xf32, #tpu.memory_space<vmem_shared>> -> memref<40x128xf32, #tpu.memory_space<vmem_shared>>
      %dma_start3A_358 = arith.constant 0 : i32
      %dma_start3A_359 = tpu.memref_slice %arg8[%add3A_62, %dma_start3A_358] : memref<10112x128xf32, #tpu.memory_space<vmem_shared>> -> memref<40x128xf32, #tpu.memory_space<vmem_shared>>
      %dma_start3A_360 = arith.constant 0 : i32
      %dma_start3A_361 = arith.constant 0 : i32
      %dma_start3A_362 = tpu.memref_slice %arg13[%dma_start3A_360, %dma_start3A_361] : memref<40x128xf32, #tpu.memory_space<vmem>> -> memref<40x128xf32, #tpu.memory_space<vmem>>
      tpu.enqueue_dma source(%dma_start3A_362 : memref<40x128xf32, #tpu.memory_space<vmem>>) target(%dma_start3A_359 : memref<40x128xf32, #tpu.memory_space<vmem_shared>>) target_semaphore(%run_scoped3A : memref<!tpu.dma_semaphore, #tpu.memory_space<semaphore_mem>>)
      %dma_wait3A_363 = arith.constant 0 : i32
      %dma_wait3A_364 = arith.constant 0 : i32
      %dma_wait3A_365 = tpu.memref_slice %arg13[%dma_wait3A_363, %dma_wait3A_364] : memref<40x128xf32, #tpu.memory_space<vmem>> -> memref<40x128xf32, #tpu.memory_space<vmem>>
      %dma_wait3A_366 = arith.constant 0 : i32
      %dma_wait3A_367 = tpu.memref_slice %arg8[%add3A_62, %dma_wait3A_366] : memref<10112x128xf32, #tpu.memory_space<vmem_shared>> -> memref<40x128xf32, #tpu.memory_space<vmem_shared>>
      %dma_wait3A_368 = arith.constant 0 : i32
      %dma_wait3A_369 = tpu.memref_slice %arg8[%add3A_62, %dma_wait3A_368] : memref<10112x128xf32, #tpu.memory_space<vmem_shared>> -> memref<40x128xf32, #tpu.memory_space<vmem_shared>>
      %dma_wait3A_370 = arith.constant 0 : i32
      %dma_wait3A_371 = arith.constant 0 : i32
      %dma_wait3A_372 = tpu.memref_slice %arg13[%dma_wait3A_370, %dma_wait3A_371] : memref<40x128xf32, #tpu.memory_space<vmem>> -> memref<40x128xf32, #tpu.memory_space<vmem>>
      tpu.wait_dma2 semaphore(%run_scoped3A : memref<!tpu.dma_semaphore, #tpu.memory_space<semaphore_mem>>) src(%dma_wait3A_372 : memref<40x128xf32, #tpu.memory_space<vmem>>) dst(%dma_wait3A_369 : memref<40x128xf32, #tpu.memory_space<vmem_shared>>)
      tpu.yield
    }) : () -> ()
    %add3A_63 = arith.constant 480 : i32
    %add3A_64 = arith.addi %mul3A_14, %add3A_63 : i32
    %add3A_65 = arith.constant 0 : i32
    %add3A_66 = arith.addi %add3A_64, %add3A_65 : i32
    "tpu.region"() ({
      %run_scoped3A = tpu.sem_alloc : memref<!tpu.dma_semaphore, #tpu.memory_space<semaphore_mem>>
      %dma_start3A_353 = arith.constant 0 : i32
      %dma_start3A_354 = arith.constant 0 : i32
      %dma_start3A_355 = tpu.memref_slice %arg13[%dma_start3A_353, %dma_start3A_354] : memref<40x128xf32, #tpu.memory_space<vmem>> -> memref<40x128xf32, #tpu.memory_space<vmem>>
      %dma_start3A_356 = arith.constant 0 : i32
      %dma_start3A_357 = tpu.memref_slice %arg8[%add3A_66, %dma_start3A_356] : memref<10112x128xf32, #tpu.memory_space<vmem_shared>> -> memref<40x128xf32, #tpu.memory_space<vmem_shared>>
      %dma_start3A_358 = arith.constant 0 : i32
      %dma_start3A_359 = tpu.memref_slice %arg8[%add3A_66, %dma_start3A_358] : memref<10112x128xf32, #tpu.memory_space<vmem_shared>> -> memref<40x128xf32, #tpu.memory_space<vmem_shared>>
      %dma_start3A_360 = arith.constant 0 : i32
      %dma_start3A_361 = arith.constant 0 : i32
      %dma_start3A_362 = tpu.memref_slice %arg13[%dma_start3A_360, %dma_start3A_361] : memref<40x128xf32, #tpu.memory_space<vmem>> -> memref<40x128xf32, #tpu.memory_space<vmem>>
      tpu.enqueue_dma source(%dma_start3A_362 : memref<40x128xf32, #tpu.memory_space<vmem>>) target(%dma_start3A_359 : memref<40x128xf32, #tpu.memory_space<vmem_shared>>) target_semaphore(%run_scoped3A : memref<!tpu.dma_semaphore, #tpu.memory_space<semaphore_mem>>)
      %dma_wait3A_363 = arith.constant 0 : i32
      %dma_wait3A_364 = arith.constant 0 : i32
      %dma_wait3A_365 = tpu.memref_slice %arg13[%dma_wait3A_363, %dma_wait3A_364] : memref<40x128xf32, #tpu.memory_space<vmem>> -> memref<40x128xf32, #tpu.memory_space<vmem>>
      %dma_wait3A_366 = arith.constant 0 : i32
      %dma_wait3A_367 = tpu.memref_slice %arg8[%add3A_66, %dma_wait3A_366] : memref<10112x128xf32, #tpu.memory_space<vmem_shared>> -> memref<40x128xf32, #tpu.memory_space<vmem_shared>>
      %dma_wait3A_368 = arith.constant 0 : i32
      %dma_wait3A_369 = tpu.memref_slice %arg8[%add3A_66, %dma_wait3A_368] : memref<10112x128xf32, #tpu.memory_space<vmem_shared>> -> memref<40x128xf32, #tpu.memory_space<vmem_shared>>
      %dma_wait3A_370 = arith.constant 0 : i32
      %dma_wait3A_371 = arith.constant 0 : i32
      %dma_wait3A_372 = tpu.memref_slice %arg13[%dma_wait3A_370, %dma_wait3A_371] : memref<40x128xf32, #tpu.memory_space<vmem>> -> memref<40x128xf32, #tpu.memory_space<vmem>>
      tpu.wait_dma2 semaphore(%run_scoped3A : memref<!tpu.dma_semaphore, #tpu.memory_space<semaphore_mem>>) src(%dma_wait3A_372 : memref<40x128xf32, #tpu.memory_space<vmem>>) dst(%dma_wait3A_369 : memref<40x128xf32, #tpu.memory_space<vmem_shared>>)
      tpu.yield
    }) : () -> ()
    %add3A_67 = arith.constant 480 : i32
    %add3A_68 = arith.addi %mul3A_14, %add3A_67 : i32
    %add3A_69 = arith.constant 40 : i32
    %add3A_70 = arith.addi %add3A_68, %add3A_69 : i32
    "tpu.region"() ({
      %run_scoped3A = tpu.sem_alloc : memref<!tpu.dma_semaphore, #tpu.memory_space<semaphore_mem>>
      %dma_start3A_353 = arith.constant 0 : i32
      %dma_start3A_354 = arith.constant 0 : i32
      %dma_start3A_355 = tpu.memref_slice %arg13[%dma_start3A_353, %dma_start3A_354] : memref<40x128xf32, #tpu.memory_space<vmem>> -> memref<40x128xf32, #tpu.memory_space<vmem>>
      %dma_start3A_356 = arith.constant 0 : i32
      %dma_start3A_357 = tpu.memref_slice %arg8[%add3A_70, %dma_start3A_356] : memref<10112x128xf32, #tpu.memory_space<vmem_shared>> -> memref<40x128xf32, #tpu.memory_space<vmem_shared>>
      %dma_start3A_358 = arith.constant 0 : i32
      %dma_start3A_359 = tpu.memref_slice %arg8[%add3A_70, %dma_start3A_358] : memref<10112x128xf32, #tpu.memory_space<vmem_shared>> -> memref<40x128xf32, #tpu.memory_space<vmem_shared>>
      %dma_start3A_360 = arith.constant 0 : i32
      %dma_start3A_361 = arith.constant 0 : i32
      %dma_start3A_362 = tpu.memref_slice %arg13[%dma_start3A_360, %dma_start3A_361] : memref<40x128xf32, #tpu.memory_space<vmem>> -> memref<40x128xf32, #tpu.memory_space<vmem>>
      tpu.enqueue_dma source(%dma_start3A_362 : memref<40x128xf32, #tpu.memory_space<vmem>>) target(%dma_start3A_359 : memref<40x128xf32, #tpu.memory_space<vmem_shared>>) target_semaphore(%run_scoped3A : memref<!tpu.dma_semaphore, #tpu.memory_space<semaphore_mem>>)
      %dma_wait3A_363 = arith.constant 0 : i32
      %dma_wait3A_364 = arith.constant 0 : i32
      %dma_wait3A_365 = tpu.memref_slice %arg13[%dma_wait3A_363, %dma_wait3A_364] : memref<40x128xf32, #tpu.memory_space<vmem>> -> memref<40x128xf32, #tpu.memory_space<vmem>>
      %dma_wait3A_366 = arith.constant 0 : i32
      %dma_wait3A_367 = tpu.memref_slice %arg8[%add3A_70, %dma_wait3A_366] : memref<10112x128xf32, #tpu.memory_space<vmem_shared>> -> memref<40x128xf32, #tpu.memory_space<vmem_shared>>
      %dma_wait3A_368 = arith.constant 0 : i32
      %dma_wait3A_369 = tpu.memref_slice %arg8[%add3A_70, %dma_wait3A_368] : memref<10112x128xf32, #tpu.memory_space<vmem_shared>> -> memref<40x128xf32, #tpu.memory_space<vmem_shared>>
      %dma_wait3A_370 = arith.constant 0 : i32
      %dma_wait3A_371 = arith.constant 0 : i32
      %dma_wait3A_372 = tpu.memref_slice %arg13[%dma_wait3A_370, %dma_wait3A_371] : memref<40x128xf32, #tpu.memory_space<vmem>> -> memref<40x128xf32, #tpu.memory_space<vmem>>
      tpu.wait_dma2 semaphore(%run_scoped3A : memref<!tpu.dma_semaphore, #tpu.memory_space<semaphore_mem>>) src(%dma_wait3A_372 : memref<40x128xf32, #tpu.memory_space<vmem>>) dst(%dma_wait3A_369 : memref<40x128xf32, #tpu.memory_space<vmem_shared>>)
      tpu.yield
    }) : () -> ()
    %add3A_71 = arith.constant 560 : i32
    %add3A_72 = arith.addi %mul3A_14, %add3A_71 : i32
    %add3A_73 = arith.constant 0 : i32
    %add3A_74 = arith.addi %add3A_72, %add3A_73 : i32
    "tpu.region"() ({
      %run_scoped3A = tpu.sem_alloc : memref<!tpu.dma_semaphore, #tpu.memory_space<semaphore_mem>>
      %dma_start3A_353 = arith.constant 0 : i32
      %dma_start3A_354 = arith.constant 0 : i32
      %dma_start3A_355 = tpu.memref_slice %arg13[%dma_start3A_353, %dma_start3A_354] : memref<40x128xf32, #tpu.memory_space<vmem>> -> memref<40x128xf32, #tpu.memory_space<vmem>>
      %dma_start3A_356 = arith.constant 0 : i32
      %dma_start3A_357 = tpu.memref_slice %arg8[%add3A_74, %dma_start3A_356] : memref<10112x128xf32, #tpu.memory_space<vmem_shared>> -> memref<40x128xf32, #tpu.memory_space<vmem_shared>>
      %dma_start3A_358 = arith.constant 0 : i32
      %dma_start3A_359 = tpu.memref_slice %arg8[%add3A_74, %dma_start3A_358] : memref<10112x128xf32, #tpu.memory_space<vmem_shared>> -> memref<40x128xf32, #tpu.memory_space<vmem_shared>>
      %dma_start3A_360 = arith.constant 0 : i32
      %dma_start3A_361 = arith.constant 0 : i32
      %dma_start3A_362 = tpu.memref_slice %arg13[%dma_start3A_360, %dma_start3A_361] : memref<40x128xf32, #tpu.memory_space<vmem>> -> memref<40x128xf32, #tpu.memory_space<vmem>>
      tpu.enqueue_dma source(%dma_start3A_362 : memref<40x128xf32, #tpu.memory_space<vmem>>) target(%dma_start3A_359 : memref<40x128xf32, #tpu.memory_space<vmem_shared>>) target_semaphore(%run_scoped3A : memref<!tpu.dma_semaphore, #tpu.memory_space<semaphore_mem>>)
      %dma_wait3A_363 = arith.constant 0 : i32
      %dma_wait3A_364 = arith.constant 0 : i32
      %dma_wait3A_365 = tpu.memref_slice %arg13[%dma_wait3A_363, %dma_wait3A_364] : memref<40x128xf32, #tpu.memory_space<vmem>> -> memref<40x128xf32, #tpu.memory_space<vmem>>
      %dma_wait3A_366 = arith.constant 0 : i32
      %dma_wait3A_367 = tpu.memref_slice %arg8[%add3A_74, %dma_wait3A_366] : memref<10112x128xf32, #tpu.memory_space<vmem_shared>> -> memref<40x128xf32, #tpu.memory_space<vmem_shared>>
      %dma_wait3A_368 = arith.constant 0 : i32
      %dma_wait3A_369 = tpu.memref_slice %arg8[%add3A_74, %dma_wait3A_368] : memref<10112x128xf32, #tpu.memory_space<vmem_shared>> -> memref<40x128xf32, #tpu.memory_space<vmem_shared>>
      %dma_wait3A_370 = arith.constant 0 : i32
      %dma_wait3A_371 = arith.constant 0 : i32
      %dma_wait3A_372 = tpu.memref_slice %arg13[%dma_wait3A_370, %dma_wait3A_371] : memref<40x128xf32, #tpu.memory_space<vmem>> -> memref<40x128xf32, #tpu.memory_space<vmem>>
      tpu.wait_dma2 semaphore(%run_scoped3A : memref<!tpu.dma_semaphore, #tpu.memory_space<semaphore_mem>>) src(%dma_wait3A_372 : memref<40x128xf32, #tpu.memory_space<vmem>>) dst(%dma_wait3A_369 : memref<40x128xf32, #tpu.memory_space<vmem_shared>>)
      tpu.yield
    }) : () -> ()
    %add3A_75 = arith.constant 560 : i32
    %add3A_76 = arith.addi %mul3A_14, %add3A_75 : i32
    %add3A_77 = arith.constant 40 : i32
    %add3A_78 = arith.addi %add3A_76, %add3A_77 : i32
    "tpu.region"() ({
      %run_scoped3A = tpu.sem_alloc : memref<!tpu.dma_semaphore, #tpu.memory_space<semaphore_mem>>
      %dma_start3A_353 = arith.constant 0 : i32
      %dma_start3A_354 = arith.constant 0 : i32
      %dma_start3A_355 = tpu.memref_slice %arg13[%dma_start3A_353, %dma_start3A_354] : memref<40x128xf32, #tpu.memory_space<vmem>> -> memref<32x128xf32, #tpu.memory_space<vmem>>
      %dma_start3A_356 = arith.constant 0 : i32
      %dma_start3A_357 = tpu.memref_slice %arg8[%add3A_78, %dma_start3A_356] : memref<10112x128xf32, #tpu.memory_space<vmem_shared>> -> memref<32x128xf32, #tpu.memory_space<vmem_shared>>
      %dma_start3A_358 = arith.constant 0 : i32
      %dma_start3A_359 = tpu.memref_slice %arg8[%add3A_78, %dma_start3A_358] : memref<10112x128xf32, #tpu.memory_space<vmem_shared>> -> memref<32x128xf32, #tpu.memory_space<vmem_shared>>
      %dma_start3A_360 = arith.constant 0 : i32
      %dma_start3A_361 = arith.constant 0 : i32
      %dma_start3A_362 = tpu.memref_slice %arg13[%dma_start3A_360, %dma_start3A_361] : memref<40x128xf32, #tpu.memory_space<vmem>> -> memref<32x128xf32, #tpu.memory_space<vmem>>
      tpu.enqueue_dma source(%dma_start3A_362 : memref<32x128xf32, #tpu.memory_space<vmem>>) target(%dma_start3A_359 : memref<32x128xf32, #tpu.memory_space<vmem_shared>>) target_semaphore(%run_scoped3A : memref<!tpu.dma_semaphore, #tpu.memory_space<semaphore_mem>>)
      %dma_wait3A_363 = arith.constant 0 : i32
      %dma_wait3A_364 = arith.constant 0 : i32
      %dma_wait3A_365 = tpu.memref_slice %arg13[%dma_wait3A_363, %dma_wait3A_364] : memref<40x128xf32, #tpu.memory_space<vmem>> -> memref<32x128xf32, #tpu.memory_space<vmem>>
      %dma_wait3A_366 = arith.constant 0 : i32
      %dma_wait3A_367 = tpu.memref_slice %arg8[%add3A_78, %dma_wait3A_366] : memref<10112x128xf32, #tpu.memory_space<vmem_shared>> -> memref<32x128xf32, #tpu.memory_space<vmem_shared>>
      %dma_wait3A_368 = arith.constant 0 : i32
      %dma_wait3A_369 = tpu.memref_slice %arg8[%add3A_78, %dma_wait3A_368] : memref<10112x128xf32, #tpu.memory_space<vmem_shared>> -> memref<32x128xf32, #tpu.memory_space<vmem_shared>>
      %dma_wait3A_370 = arith.constant 0 : i32
      %dma_wait3A_371 = arith.constant 0 : i32
      %dma_wait3A_372 = tpu.memref_slice %arg13[%dma_wait3A_370, %dma_wait3A_371] : memref<40x128xf32, #tpu.memory_space<vmem>> -> memref<32x128xf32, #tpu.memory_space<vmem>>
      tpu.wait_dma2 semaphore(%run_scoped3A : memref<!tpu.dma_semaphore, #tpu.memory_space<semaphore_mem>>) src(%dma_wait3A_372 : memref<32x128xf32, #tpu.memory_space<vmem>>) dst(%dma_wait3A_369 : memref<32x128xf32, #tpu.memory_space<vmem_shared>>)
      tpu.yield
    }) : () -> ()
    %barrier3A = arith.constant 0 : index
    tpu.barrier barrier_id(%barrier3A)
    %iota3A = tpu.iota {dimensions = array<i32: 0>} : vector<16xi32>
    %ge3A = arith.constant 8 : i32
    %ge3A_79 = vector.broadcast %ge3A : i32 to vector<16xi32>
    %ge3A_80 = arith.cmpi sge, %iota3A, %ge3A_79 : vector<16xi32>
    %mul3A_81 = arith.constant 20000 : i32
    %mul3A_82 = arith.muli %add3A, %mul3A_81 : i32
    %add3A_83 = arith.constant 0 : i32
    %add3A_84 = arith.addi %mul3A_82, %add3A_83 : i32
    %dma_start3A = arith.constant 0 : i32
    %dma_start3A_85 = arith.constant 0 : i32
    %dma_start3A_86 = tpu.memref_slice %arg9[%dma_start3A, %dma_start3A_85] : memref<1x40xi32, #tpu.memory_space<vmem>> -> memref<1x40xi32, #tpu.memory_space<vmem>>
    %dma_start3A_87 = tpu.memref_squeeze %dma_start3A_86 : memref<1x40xi32, #tpu.memory_space<vmem>> -> memref<40xi32, #tpu.memory_space<vmem>>
    %dma_start3A_88 = tpu.memref_slice %arg4[%add3A_84] : memref<640000xi32, #tpu.memory_space<hbm>> -> memref<40xi32, #tpu.memory_space<hbm>>
    %dma_start3A_89 = arith.constant 0 : i32
    %dma_start3A_90 = tpu.memref_slice %arg9[%dma_start3A, %dma_start3A_89] : memref<1x40xi32, #tpu.memory_space<vmem>> -> memref<1x40xi32, #tpu.memory_space<vmem>>
    %dma_start3A_91 = tpu.memref_squeeze %dma_start3A_90 : memref<1x40xi32, #tpu.memory_space<vmem>> -> memref<40xi32, #tpu.memory_space<vmem>>
    %dma_start3A_92 = tpu.memref_slice %arg4[%add3A_84] : memref<640000xi32, #tpu.memory_space<hbm>> -> memref<40xi32, #tpu.memory_space<hbm>>
    tpu.enqueue_dma source(%dma_start3A_92 : memref<40xi32, #tpu.memory_space<hbm>>) target(%dma_start3A_91 : memref<40xi32, #tpu.memory_space<vmem>>) target_semaphore(%arg20 : memref<!tpu.dma_semaphore, #tpu.memory_space<semaphore_mem>>)
    %dma_start3A_93 = arith.constant 0 : i32
    %dma_start3A_94 = arith.constant 0 : i32
    %dma_start3A_95 = tpu.memref_slice %arg10[%dma_start3A_93, %dma_start3A_94] : memref<1x40xi32, #tpu.memory_space<vmem>> -> memref<1x40xi32, #tpu.memory_space<vmem>>
    %dma_start3A_96 = tpu.memref_squeeze %dma_start3A_95 : memref<1x40xi32, #tpu.memory_space<vmem>> -> memref<40xi32, #tpu.memory_space<vmem>>
    %dma_start3A_97 = tpu.memref_slice %arg5[%add3A_84] : memref<640000xi32, #tpu.memory_space<hbm>> -> memref<40xi32, #tpu.memory_space<hbm>>
    %dma_start3A_98 = arith.constant 0 : i32
    %dma_start3A_99 = tpu.memref_slice %arg10[%dma_start3A_93, %dma_start3A_98] : memref<1x40xi32, #tpu.memory_space<vmem>> -> memref<1x40xi32, #tpu.memory_space<vmem>>
    %dma_start3A_100 = tpu.memref_squeeze %dma_start3A_99 : memref<1x40xi32, #tpu.memory_space<vmem>> -> memref<40xi32, #tpu.memory_space<vmem>>
    %dma_start3A_101 = tpu.memref_slice %arg5[%add3A_84] : memref<640000xi32, #tpu.memory_space<hbm>> -> memref<40xi32, #tpu.memory_space<hbm>>
    tpu.enqueue_dma source(%dma_start3A_101 : memref<40xi32, #tpu.memory_space<hbm>>) target(%dma_start3A_100 : memref<40xi32, #tpu.memory_space<vmem>>) target_semaphore(%arg20 : memref<!tpu.dma_semaphore, #tpu.memory_space<semaphore_mem>>)
    %dma_wait3A = arith.constant 0 : i32
    %dma_wait3A_102 = arith.constant 0 : i32
    %dma_wait3A_103 = tpu.memref_slice %arg9[%dma_wait3A, %dma_wait3A_102] : memref<1x40xi32, #tpu.memory_space<vmem>> -> memref<1x40xi32, #tpu.memory_space<vmem>>
    %dma_wait3A_104 = tpu.memref_squeeze %dma_wait3A_103 : memref<1x40xi32, #tpu.memory_space<vmem>> -> memref<40xi32, #tpu.memory_space<vmem>>
    %dma_wait3A_105 = arith.constant 0 : i32
    %dma_wait3A_106 = tpu.memref_slice %arg4[%dma_wait3A_105] : memref<640000xi32, #tpu.memory_space<hbm>> -> memref<40xi32, #tpu.memory_space<hbm>>
    %dma_wait3A_107 = arith.constant 0 : i32
    %dma_wait3A_108 = tpu.memref_slice %arg9[%dma_wait3A, %dma_wait3A_107] : memref<1x40xi32, #tpu.memory_space<vmem>> -> memref<1x40xi32, #tpu.memory_space<vmem>>
    %dma_wait3A_109 = tpu.memref_squeeze %dma_wait3A_108 : memref<1x40xi32, #tpu.memory_space<vmem>> -> memref<40xi32, #tpu.memory_space<vmem>>
    %dma_wait3A_110 = arith.constant 0 : i32
    %dma_wait3A_111 = tpu.memref_slice %arg4[%dma_wait3A_110] : memref<640000xi32, #tpu.memory_space<hbm>> -> memref<40xi32, #tpu.memory_space<hbm>>
    tpu.wait_dma2 semaphore(%arg20 : memref<!tpu.dma_semaphore, #tpu.memory_space<semaphore_mem>>) src(%dma_wait3A_111 : memref<40xi32, #tpu.memory_space<hbm>>) dst(%dma_wait3A_109 : memref<40xi32, #tpu.memory_space<vmem>>)
    %dma_wait3A_112 = arith.constant 0 : i32
    %dma_wait3A_113 = arith.constant 0 : i32
    %dma_wait3A_114 = tpu.memref_slice %arg10[%dma_wait3A_112, %dma_wait3A_113] : memref<1x40xi32, #tpu.memory_space<vmem>> -> memref<1x40xi32, #tpu.memory_space<vmem>>
    %dma_wait3A_115 = tpu.memref_squeeze %dma_wait3A_114 : memref<1x40xi32, #tpu.memory_space<vmem>> -> memref<40xi32, #tpu.memory_space<vmem>>
    %dma_wait3A_116 = arith.constant 0 : i32
    %dma_wait3A_117 = tpu.memref_slice %arg5[%dma_wait3A_116] : memref<640000xi32, #tpu.memory_space<hbm>> -> memref<40xi32, #tpu.memory_space<hbm>>
    %dma_wait3A_118 = arith.constant 0 : i32
    %dma_wait3A_119 = tpu.memref_slice %arg10[%dma_wait3A_112, %dma_wait3A_118] : memref<1x40xi32, #tpu.memory_space<vmem>> -> memref<1x40xi32, #tpu.memory_space<vmem>>
    %dma_wait3A_120 = tpu.memref_squeeze %dma_wait3A_119 : memref<1x40xi32, #tpu.memory_space<vmem>> -> memref<40xi32, #tpu.memory_space<vmem>>
    %dma_wait3A_121 = arith.constant 0 : i32
    %dma_wait3A_122 = tpu.memref_slice %arg5[%dma_wait3A_121] : memref<640000xi32, #tpu.memory_space<hbm>> -> memref<40xi32, #tpu.memory_space<hbm>>
    tpu.wait_dma2 semaphore(%arg20 : memref<!tpu.dma_semaphore, #tpu.memory_space<semaphore_mem>>) src(%dma_wait3A_122 : memref<40xi32, #tpu.memory_space<hbm>>) dst(%dma_wait3A_120 : memref<40xi32, #tpu.memory_space<vmem>>)
    %mul3A_123 = arith.constant 20000 : i32
    %mul3A_124 = arith.muli %add3A, %mul3A_123 : i32
    %add3A_125 = arith.constant 0 : i32
    %add3A_126 = arith.addi %mul3A_124, %add3A_125 : i32
    %dma_start3A_127 = arith.constant 0 : i32
    %dma_start3A_128 = tpu.memref_slice %arg3[%add3A_126, %dma_start3A_127] : memref<640000x128xf32, #tpu.memory_space<hbm>> -> memref<40x128xf32, #tpu.memory_space<hbm>>
    %dma_start3A_129 = arith.constant 0 : i32
    %dma_start3A_130 = tpu.memref_slice %arg3[%add3A_126, %dma_start3A_129] : memref<640000x128xf32, #tpu.memory_space<hbm>> -> memref<40x128xf32, #tpu.memory_space<hbm>>
    tpu.enqueue_dma source(%dma_start3A_130 : memref<40x128xf32, #tpu.memory_space<hbm>>) target(%arg12 : memref<40x128xf32, #tpu.memory_space<vmem>>) target_semaphore(%arg22 : memref<!tpu.dma_semaphore, #tpu.memory_space<semaphore_mem>>)
    %dma_start3A_131 = arith.constant 0 : i32
    %dma_start3A_132 = arith.constant 0 : i32
    %dma_start3A_133 = tpu.memref_slice %arg9[%dma_start3A_131, %dma_start3A_132] : memref<1x40xi32, #tpu.memory_space<vmem>> -> memref<1x40xi32, #tpu.memory_space<vmem>>
    %dma_start3A_134 = tpu.memref_squeeze %dma_start3A_133 : memref<1x40xi32, #tpu.memory_space<vmem>> -> memref<40xi32, #tpu.memory_space<vmem>>
    %dma_start3A_135 = arith.constant 0 : i32
    %dma_start3A_136 = arith.constant 0 : i32
    %dma_start3A_137 = tpu.memref_slice %arg2[%dma_start3A_135, %dma_start3A_136] : memref<10000x128xf32, #tpu.memory_space<hbm>> -> memref<10000x128xf32, #tpu.memory_space<hbm>>
    tpu.enqueue_indirect_dma source(%dma_start3A_137 : memref<10000x128xf32, #tpu.memory_space<hbm>>) target(%arg13 : memref<40x128xf32, #tpu.memory_space<vmem>>) offsets(%dma_start3A_134 : memref<40xi32, #tpu.memory_space<vmem>>) semaphore(%arg24 : memref<!tpu.dma_semaphore, #tpu.memory_space<semaphore_mem>>)
    %mul3A_138 = arith.constant 20000 : i32
    %mul3A_139 = arith.muli %add3A, %mul3A_138 : i32
    %add3A_140 = arith.constant 40 : i32
    %add3A_141 = arith.addi %mul3A_139, %add3A_140 : i32
    %dma_start3A_142 = arith.constant 0 : i32
    %dma_start3A_143 = arith.constant 0 : i32
    %dma_start3A_144 = tpu.memref_slice %arg14[%dma_start3A_142, %dma_start3A_143] : memref<1x40xi32, #tpu.memory_space<vmem>> -> memref<1x40xi32, #tpu.memory_space<vmem>>
    %dma_start3A_145 = tpu.memref_squeeze %dma_start3A_144 : memref<1x40xi32, #tpu.memory_space<vmem>> -> memref<40xi32, #tpu.memory_space<vmem>>
    %dma_start3A_146 = tpu.memref_slice %arg4[%add3A_141] : memref<640000xi32, #tpu.memory_space<hbm>> -> memref<40xi32, #tpu.memory_space<hbm>>
    %dma_start3A_147 = arith.constant 0 : i32
    %dma_start3A_148 = tpu.memref_slice %arg14[%dma_start3A_142, %dma_start3A_147] : memref<1x40xi32, #tpu.memory_space<vmem>> -> memref<1x40xi32, #tpu.memory_space<vmem>>
    %dma_start3A_149 = tpu.memref_squeeze %dma_start3A_148 : memref<1x40xi32, #tpu.memory_space<vmem>> -> memref<40xi32, #tpu.memory_space<vmem>>
    %dma_start3A_150 = tpu.memref_slice %arg4[%add3A_141] : memref<640000xi32, #tpu.memory_space<hbm>> -> memref<40xi32, #tpu.memory_space<hbm>>
    tpu.enqueue_dma source(%dma_start3A_150 : memref<40xi32, #tpu.memory_space<hbm>>) target(%dma_start3A_149 : memref<40xi32, #tpu.memory_space<vmem>>) target_semaphore(%arg21 : memref<!tpu.dma_semaphore, #tpu.memory_space<semaphore_mem>>)
    %dma_start3A_151 = arith.constant 0 : i32
    %dma_start3A_152 = arith.constant 0 : i32
    %dma_start3A_153 = tpu.memref_slice %arg15[%dma_start3A_151, %dma_start3A_152] : memref<1x40xi32, #tpu.memory_space<vmem>> -> memref<1x40xi32, #tpu.memory_space<vmem>>
    %dma_start3A_154 = tpu.memref_squeeze %dma_start3A_153 : memref<1x40xi32, #tpu.memory_space<vmem>> -> memref<40xi32, #tpu.memory_space<vmem>>
    %dma_start3A_155 = tpu.memref_slice %arg5[%add3A_141] : memref<640000xi32, #tpu.memory_space<hbm>> -> memref<40xi32, #tpu.memory_space<hbm>>
    %dma_start3A_156 = arith.constant 0 : i32
    %dma_start3A_157 = tpu.memref_slice %arg15[%dma_start3A_151, %dma_start3A_156] : memref<1x40xi32, #tpu.memory_space<vmem>> -> memref<1x40xi32, #tpu.memory_space<vmem>>
    %dma_start3A_158 = tpu.memref_squeeze %dma_start3A_157 : memref<1x40xi32, #tpu.memory_space<vmem>> -> memref<40xi32, #tpu.memory_space<vmem>>
    %dma_start3A_159 = tpu.memref_slice %arg5[%add3A_141] : memref<640000xi32, #tpu.memory_space<hbm>> -> memref<40xi32, #tpu.memory_space<hbm>>
    tpu.enqueue_dma source(%dma_start3A_159 : memref<40xi32, #tpu.memory_space<hbm>>) target(%dma_start3A_158 : memref<40xi32, #tpu.memory_space<vmem>>) target_semaphore(%arg21 : memref<!tpu.dma_semaphore, #tpu.memory_space<semaphore_mem>>)
    %dma_wait3A_160 = arith.constant 0 : i32
    %dma_wait3A_161 = arith.constant 0 : i32
    %dma_wait3A_162 = tpu.memref_slice %arg3[%dma_wait3A_160, %dma_wait3A_161] : memref<640000x128xf32, #tpu.memory_space<hbm>> -> memref<40x128xf32, #tpu.memory_space<hbm>>
    %dma_wait3A_163 = arith.constant 0 : i32
    %dma_wait3A_164 = arith.constant 0 : i32
    %dma_wait3A_165 = tpu.memref_slice %arg3[%dma_wait3A_163, %dma_wait3A_164] : memref<640000x128xf32, #tpu.memory_space<hbm>> -> memref<40x128xf32, #tpu.memory_space<hbm>>
    tpu.wait_dma2 semaphore(%arg22 : memref<!tpu.dma_semaphore, #tpu.memory_space<semaphore_mem>>) src(%dma_wait3A_165 : memref<40x128xf32, #tpu.memory_space<hbm>>) dst(%arg12 : memref<40x128xf32, #tpu.memory_space<vmem>>)
    %dma_wait3A_166 = arith.constant 0 : i32
    %dma_wait3A_167 = arith.constant 0 : i32
    %dma_wait3A_168 = tpu.memref_slice %arg9[%dma_wait3A_166, %dma_wait3A_167] : memref<1x40xi32, #tpu.memory_space<vmem>> -> memref<1x40xi32, #tpu.memory_space<vmem>>
    %dma_wait3A_169 = tpu.memref_squeeze %dma_wait3A_168 : memref<1x40xi32, #tpu.memory_space<vmem>> -> memref<40xi32, #tpu.memory_space<vmem>>
    %dma_wait3A_170 = arith.constant 0 : i32
    %dma_wait3A_171 = arith.constant 0 : i32
    %dma_wait3A_172 = tpu.memref_slice %arg2[%dma_wait3A_170, %dma_wait3A_171] : memref<10000x128xf32, #tpu.memory_space<hbm>> -> memref<10000x128xf32, #tpu.memory_space<hbm>>
    tpu.wait_indirect_dma semaphore(%arg24 : memref<!tpu.dma_semaphore, #tpu.memory_space<semaphore_mem>>) src(%dma_wait3A_172 : memref<10000x128xf32, #tpu.memory_space<hbm>>) dst(%arg13 : memref<40x128xf32, #tpu.memory_space<vmem>>)
    %scan3A_173 = arith.constant 0 : i32
    %scan3A_174 = arith.constant 40 : i32
    %scan3A_175 = arith.addi %scan3A_173, %scan3A_174 : i32
    %scan3A_176 = arith.constant 1 : i32
    scf.for %scan3A_353 = %scan3A_173 to %scan3A_175 step %scan3A_176  : i32 {
      %mul3A_354 = arith.constant 1 : i32
      %mul3A_355 = arith.muli %scan3A_353, %mul3A_354 : i32
      %add3A_356 = arith.constant 0 : i32
      %add3A_357 = arith.addi %add3A_356, %mul3A_355 : i32
      %get3A_358 = arith.index_cast %add3A_357 : i32 to index
      %get3A_359 = arith.constant 0 : index
      %get3A_360 = tpu.vector_load %arg12[%get3A_358, %get3A_359] {strides = array<i32>} : memref<40x128xf32, #tpu.memory_space<vmem>>, vector<16xf32>,
      %get3A_361 = arith.index_cast %add3A_357 : i32 to index
      %get3A_362 = arith.constant 0 : index
      %get3A_363 = tpu.vector_load %arg13[%get3A_361, %get3A_362] {strides = array<i32>} : memref<40x128xf32, #tpu.memory_space<vmem>>, vector<16xf32>,
      %add3A_364 = arith.addf %get3A_360, %get3A_363 : vector<16xf32>
      %max3A = arith.constant 0.000000e+00 : f32
      %max3A_365 = vector.broadcast %max3A : f32 to vector<16xf32>
      %max3A_366 = arith.maximumf %add3A_364, %max3A_365 : vector<16xf32>
      %swap3A_367 = arith.index_cast %add3A_357 : i32 to index
      %swap3A_368 = arith.constant 0 : index
      %swap3A_369 = tpu.vector_load %arg12[%swap3A_367, %swap3A_368] {strides = array<i32>} : memref<40x128xf32, #tpu.memory_space<vmem>>, vector<16xf32>,
      tpu.vector_store %arg12[%swap3A_367, %swap3A_368], %max3A_366 {strides = array<i32>} : memref<40x128xf32, #tpu.memory_space<vmem>>, vector<16xf32>,
      %get3A_370 = arith.index_cast %add3A_357 : i32 to index
      %get3A_371 = arith.constant 16 : index
      %get3A_372 = tpu.vector_load %arg12[%get3A_370, %get3A_371] {strides = array<i32>} : memref<40x128xf32, #tpu.memory_space<vmem>>, vector<16xf32>,
      %get3A_373 = arith.index_cast %add3A_357 : i32 to index
      %get3A_374 = arith.constant 16 : index
      %get3A_375 = tpu.vector_load %arg13[%get3A_373, %get3A_374] {strides = array<i32>} : memref<40x128xf32, #tpu.memory_space<vmem>>, vector<16xf32>,
      %add3A_376 = arith.addf %get3A_372, %get3A_375 : vector<16xf32>
      %max3A_377 = arith.constant 0.000000e+00 : f32
      %max3A_378 = vector.broadcast %max3A_377 : f32 to vector<16xf32>
      %max3A_379 = arith.maximumf %add3A_376, %max3A_378 : vector<16xf32>
      %swap3A_380 = arith.index_cast %add3A_357 : i32 to index
      %swap3A_381 = arith.constant 16 : index
      %swap3A_382 = tpu.vector_load %arg12[%swap3A_380, %swap3A_381] {strides = array<i32>} : memref<40x128xf32, #tpu.memory_space<vmem>>, vector<16xf32>,
      tpu.vector_store %arg12[%swap3A_380, %swap3A_381], %max3A_379 {strides = array<i32>} : memref<40x128xf32, #tpu.memory_space<vmem>>, vector<16xf32>,
      %get3A_383 = arith.index_cast %add3A_357 : i32 to index
      %get3A_384 = arith.constant 32 : index
      %get3A_385 = tpu.vector_load %arg12[%get3A_383, %get3A_384] {strides = array<i32>} : memref<40x128xf32, #tpu.memory_space<vmem>>, vector<16xf32>,
      %get3A_386 = arith.index_cast %add3A_357 : i32 to index
      %get3A_387 = arith.constant 32 : index
      %get3A_388 = tpu.vector_load %arg13[%get3A_386, %get3A_387] {strides = array<i32>} : memref<40x128xf32, #tpu.memory_space<vmem>>, vector<16xf32>,
      %add3A_389 = arith.addf %get3A_385, %get3A_388 : vector<16xf32>
      %max3A_390 = arith.constant 0.000000e+00 : f32
      %max3A_391 = vector.broadcast %max3A_390 : f32 to vector<16xf32>
      %max3A_392 = arith.maximumf %add3A_389, %max3A_391 : vector<16xf32>
      %swap3A_393 = arith.index_cast %add3A_357 : i32 to index
      %swap3A_394 = arith.constant 32 : index
      %swap3A_395 = tpu.vector_load %arg12[%swap3A_393, %swap3A_394] {strides = array<i32>} : memref<40x128xf32, #tpu.memory_space<vmem>>, vector<16xf32>,
      tpu.vector_store %arg12[%swap3A_393, %swap3A_394], %max3A_392 {strides = array<i32>} : memref<40x128xf32, #tpu.memory_space<vmem>>, vector<16xf32>,
      %get3A_396 = arith.index_cast %add3A_357 : i32 to index
      %get3A_397 = arith.constant 48 : index
      %get3A_398 = tpu.vector_load %arg12[%get3A_396, %get3A_397] {strides = array<i32>} : memref<40x128xf32, #tpu.memory_space<vmem>>, vector<16xf32>,
      %get3A_399 = arith.index_cast %add3A_357 : i32 to index
      %get3A_400 = arith.constant 48 : index
      %get3A_401 = tpu.vector_load %arg13[%get3A_399, %get3A_400] {strides = array<i32>} : memref<40x128xf32, #tpu.memory_space<vmem>>, vector<16xf32>,
      %add3A_402 = arith.addf %get3A_398, %get3A_401 : vector<16xf32>
      %max3A_403 = arith.constant 0.000000e+00 : f32
      %max3A_404 = vector.broadcast %max3A_403 : f32 to vector<16xf32>
      %max3A_405 = arith.maximumf %add3A_402, %max3A_404 : vector<16xf32>
      %swap3A_406 = arith.index_cast %add3A_357 : i32 to index
      %swap3A_407 = arith.constant 48 : index
      %swap3A_408 = tpu.vector_load %arg12[%swap3A_406, %swap3A_407] {strides = array<i32>} : memref<40x128xf32, #tpu.memory_space<vmem>>, vector<16xf32>,
      tpu.vector_store %arg12[%swap3A_406, %swap3A_407], %max3A_405 {strides = array<i32>} : memref<40x128xf32, #tpu.memory_space<vmem>>, vector<16xf32>,
      %get3A_409 = arith.index_cast %add3A_357 : i32 to index
      %get3A_410 = arith.constant 64 : index
      %get3A_411 = tpu.vector_load %arg12[%get3A_409, %get3A_410] {strides = array<i32>} : memref<40x128xf32, #tpu.memory_space<vmem>>, vector<16xf32>,
      %get3A_412 = arith.index_cast %add3A_357 : i32 to index
      %get3A_413 = arith.constant 64 : index
      %get3A_414 = tpu.vector_load %arg13[%get3A_412, %get3A_413] {strides = array<i32>} : memref<40x128xf32, #tpu.memory_space<vmem>>, vector<16xf32>,
      %add3A_415 = arith.addf %get3A_411, %get3A_414 : vector<16xf32>
      %max3A_416 = arith.constant 0.000000e+00 : f32
      %max3A_417 = vector.broadcast %max3A_416 : f32 to vector<16xf32>
      %max3A_418 = arith.maximumf %add3A_415, %max3A_417 : vector<16xf32>
      %swap3A_419 = arith.index_cast %add3A_357 : i32 to index
      %swap3A_420 = arith.constant 64 : index
      %swap3A_421 = tpu.vector_load %arg12[%swap3A_419, %swap3A_420] {strides = array<i32>} : memref<40x128xf32, #tpu.memory_space<vmem>>, vector<16xf32>,
      tpu.vector_store %arg12[%swap3A_419, %swap3A_420], %max3A_418 {strides = array<i32>} : memref<40x128xf32, #tpu.memory_space<vmem>>, vector<16xf32>,
      %get3A_422 = arith.index_cast %add3A_357 : i32 to index
      %get3A_423 = arith.constant 80 : index
      %get3A_424 = tpu.vector_load %arg12[%get3A_422, %get3A_423] {strides = array<i32>} : memref<40x128xf32, #tpu.memory_space<vmem>>, vector<16xf32>,
      %get3A_425 = arith.index_cast %add3A_357 : i32 to index
      %get3A_426 = arith.constant 80 : index
      %get3A_427 = tpu.vector_load %arg13[%get3A_425, %get3A_426] {strides = array<i32>} : memref<40x128xf32, #tpu.memory_space<vmem>>, vector<16xf32>,
      %add3A_428 = arith.addf %get3A_424, %get3A_427 : vector<16xf32>
      %max3A_429 = arith.constant 0.000000e+00 : f32
      %max3A_430 = vector.broadcast %max3A_429 : f32 to vector<16xf32>
      %max3A_431 = arith.maximumf %add3A_428, %max3A_430 : vector<16xf32>
      %swap3A_432 = arith.index_cast %add3A_357 : i32 to index
      %swap3A_433 = arith.constant 80 : index
      %swap3A_434 = tpu.vector_load %arg12[%swap3A_432, %swap3A_433] {strides = array<i32>} : memref<40x128xf32, #tpu.memory_space<vmem>>, vector<16xf32>,
      tpu.vector_store %arg12[%swap3A_432, %swap3A_433], %max3A_431 {strides = array<i32>} : memref<40x128xf32, #tpu.memory_space<vmem>>, vector<16xf32>,
      %get3A_435 = arith.index_cast %add3A_357 : i32 to index
      %get3A_436 = arith.constant 96 : index
      %get3A_437 = tpu.vector_load %arg12[%get3A_435, %get3A_436] {strides = array<i32>} : memref<40x128xf32, #tpu.memory_space<vmem>>, vector<16xf32>,
      %get3A_438 = arith.index_cast %add3A_357 : i32 to index
      %get3A_439 = arith.constant 96 : index
      %get3A_440 = tpu.vector_load %arg13[%get3A_438, %get3A_439] {strides = array<i32>} : memref<40x128xf32, #tpu.memory_space<vmem>>, vector<16xf32>,
      %add3A_441 = arith.addf %get3A_437, %get3A_440 : vector<16xf32>
      %max3A_442 = arith.constant 0.000000e+00 : f32
      %max3A_443 = vector.broadcast %max3A_442 : f32 to vector<16xf32>
      %max3A_444 = arith.maximumf %add3A_441, %max3A_443 : vector<16xf32>
      %swap3A_445 = arith.index_cast %add3A_357 : i32 to index
      %swap3A_446 = arith.constant 96 : index
      %swap3A_447 = tpu.vector_load %arg12[%swap3A_445, %swap3A_446] {strides = array<i32>} : memref<40x128xf32, #tpu.memory_space<vmem>>, vector<16xf32>,
      tpu.vector_store %arg12[%swap3A_445, %swap3A_446], %max3A_444 {strides = array<i32>} : memref<40x128xf32, #tpu.memory_space<vmem>>, vector<16xf32>,
      %get3A_448 = arith.index_cast %add3A_357 : i32 to index
      %get3A_449 = arith.constant 112 : index
      %get3A_450 = tpu.vector_load %arg12[%get3A_448, %get3A_449] {strides = array<i32>} : memref<40x128xf32, #tpu.memory_space<vmem>>, vector<16xf32>,
      %get3A_451 = arith.index_cast %add3A_357 : i32 to index
      %get3A_452 = arith.constant 112 : index
      %get3A_453 = tpu.vector_load %arg13[%get3A_451, %get3A_452] {strides = array<i32>} : memref<40x128xf32, #tpu.memory_space<vmem>>, vector<16xf32>,
      %add3A_454 = arith.addf %get3A_450, %get3A_453 : vector<16xf32>
      %max3A_455 = arith.constant 0.000000e+00 : f32
      %max3A_456 = vector.broadcast %max3A_455 : f32 to vector<16xf32>
      %max3A_457 = arith.maximumf %add3A_454, %max3A_456 : vector<16xf32>
      %swap3A_458 = arith.index_cast %add3A_357 : i32 to index
      %swap3A_459 = arith.constant 112 : index
      %swap3A_460 = tpu.vector_load %arg12[%swap3A_458, %swap3A_459] {strides = array<i32>} : memref<40x128xf32, #tpu.memory_space<vmem>>, vector<16xf32>,
      tpu.vector_store %arg12[%swap3A_458, %swap3A_459], %max3A_457 {strides = array<i32>} : memref<40x128xf32, #tpu.memory_space<vmem>>, vector<16xf32>,
    }
    %scan3A_177 = arith.constant 40 : i32
    %get3A = arith.constant 0 : i32
    %get3A_178 = arith.index_cast %get3A : i32 to index
    %get3A_179 = arith.constant 0 : index
    %get3A_180 = tpu.vector_load %arg10[%get3A_178, %get3A_179] {strides = array<i32>} : memref<1x40xi32, #tpu.memory_space<vmem>>, vector<16xi32>,
    %swap3A = arith.constant 0 : i32
    %swap3A_181 = arith.index_cast %swap3A : i32 to index
    %swap3A_182 = arith.constant 0 : index
    %swap3A_183 = tpu.vector_load %arg11[%swap3A_181, %swap3A_182] {strides = array<i32>} : memref<1x40xi32, #tpu.memory_space<vmem>>, vector<16xi32>,
    tpu.vector_store %arg11[%swap3A_181, %swap3A_182], %get3A_180 {strides = array<i32>} : memref<1x40xi32, #tpu.memory_space<vmem>>, vector<16xi32>,
    tpu.vector_store_idx %arg19[%get3A_180], %broadcast_in_dim3A_3 {add = true} : memref<10112xf32, #tpu.memory_space<vmem>>[vector<16xi32>], vector<16xf32>,
    %get3A_184 = arith.constant 0 : i32
    %get3A_185 = arith.index_cast %get3A_184 : i32 to index
    %get3A_186 = arith.constant 16 : index
    %get3A_187 = tpu.vector_load %arg10[%get3A_185, %get3A_186] {strides = array<i32>} : memref<1x40xi32, #tpu.memory_space<vmem>>, vector<16xi32>,
    %swap3A_188 = arith.constant 0 : i32
    %swap3A_189 = arith.index_cast %swap3A_188 : i32 to index
    %swap3A_190 = arith.constant 16 : index
    %swap3A_191 = tpu.vector_load %arg11[%swap3A_189, %swap3A_190] {strides = array<i32>} : memref<1x40xi32, #tpu.memory_space<vmem>>, vector<16xi32>,
    tpu.vector_store %arg11[%swap3A_189, %swap3A_190], %get3A_187 {strides = array<i32>} : memref<1x40xi32, #tpu.memory_space<vmem>>, vector<16xi32>,
    tpu.vector_store_idx %arg19[%get3A_187], %broadcast_in_dim3A_3 {add = true} : memref<10112xf32, #tpu.memory_space<vmem>>[vector<16xi32>], vector<16xf32>,
    %get3A_192 = arith.constant 0 : i32
    %get3A_193 = arith.index_cast %get3A_192 : i32 to index
    %get3A_194 = arith.constant 24 : index
    %get3A_195 = tpu.vector_load %arg10[%get3A_193, %get3A_194] {strides = array<i32>} : memref<1x40xi32, #tpu.memory_space<vmem>>, vector<16xi32>,
    %swap3A_196 = arith.constant 0 : i32
    %swap3A_197 = arith.index_cast %swap3A_196 : i32 to index
    %swap3A_198 = arith.constant 24 : index
    %swap3A_199 = tpu.vector_load %arg11[%swap3A_197, %swap3A_198] {strides = array<i32>} : memref<1x40xi32, #tpu.memory_space<vmem>>, vector<16xi32>,
    tpu.vector_store %arg11[%swap3A_197, %swap3A_198], %get3A_195 {strides = array<i32>} : memref<1x40xi32, #tpu.memory_space<vmem>>, vector<16xi32>,
    tpu.vector_store_idx %arg19[%get3A_195], %broadcast_in_dim3A_3 masked %ge3A_80 {add = true} : memref<10112xf32, #tpu.memory_space<vmem>>[vector<16xi32>], vector<16xf32>, vector<16xi1>
    %dma_start3A_200 = arith.constant 0 : i32
    %dma_start3A_201 = arith.constant 0 : i32
    %dma_start3A_202 = tpu.memref_slice %arg11[%dma_start3A_200, %dma_start3A_201] : memref<1x40xi32, #tpu.memory_space<vmem>> -> memref<1x40xi32, #tpu.memory_space<vmem>>
    %dma_start3A_203 = tpu.memref_squeeze %dma_start3A_202 : memref<1x40xi32, #tpu.memory_space<vmem>> -> memref<40xi32, #tpu.memory_space<vmem>>
    %dma_start3A_204 = arith.constant 0 : i32
    %dma_start3A_205 = arith.constant 0 : i32
    %dma_start3A_206 = tpu.memref_slice %arg8[%dma_start3A_204, %dma_start3A_205] : memref<10112x128xf32, #tpu.memory_space<vmem_shared>> -> memref<10112x128xf32, #tpu.memory_space<vmem_shared>>
    tpu.enqueue_indirect_dma source(%arg12 : memref<40x128xf32, #tpu.memory_space<vmem>>) target(%dma_start3A_206 : memref<10112x128xf32, #tpu.memory_space<vmem_shared>>) offsets(%dma_start3A_203 : memref<40xi32, #tpu.memory_space<vmem>>) semaphore(%arg26 : memref<!tpu.dma_semaphore, #tpu.memory_space<semaphore_mem>>) {add = true}
    %dma_wait3A_207 = arith.constant 0 : i32
    %dma_wait3A_208 = arith.constant 0 : i32
    %dma_wait3A_209 = tpu.memref_slice %arg14[%dma_wait3A_207, %dma_wait3A_208] : memref<1x40xi32, #tpu.memory_space<vmem>> -> memref<1x40xi32, #tpu.memory_space<vmem>>
    %dma_wait3A_210 = tpu.memref_squeeze %dma_wait3A_209 : memref<1x40xi32, #tpu.memory_space<vmem>> -> memref<40xi32, #tpu.memory_space<vmem>>
    %dma_wait3A_211 = arith.constant 0 : i32
    %dma_wait3A_212 = tpu.memref_slice %arg4[%dma_wait3A_211] : memref<640000xi32, #tpu.memory_space<hbm>> -> memref<40xi32, #tpu.memory_space<hbm>>
    %dma_wait3A_213 = arith.constant 0 : i32
    %dma_wait3A_214 = tpu.memref_slice %arg14[%dma_wait3A_207, %dma_wait3A_213] : memref<1x40xi32, #tpu.memory_space<vmem>> -> memref<1x40xi32, #tpu.memory_space<vmem>>
    %dma_wait3A_215 = tpu.memref_squeeze %dma_wait3A_214 : memref<1x40xi32, #tpu.memory_space<vmem>> -> memref<40xi32, #tpu.memory_space<vmem>>
    %dma_wait3A_216 = arith.constant 0 : i32
    %dma_wait3A_217 = tpu.memref_slice %arg4[%dma_wait3A_216] : memref<640000xi32, #tpu.memory_space<hbm>> -> memref<40xi32, #tpu.memory_space<hbm>>
    tpu.wait_dma2 semaphore(%arg21 : memref<!tpu.dma_semaphore, #tpu.memory_space<semaphore_mem>>) src(%dma_wait3A_217 : memref<40xi32, #tpu.memory_space<hbm>>) dst(%dma_wait3A_215 : memref<40xi32, #tpu.memory_space<vmem>>)
    %dma_wait3A_218 = arith.constant 0 : i32
    %dma_wait3A_219 = arith.constant 0 : i32
    %dma_wait3A_220 = tpu.memref_slice %arg15[%dma_wait3A_218, %dma_wait3A_219] : memref<1x40xi32, #tpu.memory_space<vmem>> -> memref<1x40xi32, #tpu.memory_space<vmem>>
    %dma_wait3A_221 = tpu.memref_squeeze %dma_wait3A_220 : memref<1x40xi32, #tpu.memory_space<vmem>> -> memref<40xi32, #tpu.memory_space<vmem>>
    %dma_wait3A_222 = arith.constant 0 : i32
    %dma_wait3A_223 = tpu.memref_slice %arg5[%dma_wait3A_222] : memref<640000xi32, #tpu.memory_space<hbm>> -> memref<40xi32, #tpu.memory_space<hbm>>
    %dma_wait3A_224 = arith.constant 0 : i32
    %dma_wait3A_225 = tpu.memref_slice %arg15[%dma_wait3A_218, %dma_wait3A_224] : memref<1x40xi32, #tpu.memory_space<vmem>> -> memref<1x40xi32, #tpu.memory_space<vmem>>
    %dma_wait3A_226 = tpu.memref_squeeze %dma_wait3A_225 : memref<1x40xi32, #tpu.memory_space<vmem>> -> memref<40xi32, #tpu.memory_space<vmem>>
    %dma_wait3A_227 = arith.constant 0 : i32
    %dma_wait3A_228 = tpu.memref_slice %arg5[%dma_wait3A_227] : memref<640000xi32, #tpu.memory_space<hbm>> -> memref<40xi32, #tpu.memory_space<hbm>>
    tpu.wait_dma2 semaphore(%arg21 : memref<!tpu.dma_semaphore, #tpu.memory_space<semaphore_mem>>) src(%dma_wait3A_228 : memref<40xi32, #tpu.memory_space<hbm>>) dst(%dma_wait3A_226 : memref<40xi32, #tpu.memory_space<vmem>>)
    %mul3A_229 = arith.constant 20000 : i32
    %mul3A_230 = arith.muli %add3A, %mul3A_229 : i32
    %add3A_231 = arith.constant 40 : i32
    %add3A_232 = arith.addi %mul3A_230, %add3A_231 : i32
    %dma_start3A_233 = arith.constant 0 : i32
    %dma_start3A_234 = tpu.memref_slice %arg3[%add3A_232, %dma_start3A_233] : memref<640000x128xf32, #tpu.memory_space<hbm>> -> memref<40x128xf32, #tpu.memory_space<hbm>>
    %dma_start3A_235 = arith.constant 0 : i32
    %dma_start3A_236 = tpu.memref_slice %arg3[%add3A_232, %dma_start3A_235] : memref<640000x128xf32, #tpu.memory_space<hbm>> -> memref<40x128xf32, #tpu.memory_space<hbm>>
    tpu.enqueue_dma source(%dma_start3A_236 : memref<40x128xf32, #tpu.memory_space<hbm>>) target(%arg17 : memref<40x128xf32, #tpu.memory_space<vmem>>) target_semaphore(%arg23 : memref<!tpu.dma_semaphore, #tpu.memory_space<semaphore_mem>>)
    %dma_start3A_237 = arith.constant 0 : i32
    %dma_start3A_238 = arith.constant 0 : i32
    %dma_start3A_239 = tpu.memref_slice %arg14[%dma_start3A_237, %dma_start3A_238] : memref<1x40xi32, #tpu.memory_space<vmem>> -> memref<1x40xi32, #tpu.memory_space<vmem>>
    %dma_start3A_240 = tpu.memref_squeeze %dma_start3A_239 : memref<1x40xi32, #tpu.memory_space<vmem>> -> memref<40xi32, #tpu.memory_space<vmem>>
    %dma_start3A_241 = arith.constant 0 : i32
    %dma_start3A_242 = arith.constant 0 : i32
    %dma_start3A_243 = tpu.memref_slice %arg2[%dma_start3A_241, %dma_start3A_242] : memref<10000x128xf32, #tpu.memory_space<hbm>> -> memref<10000x128xf32, #tpu.memory_space<hbm>>
    tpu.enqueue_indirect_dma source(%dma_start3A_243 : memref<10000x128xf32, #tpu.memory_space<hbm>>) target(%arg18 : memref<40x128xf32, #tpu.memory_space<vmem>>) offsets(%dma_start3A_240 : memref<40xi32, #tpu.memory_space<vmem>>) semaphore(%arg25 : memref<!tpu.dma_semaphore, #tpu.memory_space<semaphore_mem>>)
    %mul3A_244 = arith.constant 20000 : i32
    %mul3A_245 = arith.muli %add3A, %mul3A_244 : i32
    %add3A_246 = arith.constant 80 : i32
    %add3A_247 = arith.addi %mul3A_245, %add3A_246 : i32
    %dma_start3A_248 = arith.constant 0 : i32
    %dma_start3A_249 = arith.constant 0 : i32
    %dma_start3A_250 = tpu.memref_slice %arg9[%dma_start3A_248, %dma_start3A_249] : memref<1x40xi32, #tpu.memory_space<vmem>> -> memref<1x40xi32, #tpu.memory_space<vmem>>
    %dma_start3A_251 = tpu.memref_squeeze %dma_start3A_250 : memref<1x40xi32, #tpu.memory_space<vmem>> -> memref<40xi32, #tpu.memory_space<vmem>>
    %dma_start3A_252 = tpu.memref_slice %arg4[%add3A_247] : memref<640000xi32, #tpu.memory_space<hbm>> -> memref<40xi32, #tpu.memory_space<hbm>>
    %dma_start3A_253 = arith.constant 0 : i32
    %dma_start3A_254 = tpu.memref_slice %arg9[%dma_start3A_248, %dma_start3A_253] : memref<1x40xi32, #tpu.memory_space<vmem>> -> memref<1x40xi32, #tpu.memory_space<vmem>>
    %dma_start3A_255 = tpu.memref_squeeze %dma_start3A_254 : memref<1x40xi32, #tpu.memory_space<vmem>> -> memref<40xi32, #tpu.memory_space<vmem>>
    %dma_start3A_256 = tpu.memref_slice %arg4[%add3A_247] : memref<640000xi32, #tpu.memory_space<hbm>> -> memref<40xi32, #tpu.memory_space<hbm>>
    tpu.enqueue_dma source(%dma_start3A_256 : memref<40xi32, #tpu.memory_space<hbm>>) target(%dma_start3A_255 : memref<40xi32, #tpu.memory_space<vmem>>) target_semaphore(%arg20 : memref<!tpu.dma_semaphore, #tpu.memory_space<semaphore_mem>>)
    %dma_start3A_257 = arith.constant 0 : i32
    %dma_start3A_258 = arith.constant 0 : i32
    %dma_start3A_259 = tpu.memref_slice %arg10[%dma_start3A_257, %dma_start3A_258] : memref<1x40xi32, #tpu.memory_space<vmem>> -> memref<1x40xi32, #tpu.memory_space<vmem>>
    %dma_start3A_260 = tpu.memref_squeeze %dma_start3A_259 : memref<1x40xi32, #tpu.memory_space<vmem>> -> memref<40xi32, #tpu.memory_space<vmem>>
    %dma_start3A_261 = tpu.memref_slice %arg5[%add3A_247] : memref<640000xi32, #tpu.memory_space<hbm>> -> memref<40xi32, #tpu.memory_space<hbm>>
    %dma_start3A_262 = arith.constant 0 : i32
    %dma_start3A_263 = tpu.memref_slice %arg10[%dma_start3A_257, %dma_start3A_262] : memref<1x40xi32, #tpu.memory_space<vmem>> -> memref<1x40xi32, #tpu.memory_space<vmem>>
    %dma_start3A_264 = tpu.memref_squeeze %dma_start3A_263 : memref<1x40xi32, #tpu.memory_space<vmem>> -> memref<40xi32, #tpu.memory_space<vmem>>
    %dma_start3A_265 = tpu.memref_slice %arg5[%add3A_247] : memref<640000xi32, #tpu.memory_space<hbm>> -> memref<40xi32, #tpu.memory_space<hbm>>
    tpu.enqueue_dma source(%dma_start3A_265 : memref<40xi32, #tpu.memory_space<hbm>>) target(%dma_start3A_264 : memref<40xi32, #tpu.memory_space<vmem>>) target_semaphore(%arg20 : memref<!tpu.dma_semaphore, #tpu.memory_space<semaphore_mem>>)
    %scan3A_266 = arith.constant 0 : i32
    %scan3A_267 = arith.constant 249 : i32
    %scan3A_268 = arith.addi %scan3A_266, %scan3A_267 : i32
    %scan3A_269 = arith.constant 1 : i32
    scf.for %scan3A_353 = %scan3A_266 to %scan3A_268 step %scan3A_269  : i32 {
      %mul3A_354 = arith.constant 1 : i32
      %mul3A_355 = arith.muli %scan3A_353, %mul3A_354 : i32
      %add3A_356 = arith.constant 0 : i32
      %add3A_357 = arith.addi %add3A_356, %mul3A_355 : i32
      %mul3A_358 = arith.constant 2 : i32
      %mul3A_359 = arith.muli %add3A_357, %mul3A_358 : i32
      %add3A_360 = arith.constant 1 : i32
      %add3A_361 = arith.addi %mul3A_359, %add3A_360 : i32
      %dma_wait3A_362 = arith.constant 0 : i32
      %dma_wait3A_363 = arith.constant 0 : i32
      %dma_wait3A_364 = tpu.memref_slice %arg3[%dma_wait3A_362, %dma_wait3A_363] : memref<640000x128xf32, #tpu.memory_space<hbm>> -> memref<40x128xf32, #tpu.memory_space<hbm>>
      %dma_wait3A_365 = arith.constant 0 : i32
      %dma_wait3A_366 = arith.constant 0 : i32
      %dma_wait3A_367 = tpu.memref_slice %arg3[%dma_wait3A_365, %dma_wait3A_366] : memref<640000x128xf32, #tpu.memory_space<hbm>> -> memref<40x128xf32, #tpu.memory_space<hbm>>
      tpu.wait_dma2 semaphore(%arg23 : memref<!tpu.dma_semaphore, #tpu.memory_space<semaphore_mem>>) src(%dma_wait3A_367 : memref<40x128xf32, #tpu.memory_space<hbm>>) dst(%arg17 : memref<40x128xf32, #tpu.memory_space<vmem>>)
      %dma_wait3A_368 = arith.constant 0 : i32
      %dma_wait3A_369 = arith.constant 0 : i32
      %dma_wait3A_370 = tpu.memref_slice %arg14[%dma_wait3A_368, %dma_wait3A_369] : memref<1x40xi32, #tpu.memory_space<vmem>> -> memref<1x40xi32, #tpu.memory_space<vmem>>
      %dma_wait3A_371 = tpu.memref_squeeze %dma_wait3A_370 : memref<1x40xi32, #tpu.memory_space<vmem>> -> memref<40xi32, #tpu.memory_space<vmem>>
      %dma_wait3A_372 = arith.constant 0 : i32
      %dma_wait3A_373 = arith.constant 0 : i32
      %dma_wait3A_374 = tpu.memref_slice %arg2[%dma_wait3A_372, %dma_wait3A_373] : memref<10000x128xf32, #tpu.memory_space<hbm>> -> memref<10000x128xf32, #tpu.memory_space<hbm>>
      tpu.wait_indirect_dma semaphore(%arg25 : memref<!tpu.dma_semaphore, #tpu.memory_space<semaphore_mem>>) src(%dma_wait3A_374 : memref<10000x128xf32, #tpu.memory_space<hbm>>) dst(%arg18 : memref<40x128xf32, #tpu.memory_space<vmem>>)
      %scan3A_375 = arith.constant 0 : i32
      %scan3A_376 = arith.constant 40 : i32
      %scan3A_377 = arith.addi %scan3A_375, %scan3A_376 : i32
      %scan3A_378 = arith.constant 1 : i32
      scf.for %scan3A_581 = %scan3A_375 to %scan3A_377 step %scan3A_378  : i32 {
        %mul3A_582 = arith.constant 1 : i32
        %mul3A_583 = arith.muli %scan3A_581, %mul3A_582 : i32
        %add3A_584 = arith.constant 0 : i32
        %add3A_585 = arith.addi %add3A_584, %mul3A_583 : i32
        %get3A_586 = arith.index_cast %add3A_585 : i32 to index
        %get3A_587 = arith.constant 0 : index
        %get3A_588 = tpu.vector_load %arg17[%get3A_586, %get3A_587] {strides = array<i32>} : memref<40x128xf32, #tpu.memory_space<vmem>>, vector<16xf32>,
        %get3A_589 = arith.index_cast %add3A_585 : i32 to index
        %get3A_590 = arith.constant 0 : index
        %get3A_591 = tpu.vector_load %arg18[%get3A_589, %get3A_590] {strides = array<i32>} : memref<40x128xf32, #tpu.memory_space<vmem>>, vector<16xf32>,
        %add3A_592 = arith.addf %get3A_588, %get3A_591 : vector<16xf32>
        %max3A = arith.constant 0.000000e+00 : f32
        %max3A_593 = vector.broadcast %max3A : f32 to vector<16xf32>
        %max3A_594 = arith.maximumf %add3A_592, %max3A_593 : vector<16xf32>
        %swap3A_595 = arith.index_cast %add3A_585 : i32 to index
        %swap3A_596 = arith.constant 0 : index
        %swap3A_597 = tpu.vector_load %arg17[%swap3A_595, %swap3A_596] {strides = array<i32>} : memref<40x128xf32, #tpu.memory_space<vmem>>, vector<16xf32>,
        tpu.vector_store %arg17[%swap3A_595, %swap3A_596], %max3A_594 {strides = array<i32>} : memref<40x128xf32, #tpu.memory_space<vmem>>, vector<16xf32>,
        %get3A_598 = arith.index_cast %add3A_585 : i32 to index
        %get3A_599 = arith.constant 16 : index
        %get3A_600 = tpu.vector_load %arg17[%get3A_598, %get3A_599] {strides = array<i32>} : memref<40x128xf32, #tpu.memory_space<vmem>>, vector<16xf32>,
        %get3A_601 = arith.index_cast %add3A_585 : i32 to index
        %get3A_602 = arith.constant 16 : index
        %get3A_603 = tpu.vector_load %arg18[%get3A_601, %get3A_602] {strides = array<i32>} : memref<40x128xf32, #tpu.memory_space<vmem>>, vector<16xf32>,
        %add3A_604 = arith.addf %get3A_600, %get3A_603 : vector<16xf32>
        %max3A_605 = arith.constant 0.000000e+00 : f32
        %max3A_606 = vector.broadcast %max3A_605 : f32 to vector<16xf32>
        %max3A_607 = arith.maximumf %add3A_604, %max3A_606 : vector<16xf32>
        %swap3A_608 = arith.index_cast %add3A_585 : i32 to index
        %swap3A_609 = arith.constant 16 : index
        %swap3A_610 = tpu.vector_load %arg17[%swap3A_608, %swap3A_609] {strides = array<i32>} : memref<40x128xf32, #tpu.memory_space<vmem>>, vector<16xf32>,
        tpu.vector_store %arg17[%swap3A_608, %swap3A_609], %max3A_607 {strides = array<i32>} : memref<40x128xf32, #tpu.memory_space<vmem>>, vector<16xf32>,
        %get3A_611 = arith.index_cast %add3A_585 : i32 to index
        %get3A_612 = arith.constant 32 : index
        %get3A_613 = tpu.vector_load %arg17[%get3A_611, %get3A_612] {strides = array<i32>} : memref<40x128xf32, #tpu.memory_space<vmem>>, vector<16xf32>,
        %get3A_614 = arith.index_cast %add3A_585 : i32 to index
        %get3A_615 = arith.constant 32 : index
        %get3A_616 = tpu.vector_load %arg18[%get3A_614, %get3A_615] {strides = array<i32>} : memref<40x128xf32, #tpu.memory_space<vmem>>, vector<16xf32>,
        %add3A_617 = arith.addf %get3A_613, %get3A_616 : vector<16xf32>
        %max3A_618 = arith.constant 0.000000e+00 : f32
        %max3A_619 = vector.broadcast %max3A_618 : f32 to vector<16xf32>
        %max3A_620 = arith.maximumf %add3A_617, %max3A_619 : vector<16xf32>
        %swap3A_621 = arith.index_cast %add3A_585 : i32 to index
        %swap3A_622 = arith.constant 32 : index
        %swap3A_623 = tpu.vector_load %arg17[%swap3A_621, %swap3A_622] {strides = array<i32>} : memref<40x128xf32, #tpu.memory_space<vmem>>, vector<16xf32>,
        tpu.vector_store %arg17[%swap3A_621, %swap3A_622], %max3A_620 {strides = array<i32>} : memref<40x128xf32, #tpu.memory_space<vmem>>, vector<16xf32>,
        %get3A_624 = arith.index_cast %add3A_585 : i32 to index
        %get3A_625 = arith.constant 48 : index
        %get3A_626 = tpu.vector_load %arg17[%get3A_624, %get3A_625] {strides = array<i32>} : memref<40x128xf32, #tpu.memory_space<vmem>>, vector<16xf32>,
        %get3A_627 = arith.index_cast %add3A_585 : i32 to index
        %get3A_628 = arith.constant 48 : index
        %get3A_629 = tpu.vector_load %arg18[%get3A_627, %get3A_628] {strides = array<i32>} : memref<40x128xf32, #tpu.memory_space<vmem>>, vector<16xf32>,
        %add3A_630 = arith.addf %get3A_626, %get3A_629 : vector<16xf32>
        %max3A_631 = arith.constant 0.000000e+00 : f32
        %max3A_632 = vector.broadcast %max3A_631 : f32 to vector<16xf32>
        %max3A_633 = arith.maximumf %add3A_630, %max3A_632 : vector<16xf32>
        %swap3A_634 = arith.index_cast %add3A_585 : i32 to index
        %swap3A_635 = arith.constant 48 : index
        %swap3A_636 = tpu.vector_load %arg17[%swap3A_634, %swap3A_635] {strides = array<i32>} : memref<40x128xf32, #tpu.memory_space<vmem>>, vector<16xf32>,
        tpu.vector_store %arg17[%swap3A_634, %swap3A_635], %max3A_633 {strides = array<i32>} : memref<40x128xf32, #tpu.memory_space<vmem>>, vector<16xf32>,
        %get3A_637 = arith.index_cast %add3A_585 : i32 to index
        %get3A_638 = arith.constant 64 : index
        %get3A_639 = tpu.vector_load %arg17[%get3A_637, %get3A_638] {strides = array<i32>} : memref<40x128xf32, #tpu.memory_space<vmem>>, vector<16xf32>,
        %get3A_640 = arith.index_cast %add3A_585 : i32 to index
        %get3A_641 = arith.constant 64 : index
        %get3A_642 = tpu.vector_load %arg18[%get3A_640, %get3A_641] {strides = array<i32>} : memref<40x128xf32, #tpu.memory_space<vmem>>, vector<16xf32>,
        %add3A_643 = arith.addf %get3A_639, %get3A_642 : vector<16xf32>
        %max3A_644 = arith.constant 0.000000e+00 : f32
        %max3A_645 = vector.broadcast %max3A_644 : f32 to vector<16xf32>
        %max3A_646 = arith.maximumf %add3A_643, %max3A_645 : vector<16xf32>
        %swap3A_647 = arith.index_cast %add3A_585 : i32 to index
        %swap3A_648 = arith.constant 64 : index
        %swap3A_649 = tpu.vector_load %arg17[%swap3A_647, %swap3A_648] {strides = array<i32>} : memref<40x128xf32, #tpu.memory_space<vmem>>, vector<16xf32>,
        tpu.vector_store %arg17[%swap3A_647, %swap3A_648], %max3A_646 {strides = array<i32>} : memref<40x128xf32, #tpu.memory_space<vmem>>, vector<16xf32>,
        %get3A_650 = arith.index_cast %add3A_585 : i32 to index
        %get3A_651 = arith.constant 80 : index
        %get3A_652 = tpu.vector_load %arg17[%get3A_650, %get3A_651] {strides = array<i32>} : memref<40x128xf32, #tpu.memory_space<vmem>>, vector<16xf32>,
        %get3A_653 = arith.index_cast %add3A_585 : i32 to index
        %get3A_654 = arith.constant 80 : index
        %get3A_655 = tpu.vector_load %arg18[%get3A_653, %get3A_654] {strides = array<i32>} : memref<40x128xf32, #tpu.memory_space<vmem>>, vector<16xf32>,
        %add3A_656 = arith.addf %get3A_652, %get3A_655 : vector<16xf32>
        %max3A_657 = arith.constant 0.000000e+00 : f32
        %max3A_658 = vector.broadcast %max3A_657 : f32 to vector<16xf32>
        %max3A_659 = arith.maximumf %add3A_656, %max3A_658 : vector<16xf32>
        %swap3A_660 = arith.index_cast %add3A_585 : i32 to index
        %swap3A_661 = arith.constant 80 : index
        %swap3A_662 = tpu.vector_load %arg17[%swap3A_660, %swap3A_661] {strides = array<i32>} : memref<40x128xf32, #tpu.memory_space<vmem>>, vector<16xf32>,
        tpu.vector_store %arg17[%swap3A_660, %swap3A_661], %max3A_659 {strides = array<i32>} : memref<40x128xf32, #tpu.memory_space<vmem>>, vector<16xf32>,
        %get3A_663 = arith.index_cast %add3A_585 : i32 to index
        %get3A_664 = arith.constant 96 : index
        %get3A_665 = tpu.vector_load %arg17[%get3A_663, %get3A_664] {strides = array<i32>} : memref<40x128xf32, #tpu.memory_space<vmem>>, vector<16xf32>,
        %get3A_666 = arith.index_cast %add3A_585 : i32 to index
        %get3A_667 = arith.constant 96 : index
        %get3A_668 = tpu.vector_load %arg18[%get3A_666, %get3A_667] {strides = array<i32>} : memref<40x128xf32, #tpu.memory_space<vmem>>, vector<16xf32>,
        %add3A_669 = arith.addf %get3A_665, %get3A_668 : vector<16xf32>
        %max3A_670 = arith.constant 0.000000e+00 : f32
        %max3A_671 = vector.broadcast %max3A_670 : f32 to vector<16xf32>
        %max3A_672 = arith.maximumf %add3A_669, %max3A_671 : vector<16xf32>
        %swap3A_673 = arith.index_cast %add3A_585 : i32 to index
        %swap3A_674 = arith.constant 96 : index
        %swap3A_675 = tpu.vector_load %arg17[%swap3A_673, %swap3A_674] {strides = array<i32>} : memref<40x128xf32, #tpu.memory_space<vmem>>, vector<16xf32>,
        tpu.vector_store %arg17[%swap3A_673, %swap3A_674], %max3A_672 {strides = array<i32>} : memref<40x128xf32, #tpu.memory_space<vmem>>, vector<16xf32>,
        %get3A_676 = arith.index_cast %add3A_585 : i32 to index
        %get3A_677 = arith.constant 112 : index
        %get3A_678 = tpu.vector_load %arg17[%get3A_676, %get3A_677] {strides = array<i32>} : memref<40x128xf32, #tpu.memory_space<vmem>>, vector<16xf32>,
        %get3A_679 = arith.index_cast %add3A_585 : i32 to index
        %get3A_680 = arith.constant 112 : index
        %get3A_681 = tpu.vector_load %arg18[%get3A_679, %get3A_680] {strides = array<i32>} : memref<40x128xf32, #tpu.memory_space<vmem>>, vector<16xf32>,
        %add3A_682 = arith.addf %get3A_678, %get3A_681 : vector<16xf32>
        %max3A_683 = arith.constant 0.000000e+00 : f32
        %max3A_684 = vector.broadcast %max3A_683 : f32 to vector<16xf32>
        %max3A_685 = arith.maximumf %add3A_682, %max3A_684 : vector<16xf32>
        %swap3A_686 = arith.index_cast %add3A_585 : i32 to index
        %swap3A_687 = arith.constant 112 : index
        %swap3A_688 = tpu.vector_load %arg17[%swap3A_686, %swap3A_687] {strides = array<i32>} : memref<40x128xf32, #tpu.memory_space<vmem>>, vector<16xf32>,
        tpu.vector_store %arg17[%swap3A_686, %swap3A_687], %max3A_685 {strides = array<i32>} : memref<40x128xf32, #tpu.memory_space<vmem>>, vector<16xf32>,
      }
      %scan3A_379 = arith.constant 40 : i32
      %get3A_380 = arith.constant 0 : i32
      %get3A_381 = arith.index_cast %get3A_380 : i32 to index
      %get3A_382 = arith.constant 0 : index
      %get3A_383 = tpu.vector_load %arg15[%get3A_381, %get3A_382] {strides = array<i32>} : memref<1x40xi32, #tpu.memory_space<vmem>>, vector<16xi32>,
      %swap3A_384 = arith.constant 0 : i32
      %swap3A_385 = arith.index_cast %swap3A_384 : i32 to index
      %swap3A_386 = arith.constant 0 : index
      %swap3A_387 = tpu.vector_load %arg16[%swap3A_385, %swap3A_386] {strides = array<i32>} : memref<1x40xi32, #tpu.memory_space<vmem>>, vector<16xi32>,
      tpu.vector_store %arg16[%swap3A_385, %swap3A_386], %get3A_383 {strides = array<i32>} : memref<1x40xi32, #tpu.memory_space<vmem>>, vector<16xi32>,
      tpu.vector_store_idx %arg19[%get3A_383], %broadcast_in_dim3A_3 {add = true} : memref<10112xf32, #tpu.memory_space<vmem>>[vector<16xi32>], vector<16xf32>,
      %get3A_388 = arith.constant 0 : i32
      %get3A_389 = arith.index_cast %get3A_388 : i32 to index
      %get3A_390 = arith.constant 16 : index
      %get3A_391 = tpu.vector_load %arg15[%get3A_389, %get3A_390] {strides = array<i32>} : memref<1x40xi32, #tpu.memory_space<vmem>>, vector<16xi32>,
      %swap3A_392 = arith.constant 0 : i32
      %swap3A_393 = arith.index_cast %swap3A_392 : i32 to index
      %swap3A_394 = arith.constant 16 : index
      %swap3A_395 = tpu.vector_load %arg16[%swap3A_393, %swap3A_394] {strides = array<i32>} : memref<1x40xi32, #tpu.memory_space<vmem>>, vector<16xi32>,
      tpu.vector_store %arg16[%swap3A_393, %swap3A_394], %get3A_391 {strides = array<i32>} : memref<1x40xi32, #tpu.memory_space<vmem>>, vector<16xi32>,
      tpu.vector_store_idx %arg19[%get3A_391], %broadcast_in_dim3A_3 {add = true} : memref<10112xf32, #tpu.memory_space<vmem>>[vector<16xi32>], vector<16xf32>,
      %get3A_396 = arith.constant 0 : i32
      %get3A_397 = arith.index_cast %get3A_396 : i32 to index
      %get3A_398 = arith.constant 24 : index
      %get3A_399 = tpu.vector_load %arg15[%get3A_397, %get3A_398] {strides = array<i32>} : memref<1x40xi32, #tpu.memory_space<vmem>>, vector<16xi32>,
      %swap3A_400 = arith.constant 0 : i32
      %swap3A_401 = arith.index_cast %swap3A_400 : i32 to index
      %swap3A_402 = arith.constant 24 : index
      %swap3A_403 = tpu.vector_load %arg16[%swap3A_401, %swap3A_402] {strides = array<i32>} : memref<1x40xi32, #tpu.memory_space<vmem>>, vector<16xi32>,
      tpu.vector_store %arg16[%swap3A_401, %swap3A_402], %get3A_399 {strides = array<i32>} : memref<1x40xi32, #tpu.memory_space<vmem>>, vector<16xi32>,
      tpu.vector_store_idx %arg19[%get3A_399], %broadcast_in_dim3A_3 masked %ge3A_80 {add = true} : memref<10112xf32, #tpu.memory_space<vmem>>[vector<16xi32>], vector<16xf32>, vector<16xi1>
      %dma_start3A_404 = arith.constant 0 : i32
      %dma_start3A_405 = arith.constant 0 : i32
      %dma_start3A_406 = tpu.memref_slice %arg16[%dma_start3A_404, %dma_start3A_405] : memref<1x40xi32, #tpu.memory_space<vmem>> -> memref<1x40xi32, #tpu.memory_space<vmem>>
      %dma_start3A_407 = tpu.memref_squeeze %dma_start3A_406 : memref<1x40xi32, #tpu.memory_space<vmem>> -> memref<40xi32, #tpu.memory_space<vmem>>
      %dma_start3A_408 = arith.constant 0 : i32
      %dma_start3A_409 = arith.constant 0 : i32
      %dma_start3A_410 = tpu.memref_slice %arg8[%dma_start3A_408, %dma_start3A_409] : memref<10112x128xf32, #tpu.memory_space<vmem_shared>> -> memref<10112x128xf32, #tpu.memory_space<vmem_shared>>
      tpu.enqueue_indirect_dma source(%arg17 : memref<40x128xf32, #tpu.memory_space<vmem>>) target(%dma_start3A_410 : memref<10112x128xf32, #tpu.memory_space<vmem_shared>>) offsets(%dma_start3A_407 : memref<40xi32, #tpu.memory_space<vmem>>) semaphore(%arg27 : memref<!tpu.dma_semaphore, #tpu.memory_space<semaphore_mem>>) {add = true}
      %dma_wait3A_411 = arith.constant 0 : i32
      %dma_wait3A_412 = arith.constant 0 : i32
      %dma_wait3A_413 = tpu.memref_slice %arg11[%dma_wait3A_411, %dma_wait3A_412] : memref<1x40xi32, #tpu.memory_space<vmem>> -> memref<1x40xi32, #tpu.memory_space<vmem>>
      %dma_wait3A_414 = tpu.memref_squeeze %dma_wait3A_413 : memref<1x40xi32, #tpu.memory_space<vmem>> -> memref<40xi32, #tpu.memory_space<vmem>>
      %dma_wait3A_415 = arith.constant 0 : i32
      %dma_wait3A_416 = arith.constant 0 : i32
      %dma_wait3A_417 = tpu.memref_slice %arg8[%dma_wait3A_415, %dma_wait3A_416] : memref<10112x128xf32, #tpu.memory_space<vmem_shared>> -> memref<10112x128xf32, #tpu.memory_space<vmem_shared>>
      tpu.wait_indirect_dma semaphore(%arg26 : memref<!tpu.dma_semaphore, #tpu.memory_space<semaphore_mem>>) src(%arg12 : memref<40x128xf32, #tpu.memory_space<vmem>>) dst(%dma_wait3A_417 : memref<10112x128xf32, #tpu.memory_space<vmem_shared>>)
      %dma_wait3A_418 = arith.constant 0 : i32
      %dma_wait3A_419 = arith.constant 0 : i32
      %dma_wait3A_420 = tpu.memref_slice %arg9[%dma_wait3A_418, %dma_wait3A_419] : memref<1x40xi32, #tpu.memory_space<vmem>> -> memref<1x40xi32, #tpu.memory_space<vmem>>
      %dma_wait3A_421 = tpu.memref_squeeze %dma_wait3A_420 : memref<1x40xi32, #tpu.memory_space<vmem>> -> memref<40xi32, #tpu.memory_space<vmem>>
      %dma_wait3A_422 = arith.constant 0 : i32
      %dma_wait3A_423 = tpu.memref_slice %arg4[%dma_wait3A_422] : memref<640000xi32, #tpu.memory_space<hbm>> -> memref<40xi32, #tpu.memory_space<hbm>>
      %dma_wait3A_424 = arith.constant 0 : i32
      %dma_wait3A_425 = tpu.memref_slice %arg9[%dma_wait3A_418, %dma_wait3A_424] : memref<1x40xi32, #tpu.memory_space<vmem>> -> memref<1x40xi32, #tpu.memory_space<vmem>>
      %dma_wait3A_426 = tpu.memref_squeeze %dma_wait3A_425 : memref<1x40xi32, #tpu.memory_space<vmem>> -> memref<40xi32, #tpu.memory_space<vmem>>
      %dma_wait3A_427 = arith.constant 0 : i32
      %dma_wait3A_428 = tpu.memref_slice %arg4[%dma_wait3A_427] : memref<640000xi32, #tpu.memory_space<hbm>> -> memref<40xi32, #tpu.memory_space<hbm>>
      tpu.wait_dma2 semaphore(%arg20 : memref<!tpu.dma_semaphore, #tpu.memory_space<semaphore_mem>>) src(%dma_wait3A_428 : memref<40xi32, #tpu.memory_space<hbm>>) dst(%dma_wait3A_426 : memref<40xi32, #tpu.memory_space<vmem>>)
      %dma_wait3A_429 = arith.constant 0 : i32
      %dma_wait3A_430 = arith.constant 0 : i32
      %dma_wait3A_431 = tpu.memref_slice %arg10[%dma_wait3A_429, %dma_wait3A_430] : memref<1x40xi32, #tpu.memory_space<vmem>> -> memref<1x40xi32, #tpu.memory_space<vmem>>
      %dma_wait3A_432 = tpu.memref_squeeze %dma_wait3A_431 : memref<1x40xi32, #tpu.memory_space<vmem>> -> memref<40xi32, #tpu.memory_space<vmem>>
      %dma_wait3A_433 = arith.constant 0 : i32
      %dma_wait3A_434 = tpu.memref_slice %arg5[%dma_wait3A_433] : memref<640000xi32, #tpu.memory_space<hbm>> -> memref<40xi32, #tpu.memory_space<hbm>>
      %dma_wait3A_435 = arith.constant 0 : i32
      %dma_wait3A_436 = tpu.memref_slice %arg10[%dma_wait3A_429, %dma_wait3A_435] : memref<1x40xi32, #tpu.memory_space<vmem>> -> memref<1x40xi32, #tpu.memory_space<vmem>>
      %dma_wait3A_437 = tpu.memref_squeeze %dma_wait3A_436 : memref<1x40xi32, #tpu.memory_space<vmem>> -> memref<40xi32, #tpu.memory_space<vmem>>
      %dma_wait3A_438 = arith.constant 0 : i32
      %dma_wait3A_439 = tpu.memref_slice %arg5[%dma_wait3A_438] : memref<640000xi32, #tpu.memory_space<hbm>> -> memref<40xi32, #tpu.memory_space<hbm>>
      tpu.wait_dma2 semaphore(%arg20 : memref<!tpu.dma_semaphore, #tpu.memory_space<semaphore_mem>>) src(%dma_wait3A_439 : memref<40xi32, #tpu.memory_space<hbm>>) dst(%dma_wait3A_437 : memref<40xi32, #tpu.memory_space<vmem>>)
      %add3A_440 = arith.constant 1 : i32
      %add3A_441 = arith.addi %add3A_361, %add3A_440 : i32
      %mul3A_442 = arith.constant 20000 : i32
      %mul3A_443 = arith.muli %add3A, %mul3A_442 : i32
      %mul3A_444 = arith.constant 40 : i32
      %mul3A_445 = arith.muli %add3A_441, %mul3A_444 : i32
      %add3A_446 = arith.addi %mul3A_443, %mul3A_445 : i32
      %dma_start3A_447 = arith.constant 0 : i32
      %dma_start3A_448 = tpu.memref_slice %arg3[%add3A_446, %dma_start3A_447] : memref<640000x128xf32, #tpu.memory_space<hbm>> -> memref<40x128xf32, #tpu.memory_space<hbm>>
      %dma_start3A_449 = arith.constant 0 : i32
      %dma_start3A_450 = tpu.memref_slice %arg3[%add3A_446, %dma_start3A_449] : memref<640000x128xf32, #tpu.memory_space<hbm>> -> memref<40x128xf32, #tpu.memory_space<hbm>>
      tpu.enqueue_dma source(%dma_start3A_450 : memref<40x128xf32, #tpu.memory_space<hbm>>) target(%arg12 : memref<40x128xf32, #tpu.memory_space<vmem>>) target_semaphore(%arg22 : memref<!tpu.dma_semaphore, #tpu.memory_space<semaphore_mem>>)
      %dma_start3A_451 = arith.constant 0 : i32
      %dma_start3A_452 = arith.constant 0 : i32
      %dma_start3A_453 = tpu.memref_slice %arg9[%dma_start3A_451, %dma_start3A_452] : memref<1x40xi32, #tpu.memory_space<vmem>> -> memref<1x40xi32, #tpu.memory_space<vmem>>
      %dma_start3A_454 = tpu.memref_squeeze %dma_start3A_453 : memref<1x40xi32, #tpu.memory_space<vmem>> -> memref<40xi32, #tpu.memory_space<vmem>>
      %dma_start3A_455 = arith.constant 0 : i32
      %dma_start3A_456 = arith.constant 0 : i32
      %dma_start3A_457 = tpu.memref_slice %arg2[%dma_start3A_455, %dma_start3A_456] : memref<10000x128xf32, #tpu.memory_space<hbm>> -> memref<10000x128xf32, #tpu.memory_space<hbm>>
      tpu.enqueue_indirect_dma source(%dma_start3A_457 : memref<10000x128xf32, #tpu.memory_space<hbm>>) target(%arg13 : memref<40x128xf32, #tpu.memory_space<vmem>>) offsets(%dma_start3A_454 : memref<40xi32, #tpu.memory_space<vmem>>) semaphore(%arg24 : memref<!tpu.dma_semaphore, #tpu.memory_space<semaphore_mem>>)
      %add3A_458 = arith.constant 2 : i32
      %add3A_459 = arith.addi %add3A_361, %add3A_458 : i32
      %mul3A_460 = arith.constant 20000 : i32
      %mul3A_461 = arith.muli %add3A, %mul3A_460 : i32
      %mul3A_462 = arith.constant 40 : i32
      %mul3A_463 = arith.muli %add3A_459, %mul3A_462 : i32
      %add3A_464 = arith.addi %mul3A_461, %mul3A_463 : i32
      %dma_start3A_465 = arith.constant 0 : i32
      %dma_start3A_466 = arith.constant 0 : i32
      %dma_start3A_467 = tpu.memref_slice %arg14[%dma_start3A_465, %dma_start3A_466] : memref<1x40xi32, #tpu.memory_space<vmem>> -> memref<1x40xi32, #tpu.memory_space<vmem>>
      %dma_start3A_468 = tpu.memref_squeeze %dma_start3A_467 : memref<1x40xi32, #tpu.memory_space<vmem>> -> memref<40xi32, #tpu.memory_space<vmem>>
      %dma_start3A_469 = tpu.memref_slice %arg4[%add3A_464] : memref<640000xi32, #tpu.memory_space<hbm>> -> memref<40xi32, #tpu.memory_space<hbm>>
      %dma_start3A_470 = arith.constant 0 : i32
      %dma_start3A_471 = tpu.memref_slice %arg14[%dma_start3A_465, %dma_start3A_470] : memref<1x40xi32, #tpu.memory_space<vmem>> -> memref<1x40xi32, #tpu.memory_space<vmem>>
      %dma_start3A_472 = tpu.memref_squeeze %dma_start3A_471 : memref<1x40xi32, #tpu.memory_space<vmem>> -> memref<40xi32, #tpu.memory_space<vmem>>
      %dma_start3A_473 = tpu.memref_slice %arg4[%add3A_464] : memref<640000xi32, #tpu.memory_space<hbm>> -> memref<40xi32, #tpu.memory_space<hbm>>
      tpu.enqueue_dma source(%dma_start3A_473 : memref<40xi32, #tpu.memory_space<hbm>>) target(%dma_start3A_472 : memref<40xi32, #tpu.memory_space<vmem>>) target_semaphore(%arg21 : memref<!tpu.dma_semaphore, #tpu.memory_space<semaphore_mem>>)
      %dma_start3A_474 = arith.constant 0 : i32
      %dma_start3A_475 = arith.constant 0 : i32
      %dma_start3A_476 = tpu.memref_slice %arg15[%dma_start3A_474, %dma_start3A_475] : memref<1x40xi32, #tpu.memory_space<vmem>> -> memref<1x40xi32, #tpu.memory_space<vmem>>
      %dma_start3A_477 = tpu.memref_squeeze %dma_start3A_476 : memref<1x40xi32, #tpu.memory_space<vmem>> -> memref<40xi32, #tpu.memory_space<vmem>>
      %dma_start3A_478 = tpu.memref_slice %arg5[%add3A_464] : memref<640000xi32, #tpu.memory_space<hbm>> -> memref<40xi32, #tpu.memory_space<hbm>>
      %dma_start3A_479 = arith.constant 0 : i32
      %dma_start3A_480 = tpu.memref_slice %arg15[%dma_start3A_474, %dma_start3A_479] : memref<1x40xi32, #tpu.memory_space<vmem>> -> memref<1x40xi32, #tpu.memory_space<vmem>>
      %dma_start3A_481 = tpu.memref_squeeze %dma_start3A_480 : memref<1x40xi32, #tpu.memory_space<vmem>> -> memref<40xi32, #tpu.memory_space<vmem>>
      %dma_start3A_482 = tpu.memref_slice %arg5[%add3A_464] : memref<640000xi32, #tpu.memory_space<hbm>> -> memref<40xi32, #tpu.memory_space<hbm>>
      tpu.enqueue_dma source(%dma_start3A_482 : memref<40xi32, #tpu.memory_space<hbm>>) target(%dma_start3A_481 : memref<40xi32, #tpu.memory_space<vmem>>) target_semaphore(%arg21 : memref<!tpu.dma_semaphore, #tpu.memory_space<semaphore_mem>>)
      %dma_wait3A_483 = arith.constant 0 : i32
      %dma_wait3A_484 = arith.constant 0 : i32
      %dma_wait3A_485 = tpu.memref_slice %arg3[%dma_wait3A_483, %dma_wait3A_484] : memref<640000x128xf32, #tpu.memory_space<hbm>> -> memref<40x128xf32, #tpu.memory_space<hbm>>
      %dma_wait3A_486 = arith.constant 0 : i32
      %dma_wait3A_487 = arith.constant 0 : i32
      %dma_wait3A_488 = tpu.memref_slice %arg3[%dma_wait3A_486, %dma_wait3A_487] : memref<640000x128xf32, #tpu.memory_space<hbm>> -> memref<40x128xf32, #tpu.memory_space<hbm>>
      tpu.wait_dma2 semaphore(%arg22 : memref<!tpu.dma_semaphore, #tpu.memory_space<semaphore_mem>>) src(%dma_wait3A_488 : memref<40x128xf32, #tpu.memory_space<hbm>>) dst(%arg12 : memref<40x128xf32, #tpu.memory_space<vmem>>)
      %dma_wait3A_489 = arith.constant 0 : i32
      %dma_wait3A_490 = arith.constant 0 : i32
      %dma_wait3A_491 = tpu.memref_slice %arg9[%dma_wait3A_489, %dma_wait3A_490] : memref<1x40xi32, #tpu.memory_space<vmem>> -> memref<1x40xi32, #tpu.memory_space<vmem>>
      %dma_wait3A_492 = tpu.memref_squeeze %dma_wait3A_491 : memref<1x40xi32, #tpu.memory_space<vmem>> -> memref<40xi32, #tpu.memory_space<vmem>>
      %dma_wait3A_493 = arith.constant 0 : i32
      %dma_wait3A_494 = arith.constant 0 : i32
      %dma_wait3A_495 = tpu.memref_slice %arg2[%dma_wait3A_493, %dma_wait3A_494] : memref<10000x128xf32, #tpu.memory_space<hbm>> -> memref<10000x128xf32, #tpu.memory_space<hbm>>
      tpu.wait_indirect_dma semaphore(%arg24 : memref<!tpu.dma_semaphore, #tpu.memory_space<semaphore_mem>>) src(%dma_wait3A_495 : memref<10000x128xf32, #tpu.memory_space<hbm>>) dst(%arg13 : memref<40x128xf32, #tpu.memory_space<vmem>>)
      %scan3A_496 = arith.constant 0 : i32
      %scan3A_497 = arith.constant 40 : i32
      %scan3A_498 = arith.addi %scan3A_496, %scan3A_497 : i32
      %scan3A_499 = arith.constant 1 : i32
      scf.for %scan3A_581 = %scan3A_496 to %scan3A_498 step %scan3A_499  : i32 {
        %mul3A_582 = arith.constant 1 : i32
        %mul3A_583 = arith.muli %scan3A_581, %mul3A_582 : i32
        %add3A_584 = arith.constant 0 : i32
        %add3A_585 = arith.addi %add3A_584, %mul3A_583 : i32
        %get3A_586 = arith.index_cast %add3A_585 : i32 to index
        %get3A_587 = arith.constant 0 : index
        %get3A_588 = tpu.vector_load %arg12[%get3A_586, %get3A_587] {strides = array<i32>} : memref<40x128xf32, #tpu.memory_space<vmem>>, vector<16xf32>,
        %get3A_589 = arith.index_cast %add3A_585 : i32 to index
        %get3A_590 = arith.constant 0 : index
        %get3A_591 = tpu.vector_load %arg13[%get3A_589, %get3A_590] {strides = array<i32>} : memref<40x128xf32, #tpu.memory_space<vmem>>, vector<16xf32>,
        %add3A_592 = arith.addf %get3A_588, %get3A_591 : vector<16xf32>
        %max3A = arith.constant 0.000000e+00 : f32
        %max3A_593 = vector.broadcast %max3A : f32 to vector<16xf32>
        %max3A_594 = arith.maximumf %add3A_592, %max3A_593 : vector<16xf32>
        %swap3A_595 = arith.index_cast %add3A_585 : i32 to index
        %swap3A_596 = arith.constant 0 : index
        %swap3A_597 = tpu.vector_load %arg12[%swap3A_595, %swap3A_596] {strides = array<i32>} : memref<40x128xf32, #tpu.memory_space<vmem>>, vector<16xf32>,
        tpu.vector_store %arg12[%swap3A_595, %swap3A_596], %max3A_594 {strides = array<i32>} : memref<40x128xf32, #tpu.memory_space<vmem>>, vector<16xf32>,
        %get3A_598 = arith.index_cast %add3A_585 : i32 to index
        %get3A_599 = arith.constant 16 : index
        %get3A_600 = tpu.vector_load %arg12[%get3A_598, %get3A_599] {strides = array<i32>} : memref<40x128xf32, #tpu.memory_space<vmem>>, vector<16xf32>,
        %get3A_601 = arith.index_cast %add3A_585 : i32 to index
        %get3A_602 = arith.constant 16 : index
        %get3A_603 = tpu.vector_load %arg13[%get3A_601, %get3A_602] {strides = array<i32>} : memref<40x128xf32, #tpu.memory_space<vmem>>, vector<16xf32>,
        %add3A_604 = arith.addf %get3A_600, %get3A_603 : vector<16xf32>
        %max3A_605 = arith.constant 0.000000e+00 : f32
        %max3A_606 = vector.broadcast %max3A_605 : f32 to vector<16xf32>
        %max3A_607 = arith.maximumf %add3A_604, %max3A_606 : vector<16xf32>
        %swap3A_608 = arith.index_cast %add3A_585 : i32 to index
        %swap3A_609 = arith.constant 16 : index
        %swap3A_610 = tpu.vector_load %arg12[%swap3A_608, %swap3A_609] {strides = array<i32>} : memref<40x128xf32, #tpu.memory_space<vmem>>, vector<16xf32>,
        tpu.vector_store %arg12[%swap3A_608, %swap3A_609], %max3A_607 {strides = array<i32>} : memref<40x128xf32, #tpu.memory_space<vmem>>, vector<16xf32>,
        %get3A_611 = arith.index_cast %add3A_585 : i32 to index
        %get3A_612 = arith.constant 32 : index
        %get3A_613 = tpu.vector_load %arg12[%get3A_611, %get3A_612] {strides = array<i32>} : memref<40x128xf32, #tpu.memory_space<vmem>>, vector<16xf32>,
        %get3A_614 = arith.index_cast %add3A_585 : i32 to index
        %get3A_615 = arith.constant 32 : index
        %get3A_616 = tpu.vector_load %arg13[%get3A_614, %get3A_615] {strides = array<i32>} : memref<40x128xf32, #tpu.memory_space<vmem>>, vector<16xf32>,
        %add3A_617 = arith.addf %get3A_613, %get3A_616 : vector<16xf32>
        %max3A_618 = arith.constant 0.000000e+00 : f32
        %max3A_619 = vector.broadcast %max3A_618 : f32 to vector<16xf32>
        %max3A_620 = arith.maximumf %add3A_617, %max3A_619 : vector<16xf32>
        %swap3A_621 = arith.index_cast %add3A_585 : i32 to index
        %swap3A_622 = arith.constant 32 : index
        %swap3A_623 = tpu.vector_load %arg12[%swap3A_621, %swap3A_622] {strides = array<i32>} : memref<40x128xf32, #tpu.memory_space<vmem>>, vector<16xf32>,
        tpu.vector_store %arg12[%swap3A_621, %swap3A_622], %max3A_620 {strides = array<i32>} : memref<40x128xf32, #tpu.memory_space<vmem>>, vector<16xf32>,
        %get3A_624 = arith.index_cast %add3A_585 : i32 to index
        %get3A_625 = arith.constant 48 : index
        %get3A_626 = tpu.vector_load %arg12[%get3A_624, %get3A_625] {strides = array<i32>} : memref<40x128xf32, #tpu.memory_space<vmem>>, vector<16xf32>,
        %get3A_627 = arith.index_cast %add3A_585 : i32 to index
        %get3A_628 = arith.constant 48 : index
        %get3A_629 = tpu.vector_load %arg13[%get3A_627, %get3A_628] {strides = array<i32>} : memref<40x128xf32, #tpu.memory_space<vmem>>, vector<16xf32>,
        %add3A_630 = arith.addf %get3A_626, %get3A_629 : vector<16xf32>
        %max3A_631 = arith.constant 0.000000e+00 : f32
        %max3A_632 = vector.broadcast %max3A_631 : f32 to vector<16xf32>
        %max3A_633 = arith.maximumf %add3A_630, %max3A_632 : vector<16xf32>
        %swap3A_634 = arith.index_cast %add3A_585 : i32 to index
        %swap3A_635 = arith.constant 48 : index
        %swap3A_636 = tpu.vector_load %arg12[%swap3A_634, %swap3A_635] {strides = array<i32>} : memref<40x128xf32, #tpu.memory_space<vmem>>, vector<16xf32>,
        tpu.vector_store %arg12[%swap3A_634, %swap3A_635], %max3A_633 {strides = array<i32>} : memref<40x128xf32, #tpu.memory_space<vmem>>, vector<16xf32>,
        %get3A_637 = arith.index_cast %add3A_585 : i32 to index
        %get3A_638 = arith.constant 64 : index
        %get3A_639 = tpu.vector_load %arg12[%get3A_637, %get3A_638] {strides = array<i32>} : memref<40x128xf32, #tpu.memory_space<vmem>>, vector<16xf32>,
        %get3A_640 = arith.index_cast %add3A_585 : i32 to index
        %get3A_641 = arith.constant 64 : index
        %get3A_642 = tpu.vector_load %arg13[%get3A_640, %get3A_641] {strides = array<i32>} : memref<40x128xf32, #tpu.memory_space<vmem>>, vector<16xf32>,
        %add3A_643 = arith.addf %get3A_639, %get3A_642 : vector<16xf32>
        %max3A_644 = arith.constant 0.000000e+00 : f32
        %max3A_645 = vector.broadcast %max3A_644 : f32 to vector<16xf32>
        %max3A_646 = arith.maximumf %add3A_643, %max3A_645 : vector<16xf32>
        %swap3A_647 = arith.index_cast %add3A_585 : i32 to index
        %swap3A_648 = arith.constant 64 : index
        %swap3A_649 = tpu.vector_load %arg12[%swap3A_647, %swap3A_648] {strides = array<i32>} : memref<40x128xf32, #tpu.memory_space<vmem>>, vector<16xf32>,
        tpu.vector_store %arg12[%swap3A_647, %swap3A_648], %max3A_646 {strides = array<i32>} : memref<40x128xf32, #tpu.memory_space<vmem>>, vector<16xf32>,
        %get3A_650 = arith.index_cast %add3A_585 : i32 to index
        %get3A_651 = arith.constant 80 : index
        %get3A_652 = tpu.vector_load %arg12[%get3A_650, %get3A_651] {strides = array<i32>} : memref<40x128xf32, #tpu.memory_space<vmem>>, vector<16xf32>,
        %get3A_653 = arith.index_cast %add3A_585 : i32 to index
        %get3A_654 = arith.constant 80 : index
        %get3A_655 = tpu.vector_load %arg13[%get3A_653, %get3A_654] {strides = array<i32>} : memref<40x128xf32, #tpu.memory_space<vmem>>, vector<16xf32>,
        %add3A_656 = arith.addf %get3A_652, %get3A_655 : vector<16xf32>
        %max3A_657 = arith.constant 0.000000e+00 : f32
        %max3A_658 = vector.broadcast %max3A_657 : f32 to vector<16xf32>
        %max3A_659 = arith.maximumf %add3A_656, %max3A_658 : vector<16xf32>
        %swap3A_660 = arith.index_cast %add3A_585 : i32 to index
        %swap3A_661 = arith.constant 80 : index
        %swap3A_662 = tpu.vector_load %arg12[%swap3A_660, %swap3A_661] {strides = array<i32>} : memref<40x128xf32, #tpu.memory_space<vmem>>, vector<16xf32>,
        tpu.vector_store %arg12[%swap3A_660, %swap3A_661], %max3A_659 {strides = array<i32>} : memref<40x128xf32, #tpu.memory_space<vmem>>, vector<16xf32>,
        %get3A_663 = arith.index_cast %add3A_585 : i32 to index
        %get3A_664 = arith.constant 96 : index
        %get3A_665 = tpu.vector_load %arg12[%get3A_663, %get3A_664] {strides = array<i32>} : memref<40x128xf32, #tpu.memory_space<vmem>>, vector<16xf32>,
        %get3A_666 = arith.index_cast %add3A_585 : i32 to index
        %get3A_667 = arith.constant 96 : index
        %get3A_668 = tpu.vector_load %arg13[%get3A_666, %get3A_667] {strides = array<i32>} : memref<40x128xf32, #tpu.memory_space<vmem>>, vector<16xf32>,
        %add3A_669 = arith.addf %get3A_665, %get3A_668 : vector<16xf32>
        %max3A_670 = arith.constant 0.000000e+00 : f32
        %max3A_671 = vector.broadcast %max3A_670 : f32 to vector<16xf32>
        %max3A_672 = arith.maximumf %add3A_669, %max3A_671 : vector<16xf32>
        %swap3A_673 = arith.index_cast %add3A_585 : i32 to index
        %swap3A_674 = arith.constant 96 : index
        %swap3A_675 = tpu.vector_load %arg12[%swap3A_673, %swap3A_674] {strides = array<i32>} : memref<40x128xf32, #tpu.memory_space<vmem>>, vector<16xf32>,
        tpu.vector_store %arg12[%swap3A_673, %swap3A_674], %max3A_672 {strides = array<i32>} : memref<40x128xf32, #tpu.memory_space<vmem>>, vector<16xf32>,
        %get3A_676 = arith.index_cast %add3A_585 : i32 to index
        %get3A_677 = arith.constant 112 : index
        %get3A_678 = tpu.vector_load %arg12[%get3A_676, %get3A_677] {strides = array<i32>} : memref<40x128xf32, #tpu.memory_space<vmem>>, vector<16xf32>,
        %get3A_679 = arith.index_cast %add3A_585 : i32 to index
        %get3A_680 = arith.constant 112 : index
        %get3A_681 = tpu.vector_load %arg13[%get3A_679, %get3A_680] {strides = array<i32>} : memref<40x128xf32, #tpu.memory_space<vmem>>, vector<16xf32>,
        %add3A_682 = arith.addf %get3A_678, %get3A_681 : vector<16xf32>
        %max3A_683 = arith.constant 0.000000e+00 : f32
        %max3A_684 = vector.broadcast %max3A_683 : f32 to vector<16xf32>
        %max3A_685 = arith.maximumf %add3A_682, %max3A_684 : vector<16xf32>
        %swap3A_686 = arith.index_cast %add3A_585 : i32 to index
        %swap3A_687 = arith.constant 112 : index
        %swap3A_688 = tpu.vector_load %arg12[%swap3A_686, %swap3A_687] {strides = array<i32>} : memref<40x128xf32, #tpu.memory_space<vmem>>, vector<16xf32>,
        tpu.vector_store %arg12[%swap3A_686, %swap3A_687], %max3A_685 {strides = array<i32>} : memref<40x128xf32, #tpu.memory_space<vmem>>, vector<16xf32>,
      }
      %scan3A_500 = arith.constant 40 : i32
      %get3A_501 = arith.constant 0 : i32
      %get3A_502 = arith.index_cast %get3A_501 : i32 to index
      %get3A_503 = arith.constant 0 : index
      %get3A_504 = tpu.vector_load %arg10[%get3A_502, %get3A_503] {strides = array<i32>} : memref<1x40xi32, #tpu.memory_space<vmem>>, vector<16xi32>,
      %swap3A_505 = arith.constant 0 : i32
      %swap3A_506 = arith.index_cast %swap3A_505 : i32 to index
      %swap3A_507 = arith.constant 0 : index
      %swap3A_508 = tpu.vector_load %arg11[%swap3A_506, %swap3A_507] {strides = array<i32>} : memref<1x40xi32, #tpu.memory_space<vmem>>, vector<16xi32>,
      tpu.vector_store %arg11[%swap3A_506, %swap3A_507], %get3A_504 {strides = array<i32>} : memref<1x40xi32, #tpu.memory_space<vmem>>, vector<16xi32>,
      tpu.vector_store_idx %arg19[%get3A_504], %broadcast_in_dim3A_3 {add = true} : memref<10112xf32, #tpu.memory_space<vmem>>[vector<16xi32>], vector<16xf32>,
      %get3A_509 = arith.constant 0 : i32
      %get3A_510 = arith.index_cast %get3A_509 : i32 to index
      %get3A_511 = arith.constant 16 : index
      %get3A_512 = tpu.vector_load %arg10[%get3A_510, %get3A_511] {strides = array<i32>} : memref<1x40xi32, #tpu.memory_space<vmem>>, vector<16xi32>,
      %swap3A_513 = arith.constant 0 : i32
      %swap3A_514 = arith.index_cast %swap3A_513 : i32 to index
      %swap3A_515 = arith.constant 16 : index
      %swap3A_516 = tpu.vector_load %arg11[%swap3A_514, %swap3A_515] {strides = array<i32>} : memref<1x40xi32, #tpu.memory_space<vmem>>, vector<16xi32>,
      tpu.vector_store %arg11[%swap3A_514, %swap3A_515], %get3A_512 {strides = array<i32>} : memref<1x40xi32, #tpu.memory_space<vmem>>, vector<16xi32>,
      tpu.vector_store_idx %arg19[%get3A_512], %broadcast_in_dim3A_3 {add = true} : memref<10112xf32, #tpu.memory_space<vmem>>[vector<16xi32>], vector<16xf32>,
      %get3A_517 = arith.constant 0 : i32
      %get3A_518 = arith.index_cast %get3A_517 : i32 to index
      %get3A_519 = arith.constant 24 : index
      %get3A_520 = tpu.vector_load %arg10[%get3A_518, %get3A_519] {strides = array<i32>} : memref<1x40xi32, #tpu.memory_space<vmem>>, vector<16xi32>,
      %swap3A_521 = arith.constant 0 : i32
      %swap3A_522 = arith.index_cast %swap3A_521 : i32 to index
      %swap3A_523 = arith.constant 24 : index
      %swap3A_524 = tpu.vector_load %arg11[%swap3A_522, %swap3A_523] {strides = array<i32>} : memref<1x40xi32, #tpu.memory_space<vmem>>, vector<16xi32>,
      tpu.vector_store %arg11[%swap3A_522, %swap3A_523], %get3A_520 {strides = array<i32>} : memref<1x40xi32, #tpu.memory_space<vmem>>, vector<16xi32>,
      tpu.vector_store_idx %arg19[%get3A_520], %broadcast_in_dim3A_3 masked %ge3A_80 {add = true} : memref<10112xf32, #tpu.memory_space<vmem>>[vector<16xi32>], vector<16xf32>, vector<16xi1>
      %dma_start3A_525 = arith.constant 0 : i32
      %dma_start3A_526 = arith.constant 0 : i32
      %dma_start3A_527 = tpu.memref_slice %arg11[%dma_start3A_525, %dma_start3A_526] : memref<1x40xi32, #tpu.memory_space<vmem>> -> memref<1x40xi32, #tpu.memory_space<vmem>>
      %dma_start3A_528 = tpu.memref_squeeze %dma_start3A_527 : memref<1x40xi32, #tpu.memory_space<vmem>> -> memref<40xi32, #tpu.memory_space<vmem>>
      %dma_start3A_529 = arith.constant 0 : i32
      %dma_start3A_530 = arith.constant 0 : i32
      %dma_start3A_531 = tpu.memref_slice %arg8[%dma_start3A_529, %dma_start3A_530] : memref<10112x128xf32, #tpu.memory_space<vmem_shared>> -> memref<10112x128xf32, #tpu.memory_space<vmem_shared>>
      tpu.enqueue_indirect_dma source(%arg12 : memref<40x128xf32, #tpu.memory_space<vmem>>) target(%dma_start3A_531 : memref<10112x128xf32, #tpu.memory_space<vmem_shared>>) offsets(%dma_start3A_528 : memref<40xi32, #tpu.memory_space<vmem>>) semaphore(%arg26 : memref<!tpu.dma_semaphore, #tpu.memory_space<semaphore_mem>>) {add = true}
      %dma_wait3A_532 = arith.constant 0 : i32
      %dma_wait3A_533 = arith.constant 0 : i32
      %dma_wait3A_534 = tpu.memref_slice %arg16[%dma_wait3A_532, %dma_wait3A_533] : memref<1x40xi32, #tpu.memory_space<vmem>> -> memref<1x40xi32, #tpu.memory_space<vmem>>
      %dma_wait3A_535 = tpu.memref_squeeze %dma_wait3A_534 : memref<1x40xi32, #tpu.memory_space<vmem>> -> memref<40xi32, #tpu.memory_space<vmem>>
      %dma_wait3A_536 = arith.constant 0 : i32
      %dma_wait3A_537 = arith.constant 0 : i32
      %dma_wait3A_538 = tpu.memref_slice %arg8[%dma_wait3A_536, %dma_wait3A_537] : memref<10112x128xf32, #tpu.memory_space<vmem_shared>> -> memref<10112x128xf32, #tpu.memory_space<vmem_shared>>
      tpu.wait_indirect_dma semaphore(%arg27 : memref<!tpu.dma_semaphore, #tpu.memory_space<semaphore_mem>>) src(%arg17 : memref<40x128xf32, #tpu.memory_space<vmem>>) dst(%dma_wait3A_538 : memref<10112x128xf32, #tpu.memory_space<vmem_shared>>)
      %dma_wait3A_539 = arith.constant 0 : i32
      %dma_wait3A_540 = arith.constant 0 : i32
      %dma_wait3A_541 = tpu.memref_slice %arg14[%dma_wait3A_539, %dma_wait3A_540] : memref<1x40xi32, #tpu.memory_space<vmem>> -> memref<1x40xi32, #tpu.memory_space<vmem>>
      %dma_wait3A_542 = tpu.memref_squeeze %dma_wait3A_541 : memref<1x40xi32, #tpu.memory_space<vmem>> -> memref<40xi32, #tpu.memory_space<vmem>>
      %dma_wait3A_543 = arith.constant 0 : i32
      %dma_wait3A_544 = tpu.memref_slice %arg4[%dma_wait3A_543] : memref<640000xi32, #tpu.memory_space<hbm>> -> memref<40xi32, #tpu.memory_space<hbm>>
      %dma_wait3A_545 = arith.constant 0 : i32
      %dma_wait3A_546 = tpu.memref_slice %arg14[%dma_wait3A_539, %dma_wait3A_545] : memref<1x40xi32, #tpu.memory_space<vmem>> -> memref<1x40xi32, #tpu.memory_space<vmem>>
      %dma_wait3A_547 = tpu.memref_squeeze %dma_wait3A_546 : memref<1x40xi32, #tpu.memory_space<vmem>> -> memref<40xi32, #tpu.memory_space<vmem>>
      %dma_wait3A_548 = arith.constant 0 : i32
      %dma_wait3A_549 = tpu.memref_slice %arg4[%dma_wait3A_548] : memref<640000xi32, #tpu.memory_space<hbm>> -> memref<40xi32, #tpu.memory_space<hbm>>
      tpu.wait_dma2 semaphore(%arg21 : memref<!tpu.dma_semaphore, #tpu.memory_space<semaphore_mem>>) src(%dma_wait3A_549 : memref<40xi32, #tpu.memory_space<hbm>>) dst(%dma_wait3A_547 : memref<40xi32, #tpu.memory_space<vmem>>)
      %dma_wait3A_550 = arith.constant 0 : i32
      %dma_wait3A_551 = arith.constant 0 : i32
      %dma_wait3A_552 = tpu.memref_slice %arg15[%dma_wait3A_550, %dma_wait3A_551] : memref<1x40xi32, #tpu.memory_space<vmem>> -> memref<1x40xi32, #tpu.memory_space<vmem>>
      %dma_wait3A_553 = tpu.memref_squeeze %dma_wait3A_552 : memref<1x40xi32, #tpu.memory_space<vmem>> -> memref<40xi32, #tpu.memory_space<vmem>>
      %dma_wait3A_554 = arith.constant 0 : i32
      %dma_wait3A_555 = tpu.memref_slice %arg5[%dma_wait3A_554] : memref<640000xi32, #tpu.memory_space<hbm>> -> memref<40xi32, #tpu.memory_space<hbm>>
      %dma_wait3A_556 = arith.constant 0 : i32
      %dma_wait3A_557 = tpu.memref_slice %arg15[%dma_wait3A_550, %dma_wait3A_556] : memref<1x40xi32, #tpu.memory_space<vmem>> -> memref<1x40xi32, #tpu.memory_space<vmem>>
      %dma_wait3A_558 = tpu.memref_squeeze %dma_wait3A_557 : memref<1x40xi32, #tpu.memory_space<vmem>> -> memref<40xi32, #tpu.memory_space<vmem>>
      %dma_wait3A_559 = arith.constant 0 : i32
      %dma_wait3A_560 = tpu.memref_slice %arg5[%dma_wait3A_559] : memref<640000xi32, #tpu.memory_space<hbm>> -> memref<40xi32, #tpu.memory_space<hbm>>
      tpu.wait_dma2 semaphore(%arg21 : memref<!tpu.dma_semaphore, #tpu.memory_space<semaphore_mem>>) src(%dma_wait3A_560 : memref<40xi32, #tpu.memory_space<hbm>>) dst(%dma_wait3A_558 : memref<40xi32, #tpu.memory_space<vmem>>)
      %add3A_561 = arith.constant 2 : i32
      %add3A_562 = arith.addi %add3A_361, %add3A_561 : i32
      %mul3A_563 = arith.constant 20000 : i32
      %mul3A_564 = arith.muli %add3A, %mul3A_563 : i32
      %mul3A_565 = arith.constant 40 : i32
      %mul3A_566 = arith.muli %add3A_562, %mul3A_565 : i32
      %add3A_567 = arith.addi %mul3A_564, %mul3A_566 : i32
      %dma_start3A_568 = arith.constant 0 : i32
      %dma_start3A_569 = tpu.memref_slice %arg3[%add3A_567, %dma_start3A_568] : memref<640000x128xf32, #tpu.memory_space<hbm>> -> memref<40x128xf32, #tpu.memory_space<hbm>>
      %dma_start3A_570 = arith.constant 0 : i32
      %dma_start3A_571 = tpu.memref_slice %arg3[%add3A_567, %dma_start3A_570] : memref<640000x128xf32, #tpu.memory_space<hbm>> -> memref<40x128xf32, #tpu.memory_space<hbm>>
      tpu.enqueue_dma source(%dma_start3A_571 : memref<40x128xf32, #tpu.memory_space<hbm>>) target(%arg17 : memref<40x128xf32, #tpu.memory_space<vmem>>) target_semaphore(%arg23 : memref<!tpu.dma_semaphore, #tpu.memory_space<semaphore_mem>>)
      %dma_start3A_572 = arith.constant 0 : i32
      %dma_start3A_573 = arith.constant 0 : i32
      %dma_start3A_574 = tpu.memref_slice %arg14[%dma_start3A_572, %dma_start3A_573] : memref<1x40xi32, #tpu.memory_space<vmem>> -> memref<1x40xi32, #tpu.memory_space<vmem>>
      %dma_start3A_575 = tpu.memref_squeeze %dma_start3A_574 : memref<1x40xi32, #tpu.memory_space<vmem>> -> memref<40xi32, #tpu.memory_space<vmem>>
      %dma_start3A_576 = arith.constant 0 : i32
      %dma_start3A_577 = arith.constant 0 : i32
      %dma_start3A_578 = tpu.memref_slice %arg2[%dma_start3A_576, %dma_start3A_577] : memref<10000x128xf32, #tpu.memory_space<hbm>> -> memref<10000x128xf32, #tpu.memory_space<hbm>>
      tpu.enqueue_indirect_dma source(%dma_start3A_578 : memref<10000x128xf32, #tpu.memory_space<hbm>>) target(%arg18 : memref<40x128xf32, #tpu.memory_space<vmem>>) offsets(%dma_start3A_575 : memref<40xi32, #tpu.memory_space<vmem>>) semaphore(%arg25 : memref<!tpu.dma_semaphore, #tpu.memory_space<semaphore_mem>>)
      %ne3A = arith.constant 248 : i32
      %ne3A_579 = arith.cmpi ne, %add3A_357, %ne3A : i32
      %convert_element_type3A = arith.extui %ne3A_579 : i1 to i32
      %cond3A = arith.constant 0 : i32
      %cond3A_580 = arith.cmpi ne, %convert_element_type3A, %cond3A : i32
      scf.if %cond3A_580 {
        %add3A_581 = arith.constant 3 : i32
        %add3A_582 = arith.addi %add3A_361, %add3A_581 : i32
        %mul3A_583 = arith.constant 20000 : i32
        %mul3A_584 = arith.muli %add3A, %mul3A_583 : i32
        %mul3A_585 = arith.constant 40 : i32
        %mul3A_586 = arith.muli %add3A_582, %mul3A_585 : i32
        %add3A_587 = arith.addi %mul3A_584, %mul3A_586 : i32
        %dma_start3A_588 = arith.constant 0 : i32
        %dma_start3A_589 = arith.constant 0 : i32
        %dma_start3A_590 = tpu.memref_slice %arg9[%dma_start3A_588, %dma_start3A_589] : memref<1x40xi32, #tpu.memory_space<vmem>> -> memref<1x40xi32, #tpu.memory_space<vmem>>
        %dma_start3A_591 = tpu.memref_squeeze %dma_start3A_590 : memref<1x40xi32, #tpu.memory_space<vmem>> -> memref<40xi32, #tpu.memory_space<vmem>>
        %dma_start3A_592 = tpu.memref_slice %arg4[%add3A_587] : memref<640000xi32, #tpu.memory_space<hbm>> -> memref<40xi32, #tpu.memory_space<hbm>>
        %dma_start3A_593 = arith.constant 0 : i32
        %dma_start3A_594 = tpu.memref_slice %arg9[%dma_start3A_588, %dma_start3A_593] : memref<1x40xi32, #tpu.memory_space<vmem>> -> memref<1x40xi32, #tpu.memory_space<vmem>>
        %dma_start3A_595 = tpu.memref_squeeze %dma_start3A_594 : memref<1x40xi32, #tpu.memory_space<vmem>> -> memref<40xi32, #tpu.memory_space<vmem>>
        %dma_start3A_596 = tpu.memref_slice %arg4[%add3A_587] : memref<640000xi32, #tpu.memory_space<hbm>> -> memref<40xi32, #tpu.memory_space<hbm>>
        tpu.enqueue_dma source(%dma_start3A_596 : memref<40xi32, #tpu.memory_space<hbm>>) target(%dma_start3A_595 : memref<40xi32, #tpu.memory_space<vmem>>) target_semaphore(%arg20 : memref<!tpu.dma_semaphore, #tpu.memory_space<semaphore_mem>>)
        %dma_start3A_597 = arith.constant 0 : i32
        %dma_start3A_598 = arith.constant 0 : i32
        %dma_start3A_599 = tpu.memref_slice %arg10[%dma_start3A_597, %dma_start3A_598] : memref<1x40xi32, #tpu.memory_space<vmem>> -> memref<1x40xi32, #tpu.memory_space<vmem>>
        %dma_start3A_600 = tpu.memref_squeeze %dma_start3A_599 : memref<1x40xi32, #tpu.memory_space<vmem>> -> memref<40xi32, #tpu.memory_space<vmem>>
        %dma_start3A_601 = tpu.memref_slice %arg5[%add3A_587] : memref<640000xi32, #tpu.memory_space<hbm>> -> memref<40xi32, #tpu.memory_space<hbm>>
        %dma_start3A_602 = arith.constant 0 : i32
        %dma_start3A_603 = tpu.memref_slice %arg10[%dma_start3A_597, %dma_start3A_602] : memref<1x40xi32, #tpu.memory_space<vmem>> -> memref<1x40xi32, #tpu.memory_space<vmem>>
        %dma_start3A_604 = tpu.memref_squeeze %dma_start3A_603 : memref<1x40xi32, #tpu.memory_space<vmem>> -> memref<40xi32, #tpu.memory_space<vmem>>
        %dma_start3A_605 = tpu.memref_slice %arg5[%add3A_587] : memref<640000xi32, #tpu.memory_space<hbm>> -> memref<40xi32, #tpu.memory_space<hbm>>
        tpu.enqueue_dma source(%dma_start3A_605 : memref<40xi32, #tpu.memory_space<hbm>>) target(%dma_start3A_604 : memref<40xi32, #tpu.memory_space<vmem>>) target_semaphore(%arg20 : memref<!tpu.dma_semaphore, #tpu.memory_space<semaphore_mem>>)
      } else {
      }
    }
    %scan3A_270 = arith.constant 249 : i32
    %dma_wait3A_271 = arith.constant 0 : i32
    %dma_wait3A_272 = arith.constant 0 : i32
    %dma_wait3A_273 = tpu.memref_slice %arg3[%dma_wait3A_271, %dma_wait3A_272] : memref<640000x128xf32, #tpu.memory_space<hbm>> -> memref<40x128xf32, #tpu.memory_space<hbm>>
    %dma_wait3A_274 = arith.constant 0 : i32
    %dma_wait3A_275 = arith.constant 0 : i32
    %dma_wait3A_276 = tpu.memref_slice %arg3[%dma_wait3A_274, %dma_wait3A_275] : memref<640000x128xf32, #tpu.memory_space<hbm>> -> memref<40x128xf32, #tpu.memory_space<hbm>>
    tpu.wait_dma2 semaphore(%arg23 : memref<!tpu.dma_semaphore, #tpu.memory_space<semaphore_mem>>) src(%dma_wait3A_276 : memref<40x128xf32, #tpu.memory_space<hbm>>) dst(%arg17 : memref<40x128xf32, #tpu.memory_space<vmem>>)
    %dma_wait3A_277 = arith.constant 0 : i32
    %dma_wait3A_278 = arith.constant 0 : i32
    %dma_wait3A_279 = tpu.memref_slice %arg14[%dma_wait3A_277, %dma_wait3A_278] : memref<1x40xi32, #tpu.memory_space<vmem>> -> memref<1x40xi32, #tpu.memory_space<vmem>>
    %dma_wait3A_280 = tpu.memref_squeeze %dma_wait3A_279 : memref<1x40xi32, #tpu.memory_space<vmem>> -> memref<40xi32, #tpu.memory_space<vmem>>
    %dma_wait3A_281 = arith.constant 0 : i32
    %dma_wait3A_282 = arith.constant 0 : i32
    %dma_wait3A_283 = tpu.memref_slice %arg2[%dma_wait3A_281, %dma_wait3A_282] : memref<10000x128xf32, #tpu.memory_space<hbm>> -> memref<10000x128xf32, #tpu.memory_space<hbm>>
    tpu.wait_indirect_dma semaphore(%arg25 : memref<!tpu.dma_semaphore, #tpu.memory_space<semaphore_mem>>) src(%dma_wait3A_283 : memref<10000x128xf32, #tpu.memory_space<hbm>>) dst(%arg18 : memref<40x128xf32, #tpu.memory_space<vmem>>)
    %scan3A_284 = arith.constant 0 : i32
    %scan3A_285 = arith.constant 40 : i32
    %scan3A_286 = arith.addi %scan3A_284, %scan3A_285 : i32
    %scan3A_287 = arith.constant 1 : i32
    scf.for %scan3A_353 = %scan3A_284 to %scan3A_286 step %scan3A_287  : i32 {
      %mul3A_354 = arith.constant 1 : i32
      %mul3A_355 = arith.muli %scan3A_353, %mul3A_354 : i32
      %add3A_356 = arith.constant 0 : i32
      %add3A_357 = arith.addi %add3A_356, %mul3A_355 : i32
      %get3A_358 = arith.index_cast %add3A_357 : i32 to index
      %get3A_359 = arith.constant 0 : index
      %get3A_360 = tpu.vector_load %arg17[%get3A_358, %get3A_359] {strides = array<i32>} : memref<40x128xf32, #tpu.memory_space<vmem>>, vector<16xf32>,
      %get3A_361 = arith.index_cast %add3A_357 : i32 to index
      %get3A_362 = arith.constant 0 : index
      %get3A_363 = tpu.vector_load %arg18[%get3A_361, %get3A_362] {strides = array<i32>} : memref<40x128xf32, #tpu.memory_space<vmem>>, vector<16xf32>,
      %add3A_364 = arith.addf %get3A_360, %get3A_363 : vector<16xf32>
      %max3A = arith.constant 0.000000e+00 : f32
      %max3A_365 = vector.broadcast %max3A : f32 to vector<16xf32>
      %max3A_366 = arith.maximumf %add3A_364, %max3A_365 : vector<16xf32>
      %swap3A_367 = arith.index_cast %add3A_357 : i32 to index
      %swap3A_368 = arith.constant 0 : index
      %swap3A_369 = tpu.vector_load %arg17[%swap3A_367, %swap3A_368] {strides = array<i32>} : memref<40x128xf32, #tpu.memory_space<vmem>>, vector<16xf32>,
      tpu.vector_store %arg17[%swap3A_367, %swap3A_368], %max3A_366 {strides = array<i32>} : memref<40x128xf32, #tpu.memory_space<vmem>>, vector<16xf32>,
      %get3A_370 = arith.index_cast %add3A_357 : i32 to index
      %get3A_371 = arith.constant 16 : index
      %get3A_372 = tpu.vector_load %arg17[%get3A_370, %get3A_371] {strides = array<i32>} : memref<40x128xf32, #tpu.memory_space<vmem>>, vector<16xf32>,
      %get3A_373 = arith.index_cast %add3A_357 : i32 to index
      %get3A_374 = arith.constant 16 : index
      %get3A_375 = tpu.vector_load %arg18[%get3A_373, %get3A_374] {strides = array<i32>} : memref<40x128xf32, #tpu.memory_space<vmem>>, vector<16xf32>,
      %add3A_376 = arith.addf %get3A_372, %get3A_375 : vector<16xf32>
      %max3A_377 = arith.constant 0.000000e+00 : f32
      %max3A_378 = vector.broadcast %max3A_377 : f32 to vector<16xf32>
      %max3A_379 = arith.maximumf %add3A_376, %max3A_378 : vector<16xf32>
      %swap3A_380 = arith.index_cast %add3A_357 : i32 to index
      %swap3A_381 = arith.constant 16 : index
      %swap3A_382 = tpu.vector_load %arg17[%swap3A_380, %swap3A_381] {strides = array<i32>} : memref<40x128xf32, #tpu.memory_space<vmem>>, vector<16xf32>,
      tpu.vector_store %arg17[%swap3A_380, %swap3A_381], %max3A_379 {strides = array<i32>} : memref<40x128xf32, #tpu.memory_space<vmem>>, vector<16xf32>,
      %get3A_383 = arith.index_cast %add3A_357 : i32 to index
      %get3A_384 = arith.constant 32 : index
      %get3A_385 = tpu.vector_load %arg17[%get3A_383, %get3A_384] {strides = array<i32>} : memref<40x128xf32, #tpu.memory_space<vmem>>, vector<16xf32>,
      %get3A_386 = arith.index_cast %add3A_357 : i32 to index
      %get3A_387 = arith.constant 32 : index
      %get3A_388 = tpu.vector_load %arg18[%get3A_386, %get3A_387] {strides = array<i32>} : memref<40x128xf32, #tpu.memory_space<vmem>>, vector<16xf32>,
      %add3A_389 = arith.addf %get3A_385, %get3A_388 : vector<16xf32>
      %max3A_390 = arith.constant 0.000000e+00 : f32
      %max3A_391 = vector.broadcast %max3A_390 : f32 to vector<16xf32>
      %max3A_392 = arith.maximumf %add3A_389, %max3A_391 : vector<16xf32>
      %swap3A_393 = arith.index_cast %add3A_357 : i32 to index
      %swap3A_394 = arith.constant 32 : index
      %swap3A_395 = tpu.vector_load %arg17[%swap3A_393, %swap3A_394] {strides = array<i32>} : memref<40x128xf32, #tpu.memory_space<vmem>>, vector<16xf32>,
      tpu.vector_store %arg17[%swap3A_393, %swap3A_394], %max3A_392 {strides = array<i32>} : memref<40x128xf32, #tpu.memory_space<vmem>>, vector<16xf32>,
      %get3A_396 = arith.index_cast %add3A_357 : i32 to index
      %get3A_397 = arith.constant 48 : index
      %get3A_398 = tpu.vector_load %arg17[%get3A_396, %get3A_397] {strides = array<i32>} : memref<40x128xf32, #tpu.memory_space<vmem>>, vector<16xf32>,
      %get3A_399 = arith.index_cast %add3A_357 : i32 to index
      %get3A_400 = arith.constant 48 : index
      %get3A_401 = tpu.vector_load %arg18[%get3A_399, %get3A_400] {strides = array<i32>} : memref<40x128xf32, #tpu.memory_space<vmem>>, vector<16xf32>,
      %add3A_402 = arith.addf %get3A_398, %get3A_401 : vector<16xf32>
      %max3A_403 = arith.constant 0.000000e+00 : f32
      %max3A_404 = vector.broadcast %max3A_403 : f32 to vector<16xf32>
      %max3A_405 = arith.maximumf %add3A_402, %max3A_404 : vector<16xf32>
      %swap3A_406 = arith.index_cast %add3A_357 : i32 to index
      %swap3A_407 = arith.constant 48 : index
      %swap3A_408 = tpu.vector_load %arg17[%swap3A_406, %swap3A_407] {strides = array<i32>} : memref<40x128xf32, #tpu.memory_space<vmem>>, vector<16xf32>,
      tpu.vector_store %arg17[%swap3A_406, %swap3A_407], %max3A_405 {strides = array<i32>} : memref<40x128xf32, #tpu.memory_space<vmem>>, vector<16xf32>,
      %get3A_409 = arith.index_cast %add3A_357 : i32 to index
      %get3A_410 = arith.constant 64 : index
      %get3A_411 = tpu.vector_load %arg17[%get3A_409, %get3A_410] {strides = array<i32>} : memref<40x128xf32, #tpu.memory_space<vmem>>, vector<16xf32>,
      %get3A_412 = arith.index_cast %add3A_357 : i32 to index
      %get3A_413 = arith.constant 64 : index
      %get3A_414 = tpu.vector_load %arg18[%get3A_412, %get3A_413] {strides = array<i32>} : memref<40x128xf32, #tpu.memory_space<vmem>>, vector<16xf32>,
      %add3A_415 = arith.addf %get3A_411, %get3A_414 : vector<16xf32>
      %max3A_416 = arith.constant 0.000000e+00 : f32
      %max3A_417 = vector.broadcast %max3A_416 : f32 to vector<16xf32>
      %max3A_418 = arith.maximumf %add3A_415, %max3A_417 : vector<16xf32>
      %swap3A_419 = arith.index_cast %add3A_357 : i32 to index
      %swap3A_420 = arith.constant 64 : index
      %swap3A_421 = tpu.vector_load %arg17[%swap3A_419, %swap3A_420] {strides = array<i32>} : memref<40x128xf32, #tpu.memory_space<vmem>>, vector<16xf32>,
      tpu.vector_store %arg17[%swap3A_419, %swap3A_420], %max3A_418 {strides = array<i32>} : memref<40x128xf32, #tpu.memory_space<vmem>>, vector<16xf32>,
      %get3A_422 = arith.index_cast %add3A_357 : i32 to index
      %get3A_423 = arith.constant 80 : index
      %get3A_424 = tpu.vector_load %arg17[%get3A_422, %get3A_423] {strides = array<i32>} : memref<40x128xf32, #tpu.memory_space<vmem>>, vector<16xf32>,
      %get3A_425 = arith.index_cast %add3A_357 : i32 to index
      %get3A_426 = arith.constant 80 : index
      %get3A_427 = tpu.vector_load %arg18[%get3A_425, %get3A_426] {strides = array<i32>} : memref<40x128xf32, #tpu.memory_space<vmem>>, vector<16xf32>,
      %add3A_428 = arith.addf %get3A_424, %get3A_427 : vector<16xf32>
      %max3A_429 = arith.constant 0.000000e+00 : f32
      %max3A_430 = vector.broadcast %max3A_429 : f32 to vector<16xf32>
      %max3A_431 = arith.maximumf %add3A_428, %max3A_430 : vector<16xf32>
      %swap3A_432 = arith.index_cast %add3A_357 : i32 to index
      %swap3A_433 = arith.constant 80 : index
      %swap3A_434 = tpu.vector_load %arg17[%swap3A_432, %swap3A_433] {strides = array<i32>} : memref<40x128xf32, #tpu.memory_space<vmem>>, vector<16xf32>,
      tpu.vector_store %arg17[%swap3A_432, %swap3A_433], %max3A_431 {strides = array<i32>} : memref<40x128xf32, #tpu.memory_space<vmem>>, vector<16xf32>,
      %get3A_435 = arith.index_cast %add3A_357 : i32 to index
      %get3A_436 = arith.constant 96 : index
      %get3A_437 = tpu.vector_load %arg17[%get3A_435, %get3A_436] {strides = array<i32>} : memref<40x128xf32, #tpu.memory_space<vmem>>, vector<16xf32>,
      %get3A_438 = arith.index_cast %add3A_357 : i32 to index
      %get3A_439 = arith.constant 96 : index
      %get3A_440 = tpu.vector_load %arg18[%get3A_438, %get3A_439] {strides = array<i32>} : memref<40x128xf32, #tpu.memory_space<vmem>>, vector<16xf32>,
      %add3A_441 = arith.addf %get3A_437, %get3A_440 : vector<16xf32>
      %max3A_442 = arith.constant 0.000000e+00 : f32
      %max3A_443 = vector.broadcast %max3A_442 : f32 to vector<16xf32>
      %max3A_444 = arith.maximumf %add3A_441, %max3A_443 : vector<16xf32>
      %swap3A_445 = arith.index_cast %add3A_357 : i32 to index
      %swap3A_446 = arith.constant 96 : index
      %swap3A_447 = tpu.vector_load %arg17[%swap3A_445, %swap3A_446] {strides = array<i32>} : memref<40x128xf32, #tpu.memory_space<vmem>>, vector<16xf32>,
      tpu.vector_store %arg17[%swap3A_445, %swap3A_446], %max3A_444 {strides = array<i32>} : memref<40x128xf32, #tpu.memory_space<vmem>>, vector<16xf32>,
      %get3A_448 = arith.index_cast %add3A_357 : i32 to index
      %get3A_449 = arith.constant 112 : index
      %get3A_450 = tpu.vector_load %arg17[%get3A_448, %get3A_449] {strides = array<i32>} : memref<40x128xf32, #tpu.memory_space<vmem>>, vector<16xf32>,
      %get3A_451 = arith.index_cast %add3A_357 : i32 to index
      %get3A_452 = arith.constant 112 : index
      %get3A_453 = tpu.vector_load %arg18[%get3A_451, %get3A_452] {strides = array<i32>} : memref<40x128xf32, #tpu.memory_space<vmem>>, vector<16xf32>,
      %add3A_454 = arith.addf %get3A_450, %get3A_453 : vector<16xf32>
      %max3A_455 = arith.constant 0.000000e+00 : f32
      %max3A_456 = vector.broadcast %max3A_455 : f32 to vector<16xf32>
      %max3A_457 = arith.maximumf %add3A_454, %max3A_456 : vector<16xf32>
      %swap3A_458 = arith.index_cast %add3A_357 : i32 to index
      %swap3A_459 = arith.constant 112 : index
      %swap3A_460 = tpu.vector_load %arg17[%swap3A_458, %swap3A_459] {strides = array<i32>} : memref<40x128xf32, #tpu.memory_space<vmem>>, vector<16xf32>,
      tpu.vector_store %arg17[%swap3A_458, %swap3A_459], %max3A_457 {strides = array<i32>} : memref<40x128xf32, #tpu.memory_space<vmem>>, vector<16xf32>,
    }
    %scan3A_288 = arith.constant 40 : i32
    %get3A_289 = arith.constant 0 : i32
    %get3A_290 = arith.index_cast %get3A_289 : i32 to index
    %get3A_291 = arith.constant 0 : index
    %get3A_292 = tpu.vector_load %arg15[%get3A_290, %get3A_291] {strides = array<i32>} : memref<1x40xi32, #tpu.memory_space<vmem>>, vector<16xi32>,
    %swap3A_293 = arith.constant 0 : i32
    %swap3A_294 = arith.index_cast %swap3A_293 : i32 to index
    %swap3A_295 = arith.constant 0 : index
    %swap3A_296 = tpu.vector_load %arg16[%swap3A_294, %swap3A_295] {strides = array<i32>} : memref<1x40xi32, #tpu.memory_space<vmem>>, vector<16xi32>,
    tpu.vector_store %arg16[%swap3A_294, %swap3A_295], %get3A_292 {strides = array<i32>} : memref<1x40xi32, #tpu.memory_space<vmem>>, vector<16xi32>,
    tpu.vector_store_idx %arg19[%get3A_292], %broadcast_in_dim3A_3 {add = true} : memref<10112xf32, #tpu.memory_space<vmem>>[vector<16xi32>], vector<16xf32>,
    %get3A_297 = arith.constant 0 : i32
    %get3A_298 = arith.index_cast %get3A_297 : i32 to index
    %get3A_299 = arith.constant 16 : index
    %get3A_300 = tpu.vector_load %arg15[%get3A_298, %get3A_299] {strides = array<i32>} : memref<1x40xi32, #tpu.memory_space<vmem>>, vector<16xi32>,
    %swap3A_301 = arith.constant 0 : i32
    %swap3A_302 = arith.index_cast %swap3A_301 : i32 to index
    %swap3A_303 = arith.constant 16 : index
    %swap3A_304 = tpu.vector_load %arg16[%swap3A_302, %swap3A_303] {strides = array<i32>} : memref<1x40xi32, #tpu.memory_space<vmem>>, vector<16xi32>,
    tpu.vector_store %arg16[%swap3A_302, %swap3A_303], %get3A_300 {strides = array<i32>} : memref<1x40xi32, #tpu.memory_space<vmem>>, vector<16xi32>,
    tpu.vector_store_idx %arg19[%get3A_300], %broadcast_in_dim3A_3 {add = true} : memref<10112xf32, #tpu.memory_space<vmem>>[vector<16xi32>], vector<16xf32>,
    %get3A_305 = arith.constant 0 : i32
    %get3A_306 = arith.index_cast %get3A_305 : i32 to index
    %get3A_307 = arith.constant 24 : index
    %get3A_308 = tpu.vector_load %arg15[%get3A_306, %get3A_307] {strides = array<i32>} : memref<1x40xi32, #tpu.memory_space<vmem>>, vector<16xi32>,
    %swap3A_309 = arith.constant 0 : i32
    %swap3A_310 = arith.index_cast %swap3A_309 : i32 to index
    %swap3A_311 = arith.constant 24 : index
    %swap3A_312 = tpu.vector_load %arg16[%swap3A_310, %swap3A_311] {strides = array<i32>} : memref<1x40xi32, #tpu.memory_space<vmem>>, vector<16xi32>,
    tpu.vector_store %arg16[%swap3A_310, %swap3A_311], %get3A_308 {strides = array<i32>} : memref<1x40xi32, #tpu.memory_space<vmem>>, vector<16xi32>,
    tpu.vector_store_idx %arg19[%get3A_308], %broadcast_in_dim3A_3 masked %ge3A_80 {add = true} : memref<10112xf32, #tpu.memory_space<vmem>>[vector<16xi32>], vector<16xf32>, vector<16xi1>
    %dma_start3A_313 = arith.constant 0 : i32
    %dma_start3A_314 = arith.constant 0 : i32
    %dma_start3A_315 = tpu.memref_slice %arg16[%dma_start3A_313, %dma_start3A_314] : memref<1x40xi32, #tpu.memory_space<vmem>> -> memref<1x40xi32, #tpu.memory_space<vmem>>
    %dma_start3A_316 = tpu.memref_squeeze %dma_start3A_315 : memref<1x40xi32, #tpu.memory_space<vmem>> -> memref<40xi32, #tpu.memory_space<vmem>>
    %dma_start3A_317 = arith.constant 0 : i32
    %dma_start3A_318 = arith.constant 0 : i32
    %dma_start3A_319 = tpu.memref_slice %arg8[%dma_start3A_317, %dma_start3A_318] : memref<10112x128xf32, #tpu.memory_space<vmem_shared>> -> memref<10112x128xf32, #tpu.memory_space<vmem_shared>>
    tpu.enqueue_indirect_dma source(%arg17 : memref<40x128xf32, #tpu.memory_space<vmem>>) target(%dma_start3A_319 : memref<10112x128xf32, #tpu.memory_space<vmem_shared>>) offsets(%dma_start3A_316 : memref<40xi32, #tpu.memory_space<vmem>>) semaphore(%arg27 : memref<!tpu.dma_semaphore, #tpu.memory_space<semaphore_mem>>) {add = true}
    %dma_wait3A_320 = arith.constant 0 : i32
    %dma_wait3A_321 = arith.constant 0 : i32
    %dma_wait3A_322 = tpu.memref_slice %arg11[%dma_wait3A_320, %dma_wait3A_321] : memref<1x40xi32, #tpu.memory_space<vmem>> -> memref<1x40xi32, #tpu.memory_space<vmem>>
    %dma_wait3A_323 = tpu.memref_squeeze %dma_wait3A_322 : memref<1x40xi32, #tpu.memory_space<vmem>> -> memref<40xi32, #tpu.memory_space<vmem>>
    %dma_wait3A_324 = arith.constant 0 : i32
    %dma_wait3A_325 = arith.constant 0 : i32
    %dma_wait3A_326 = tpu.memref_slice %arg8[%dma_wait3A_324, %dma_wait3A_325] : memref<10112x128xf32, #tpu.memory_space<vmem_shared>> -> memref<10112x128xf32, #tpu.memory_space<vmem_shared>>
    tpu.wait_indirect_dma semaphore(%arg26 : memref<!tpu.dma_semaphore, #tpu.memory_space<semaphore_mem>>) src(%arg12 : memref<40x128xf32, #tpu.memory_space<vmem>>) dst(%dma_wait3A_326 : memref<10112x128xf32, #tpu.memory_space<vmem_shared>>)
    %dma_wait3A_327 = arith.constant 0 : i32
    %dma_wait3A_328 = arith.constant 0 : i32
    %dma_wait3A_329 = tpu.memref_slice %arg16[%dma_wait3A_327, %dma_wait3A_328] : memref<1x40xi32, #tpu.memory_space<vmem>> -> memref<1x40xi32, #tpu.memory_space<vmem>>
    %dma_wait3A_330 = tpu.memref_squeeze %dma_wait3A_329 : memref<1x40xi32, #tpu.memory_space<vmem>> -> memref<40xi32, #tpu.memory_space<vmem>>
    %dma_wait3A_331 = arith.constant 0 : i32
    %dma_wait3A_332 = arith.constant 0 : i32
    %dma_wait3A_333 = tpu.memref_slice %arg8[%dma_wait3A_331, %dma_wait3A_332] : memref<10112x128xf32, #tpu.memory_space<vmem_shared>> -> memref<10112x128xf32, #tpu.memory_space<vmem_shared>>
    tpu.wait_indirect_dma semaphore(%arg27 : memref<!tpu.dma_semaphore, #tpu.memory_space<semaphore_mem>>) src(%arg17 : memref<40x128xf32, #tpu.memory_space<vmem>>) dst(%dma_wait3A_333 : memref<10112x128xf32, #tpu.memory_space<vmem_shared>>)
    %barrier3A_334 = arith.constant 0 : index
    tpu.barrier barrier_id(%barrier3A_334)
    %add3A_335 = arith.constant 0 : i32
    %add3A_336 = arith.addi %mul3A_14, %add3A_335 : i32
    "tpu.region"() ({
      %run_scoped3A = tpu.sem_alloc : memref<!tpu.dma_semaphore, #tpu.memory_space<semaphore_mem>>
      %dma_start3A_353 = arith.constant 0 : i32
      %dma_start3A_354 = tpu.memref_slice %arg6[%arg0, %add3A_336, %dma_start3A_353] : memref<2x10112x128xf32, #tpu.memory_space<hbm>> -> memref<1x80x128xf32, #tpu.memory_space<hbm>>
      %dma_start3A_355 = tpu.memref_squeeze %dma_start3A_354 : memref<1x80x128xf32, #tpu.memory_space<hbm>> -> memref<80x128xf32, #tpu.memory_space<hbm>>
      %dma_start3A_356 = arith.constant 0 : i32
      %dma_start3A_357 = tpu.memref_slice %arg8[%add3A_336, %dma_start3A_356] : memref<10112x128xf32, #tpu.memory_space<vmem_shared>> -> memref<80x128xf32, #tpu.memory_space<vmem_shared>>
      tpu.enqueue_dma source(%dma_start3A_357 : memref<80x128xf32, #tpu.memory_space<vmem_shared>>) target(%dma_start3A_355 : memref<80x128xf32, #tpu.memory_space<hbm>>) target_semaphore(%run_scoped3A : memref<!tpu.dma_semaphore, #tpu.memory_space<semaphore_mem>>)
      %dma_wait3A_358 = arith.constant 0 : i32
      %dma_wait3A_359 = tpu.memref_slice %arg6[%arg0, %add3A_336, %dma_wait3A_358] : memref<2x10112x128xf32, #tpu.memory_space<hbm>> -> memref<1x80x128xf32, #tpu.memory_space<hbm>>
      %dma_wait3A_360 = tpu.memref_squeeze %dma_wait3A_359 : memref<1x80x128xf32, #tpu.memory_space<hbm>> -> memref<80x128xf32, #tpu.memory_space<hbm>>
      %dma_wait3A_361 = arith.constant 0 : i32
      %dma_wait3A_362 = tpu.memref_slice %arg8[%add3A_336, %dma_wait3A_361] : memref<10112x128xf32, #tpu.memory_space<vmem_shared>> -> memref<80x128xf32, #tpu.memory_space<vmem_shared>>
      tpu.wait_dma2 semaphore(%run_scoped3A : memref<!tpu.dma_semaphore, #tpu.memory_space<semaphore_mem>>) src(%dma_wait3A_362 : memref<80x128xf32, #tpu.memory_space<vmem_shared>>) dst(%dma_wait3A_360 : memref<80x128xf32, #tpu.memory_space<hbm>>)
      tpu.yield
    }) : () -> ()
    %add3A_337 = arith.constant 80 : i32
    %add3A_338 = arith.addi %mul3A_14, %add3A_337 : i32
    "tpu.region"() ({
      %run_scoped3A = tpu.sem_alloc : memref<!tpu.dma_semaphore, #tpu.memory_space<semaphore_mem>>
      %dma_start3A_353 = arith.constant 0 : i32
      %dma_start3A_354 = tpu.memref_slice %arg6[%arg0, %add3A_338, %dma_start3A_353] : memref<2x10112x128xf32, #tpu.memory_space<hbm>> -> memref<1x80x128xf32, #tpu.memory_space<hbm>>
      %dma_start3A_355 = tpu.memref_squeeze %dma_start3A_354 : memref<1x80x128xf32, #tpu.memory_space<hbm>> -> memref<80x128xf32, #tpu.memory_space<hbm>>
      %dma_start3A_356 = arith.constant 0 : i32
      %dma_start3A_357 = tpu.memref_slice %arg8[%add3A_338, %dma_start3A_356] : memref<10112x128xf32, #tpu.memory_space<vmem_shared>> -> memref<80x128xf32, #tpu.memory_space<vmem_shared>>
      tpu.enqueue_dma source(%dma_start3A_357 : memref<80x128xf32, #tpu.memory_space<vmem_shared>>) target(%dma_start3A_355 : memref<80x128xf32, #tpu.memory_space<hbm>>) target_semaphore(%run_scoped3A : memref<!tpu.dma_semaphore, #tpu.memory_space<semaphore_mem>>)
      %dma_wait3A_358 = arith.constant 0 : i32
      %dma_wait3A_359 = tpu.memref_slice %arg6[%arg0, %add3A_338, %dma_wait3A_358] : memref<2x10112x128xf32, #tpu.memory_space<hbm>> -> memref<1x80x128xf32, #tpu.memory_space<hbm>>
      %dma_wait3A_360 = tpu.memref_squeeze %dma_wait3A_359 : memref<1x80x128xf32, #tpu.memory_space<hbm>> -> memref<80x128xf32, #tpu.memory_space<hbm>>
      %dma_wait3A_361 = arith.constant 0 : i32
      %dma_wait3A_362 = tpu.memref_slice %arg8[%add3A_338, %dma_wait3A_361] : memref<10112x128xf32, #tpu.memory_space<vmem_shared>> -> memref<80x128xf32, #tpu.memory_space<vmem_shared>>
      tpu.wait_dma2 semaphore(%run_scoped3A : memref<!tpu.dma_semaphore, #tpu.memory_space<semaphore_mem>>) src(%dma_wait3A_362 : memref<80x128xf32, #tpu.memory_space<vmem_shared>>) dst(%dma_wait3A_360 : memref<80x128xf32, #tpu.memory_space<hbm>>)
      tpu.yield
    }) : () -> ()
    %add3A_339 = arith.constant 160 : i32
    %add3A_340 = arith.addi %mul3A_14, %add3A_339 : i32
    "tpu.region"() ({
      %run_scoped3A = tpu.sem_alloc : memref<!tpu.dma_semaphore, #tpu.memory_space<semaphore_mem>>
      %dma_start3A_353 = arith.constant 0 : i32
      %dma_start3A_354 = tpu.memref_slice %arg6[%arg0, %add3A_340, %dma_start3A_353] : memref<2x10112x128xf32, #tpu.memory_space<hbm>> -> memref<1x80x128xf32, #tpu.memory_space<hbm>>
      %dma_start3A_355 = tpu.memref_squeeze %dma_start3A_354 : memref<1x80x128xf32, #tpu.memory_space<hbm>> -> memref<80x128xf32, #tpu.memory_space<hbm>>
      %dma_start3A_356 = arith.constant 0 : i32
      %dma_start3A_357 = tpu.memref_slice %arg8[%add3A_340, %dma_start3A_356] : memref<10112x128xf32, #tpu.memory_space<vmem_shared>> -> memref<80x128xf32, #tpu.memory_space<vmem_shared>>
      tpu.enqueue_dma source(%dma_start3A_357 : memref<80x128xf32, #tpu.memory_space<vmem_shared>>) target(%dma_start3A_355 : memref<80x128xf32, #tpu.memory_space<hbm>>) target_semaphore(%run_scoped3A : memref<!tpu.dma_semaphore, #tpu.memory_space<semaphore_mem>>)
      %dma_wait3A_358 = arith.constant 0 : i32
      %dma_wait3A_359 = tpu.memref_slice %arg6[%arg0, %add3A_340, %dma_wait3A_358] : memref<2x10112x128xf32, #tpu.memory_space<hbm>> -> memref<1x80x128xf32, #tpu.memory_space<hbm>>
      %dma_wait3A_360 = tpu.memref_squeeze %dma_wait3A_359 : memref<1x80x128xf32, #tpu.memory_space<hbm>> -> memref<80x128xf32, #tpu.memory_space<hbm>>
      %dma_wait3A_361 = arith.constant 0 : i32
      %dma_wait3A_362 = tpu.memref_slice %arg8[%add3A_340, %dma_wait3A_361] : memref<10112x128xf32, #tpu.memory_space<vmem_shared>> -> memref<80x128xf32, #tpu.memory_space<vmem_shared>>
      tpu.wait_dma2 semaphore(%run_scoped3A : memref<!tpu.dma_semaphore, #tpu.memory_space<semaphore_mem>>) src(%dma_wait3A_362 : memref<80x128xf32, #tpu.memory_space<vmem_shared>>) dst(%dma_wait3A_360 : memref<80x128xf32, #tpu.memory_space<hbm>>)
      tpu.yield
    }) : () -> ()
    %add3A_341 = arith.constant 240 : i32
    %add3A_342 = arith.addi %mul3A_14, %add3A_341 : i32
    "tpu.region"() ({
      %run_scoped3A = tpu.sem_alloc : memref<!tpu.dma_semaphore, #tpu.memory_space<semaphore_mem>>
      %dma_start3A_353 = arith.constant 0 : i32
      %dma_start3A_354 = tpu.memref_slice %arg6[%arg0, %add3A_342, %dma_start3A_353] : memref<2x10112x128xf32, #tpu.memory_space<hbm>> -> memref<1x80x128xf32, #tpu.memory_space<hbm>>
      %dma_start3A_355 = tpu.memref_squeeze %dma_start3A_354 : memref<1x80x128xf32, #tpu.memory_space<hbm>> -> memref<80x128xf32, #tpu.memory_space<hbm>>
      %dma_start3A_356 = arith.constant 0 : i32
      %dma_start3A_357 = tpu.memref_slice %arg8[%add3A_342, %dma_start3A_356] : memref<10112x128xf32, #tpu.memory_space<vmem_shared>> -> memref<80x128xf32, #tpu.memory_space<vmem_shared>>
      tpu.enqueue_dma source(%dma_start3A_357 : memref<80x128xf32, #tpu.memory_space<vmem_shared>>) target(%dma_start3A_355 : memref<80x128xf32, #tpu.memory_space<hbm>>) target_semaphore(%run_scoped3A : memref<!tpu.dma_semaphore, #tpu.memory_space<semaphore_mem>>)
      %dma_wait3A_358 = arith.constant 0 : i32
      %dma_wait3A_359 = tpu.memref_slice %arg6[%arg0, %add3A_342, %dma_wait3A_358] : memref<2x10112x128xf32, #tpu.memory_space<hbm>> -> memref<1x80x128xf32, #tpu.memory_space<hbm>>
      %dma_wait3A_360 = tpu.memref_squeeze %dma_wait3A_359 : memref<1x80x128xf32, #tpu.memory_space<hbm>> -> memref<80x128xf32, #tpu.memory_space<hbm>>
      %dma_wait3A_361 = arith.constant 0 : i32
      %dma_wait3A_362 = tpu.memref_slice %arg8[%add3A_342, %dma_wait3A_361] : memref<10112x128xf32, #tpu.memory_space<vmem_shared>> -> memref<80x128xf32, #tpu.memory_space<vmem_shared>>
      tpu.wait_dma2 semaphore(%run_scoped3A : memref<!tpu.dma_semaphore, #tpu.memory_space<semaphore_mem>>) src(%dma_wait3A_362 : memref<80x128xf32, #tpu.memory_space<vmem_shared>>) dst(%dma_wait3A_360 : memref<80x128xf32, #tpu.memory_space<hbm>>)
      tpu.yield
    }) : () -> ()
    %add3A_343 = arith.constant 320 : i32
    %add3A_344 = arith.addi %mul3A_14, %add3A_343 : i32
    "tpu.region"() ({
      %run_scoped3A = tpu.sem_alloc : memref<!tpu.dma_semaphore, #tpu.memory_space<semaphore_mem>>
      %dma_start3A_353 = arith.constant 0 : i32
      %dma_start3A_354 = tpu.memref_slice %arg6[%arg0, %add3A_344, %dma_start3A_353] : memref<2x10112x128xf32, #tpu.memory_space<hbm>> -> memref<1x80x128xf32, #tpu.memory_space<hbm>>
      %dma_start3A_355 = tpu.memref_squeeze %dma_start3A_354 : memref<1x80x128xf32, #tpu.memory_space<hbm>> -> memref<80x128xf32, #tpu.memory_space<hbm>>
      %dma_start3A_356 = arith.constant 0 : i32
      %dma_start3A_357 = tpu.memref_slice %arg8[%add3A_344, %dma_start3A_356] : memref<10112x128xf32, #tpu.memory_space<vmem_shared>> -> memref<80x128xf32, #tpu.memory_space<vmem_shared>>
      tpu.enqueue_dma source(%dma_start3A_357 : memref<80x128xf32, #tpu.memory_space<vmem_shared>>) target(%dma_start3A_355 : memref<80x128xf32, #tpu.memory_space<hbm>>) target_semaphore(%run_scoped3A : memref<!tpu.dma_semaphore, #tpu.memory_space<semaphore_mem>>)
      %dma_wait3A_358 = arith.constant 0 : i32
      %dma_wait3A_359 = tpu.memref_slice %arg6[%arg0, %add3A_344, %dma_wait3A_358] : memref<2x10112x128xf32, #tpu.memory_space<hbm>> -> memref<1x80x128xf32, #tpu.memory_space<hbm>>
      %dma_wait3A_360 = tpu.memref_squeeze %dma_wait3A_359 : memref<1x80x128xf32, #tpu.memory_space<hbm>> -> memref<80x128xf32, #tpu.memory_space<hbm>>
      %dma_wait3A_361 = arith.constant 0 : i32
      %dma_wait3A_362 = tpu.memref_slice %arg8[%add3A_344, %dma_wait3A_361] : memref<10112x128xf32, #tpu.memory_space<vmem_shared>> -> memref<80x128xf32, #tpu.memory_space<vmem_shared>>
      tpu.wait_dma2 semaphore(%run_scoped3A : memref<!tpu.dma_semaphore, #tpu.memory_space<semaphore_mem>>) src(%dma_wait3A_362 : memref<80x128xf32, #tpu.memory_space<vmem_shared>>) dst(%dma_wait3A_360 : memref<80x128xf32, #tpu.memory_space<hbm>>)
      tpu.yield
    }) : () -> ()
    %add3A_345 = arith.constant 400 : i32
    %add3A_346 = arith.addi %mul3A_14, %add3A_345 : i32
    "tpu.region"() ({
      %run_scoped3A = tpu.sem_alloc : memref<!tpu.dma_semaphore, #tpu.memory_space<semaphore_mem>>
      %dma_start3A_353 = arith.constant 0 : i32
      %dma_start3A_354 = tpu.memref_slice %arg6[%arg0, %add3A_346, %dma_start3A_353] : memref<2x10112x128xf32, #tpu.memory_space<hbm>> -> memref<1x80x128xf32, #tpu.memory_space<hbm>>
      %dma_start3A_355 = tpu.memref_squeeze %dma_start3A_354 : memref<1x80x128xf32, #tpu.memory_space<hbm>> -> memref<80x128xf32, #tpu.memory_space<hbm>>
      %dma_start3A_356 = arith.constant 0 : i32
      %dma_start3A_357 = tpu.memref_slice %arg8[%add3A_346, %dma_start3A_356] : memref<10112x128xf32, #tpu.memory_space<vmem_shared>> -> memref<80x128xf32, #tpu.memory_space<vmem_shared>>
      tpu.enqueue_dma source(%dma_start3A_357 : memref<80x128xf32, #tpu.memory_space<vmem_shared>>) target(%dma_start3A_355 : memref<80x128xf32, #tpu.memory_space<hbm>>) target_semaphore(%run_scoped3A : memref<!tpu.dma_semaphore, #tpu.memory_space<semaphore_mem>>)
      %dma_wait3A_358 = arith.constant 0 : i32
      %dma_wait3A_359 = tpu.memref_slice %arg6[%arg0, %add3A_346, %dma_wait3A_358] : memref<2x10112x128xf32, #tpu.memory_space<hbm>> -> memref<1x80x128xf32, #tpu.memory_space<hbm>>
      %dma_wait3A_360 = tpu.memref_squeeze %dma_wait3A_359 : memref<1x80x128xf32, #tpu.memory_space<hbm>> -> memref<80x128xf32, #tpu.memory_space<hbm>>
      %dma_wait3A_361 = arith.constant 0 : i32
      %dma_wait3A_362 = tpu.memref_slice %arg8[%add3A_346, %dma_wait3A_361] : memref<10112x128xf32, #tpu.memory_space<vmem_shared>> -> memref<80x128xf32, #tpu.memory_space<vmem_shared>>
      tpu.wait_dma2 semaphore(%run_scoped3A : memref<!tpu.dma_semaphore, #tpu.memory_space<semaphore_mem>>) src(%dma_wait3A_362 : memref<80x128xf32, #tpu.memory_space<vmem_shared>>) dst(%dma_wait3A_360 : memref<80x128xf32, #tpu.memory_space<hbm>>)
      tpu.yield
    }) : () -> ()
    %add3A_347 = arith.constant 480 : i32
    %add3A_348 = arith.addi %mul3A_14, %add3A_347 : i32
    "tpu.region"() ({
      %run_scoped3A = tpu.sem_alloc : memref<!tpu.dma_semaphore, #tpu.memory_space<semaphore_mem>>
      %dma_start3A_353 = arith.constant 0 : i32
      %dma_start3A_354 = tpu.memref_slice %arg6[%arg0, %add3A_348, %dma_start3A_353] : memref<2x10112x128xf32, #tpu.memory_space<hbm>> -> memref<1x80x128xf32, #tpu.memory_space<hbm>>
      %dma_start3A_355 = tpu.memref_squeeze %dma_start3A_354 : memref<1x80x128xf32, #tpu.memory_space<hbm>> -> memref<80x128xf32, #tpu.memory_space<hbm>>
      %dma_start3A_356 = arith.constant 0 : i32
      %dma_start3A_357 = tpu.memref_slice %arg8[%add3A_348, %dma_start3A_356] : memref<10112x128xf32, #tpu.memory_space<vmem_shared>> -> memref<80x128xf32, #tpu.memory_space<vmem_shared>>
      tpu.enqueue_dma source(%dma_start3A_357 : memref<80x128xf32, #tpu.memory_space<vmem_shared>>) target(%dma_start3A_355 : memref<80x128xf32, #tpu.memory_space<hbm>>) target_semaphore(%run_scoped3A : memref<!tpu.dma_semaphore, #tpu.memory_space<semaphore_mem>>)
      %dma_wait3A_358 = arith.constant 0 : i32
      %dma_wait3A_359 = tpu.memref_slice %arg6[%arg0, %add3A_348, %dma_wait3A_358] : memref<2x10112x128xf32, #tpu.memory_space<hbm>> -> memref<1x80x128xf32, #tpu.memory_space<hbm>>
      %dma_wait3A_360 = tpu.memref_squeeze %dma_wait3A_359 : memref<1x80x128xf32, #tpu.memory_space<hbm>> -> memref<80x128xf32, #tpu.memory_space<hbm>>
      %dma_wait3A_361 = arith.constant 0 : i32
      %dma_wait3A_362 = tpu.memref_slice %arg8[%add3A_348, %dma_wait3A_361] : memref<10112x128xf32, #tpu.memory_space<vmem_shared>> -> memref<80x128xf32, #tpu.memory_space<vmem_shared>>
      tpu.wait_dma2 semaphore(%run_scoped3A : memref<!tpu.dma_semaphore, #tpu.memory_space<semaphore_mem>>) src(%dma_wait3A_362 : memref<80x128xf32, #tpu.memory_space<vmem_shared>>) dst(%dma_wait3A_360 : memref<80x128xf32, #tpu.memory_space<hbm>>)
      tpu.yield
    }) : () -> ()
    %add3A_349 = arith.constant 560 : i32
    %add3A_350 = arith.addi %mul3A_14, %add3A_349 : i32
    "tpu.region"() ({
      %run_scoped3A = tpu.sem_alloc : memref<!tpu.dma_semaphore, #tpu.memory_space<semaphore_mem>>
      %dma_start3A_353 = arith.constant 0 : i32
      %dma_start3A_354 = tpu.memref_slice %arg6[%arg0, %add3A_350, %dma_start3A_353] : memref<2x10112x128xf32, #tpu.memory_space<hbm>> -> memref<1x72x128xf32, #tpu.memory_space<hbm>>
      %dma_start3A_355 = tpu.memref_squeeze %dma_start3A_354 : memref<1x72x128xf32, #tpu.memory_space<hbm>> -> memref<72x128xf32, #tpu.memory_space<hbm>>
      %dma_start3A_356 = arith.constant 0 : i32
      %dma_start3A_357 = tpu.memref_slice %arg8[%add3A_350, %dma_start3A_356] : memref<10112x128xf32, #tpu.memory_space<vmem_shared>> -> memref<72x128xf32, #tpu.memory_space<vmem_shared>>
      tpu.enqueue_dma source(%dma_start3A_357 : memref<72x128xf32, #tpu.memory_space<vmem_shared>>) target(%dma_start3A_355 : memref<72x128xf32, #tpu.memory_space<hbm>>) target_semaphore(%run_scoped3A : memref<!tpu.dma_semaphore, #tpu.memory_space<semaphore_mem>>)
      %dma_wait3A_358 = arith.constant 0 : i32
      %dma_wait3A_359 = tpu.memref_slice %arg6[%arg0, %add3A_350, %dma_wait3A_358] : memref<2x10112x128xf32, #tpu.memory_space<hbm>> -> memref<1x72x128xf32, #tpu.memory_space<hbm>>
      %dma_wait3A_360 = tpu.memref_squeeze %dma_wait3A_359 : memref<1x72x128xf32, #tpu.memory_space<hbm>> -> memref<72x128xf32, #tpu.memory_space<hbm>>
      %dma_wait3A_361 = arith.constant 0 : i32
      %dma_wait3A_362 = tpu.memref_slice %arg8[%add3A_350, %dma_wait3A_361] : memref<10112x128xf32, #tpu.memory_space<vmem_shared>> -> memref<72x128xf32, #tpu.memory_space<vmem_shared>>
      tpu.wait_dma2 semaphore(%run_scoped3A : memref<!tpu.dma_semaphore, #tpu.memory_space<semaphore_mem>>) src(%dma_wait3A_362 : memref<72x128xf32, #tpu.memory_space<vmem_shared>>) dst(%dma_wait3A_360 : memref<72x128xf32, #tpu.memory_space<hbm>>)
      tpu.yield
    }) : () -> ()
    %mul3A_351 = arith.constant 10112 : i32
    %mul3A_352 = arith.muli %add3A, %mul3A_351 : i32
    "tpu.region"() ({
      %run_scoped3A = tpu.sem_alloc : memref<!tpu.dma_semaphore, #tpu.memory_space<semaphore_mem>>
      %dma_start3A_353 = tpu.memref_slice %arg7[%mul3A_352] : memref<323584xf32, #tpu.memory_space<hbm>> -> memref<10112xf32, #tpu.memory_space<hbm>>
      %dma_start3A_354 = tpu.memref_slice %arg7[%mul3A_352] : memref<323584xf32, #tpu.memory_space<hbm>> -> memref<10112xf32, #tpu.memory_space<hbm>>
      tpu.enqueue_dma source(%arg19 : memref<10112xf32, #tpu.memory_space<vmem>>) target(%dma_start3A_354 : memref<10112xf32, #tpu.memory_space<hbm>>) target_semaphore(%run_scoped3A : memref<!tpu.dma_semaphore, #tpu.memory_space<semaphore_mem>>)
      %dma_wait3A_355 = tpu.memref_slice %arg7[%mul3A_352] : memref<323584xf32, #tpu.memory_space<hbm>> -> memref<10112xf32, #tpu.memory_space<hbm>>
      %dma_wait3A_356 = tpu.memref_slice %arg7[%mul3A_352] : memref<323584xf32, #tpu.memory_space<hbm>> -> memref<10112xf32, #tpu.memory_space<hbm>>
      tpu.wait_dma2 semaphore(%run_scoped3A : memref<!tpu.dma_semaphore, #tpu.memory_space<semaphore_mem>>) src(%arg19 : memref<10112xf32, #tpu.memory_space<vmem>>) dst(%dma_wait3A_356 : memref<10112xf32, #tpu.memory_space<hbm>>)
      tpu.yield
    }) : () -> ()
    return
  }
}

module attributes {stable_mosaic.version = 14 : i64} {
  func.func @_ae_kernel(%arg0: i32, %arg1: memref<4000x16xf32, #tpu.memory_space<vmem>>, %arg2: memref<16x128xf32, #tpu.memory_space<vmem>>, %arg3: memref<4000x128xf32, #tpu.memory_space<vmem>>) attributes {dimension_semantics = [#tpu.dimension_semantics<arbitrary>], iteration_bounds = array<i64: 160>, scalar_prefetch = 0 : i64, scratch_operands = 0 : i64, tpu.core_type = #tpu.core_type<tc>, window_params = [{transform_indices = @transform_0, window_bounds = array<i64: 4000, 16>}, {pipeline_mode = #tpu.pipeline_mode<synchronous>, transform_indices = @transform_1, window_bounds = array<i64: 16, 128>}, {transform_indices = @transform_2, window_bounds = array<i64: 4000, 128>}]} {
    %get3A = arith.constant 0 : index
    %get3A_0 = arith.constant 0 : index
    %get3A_1 = vector.load %arg1[%get3A, %get3A_0] : memref<4000x16xf32, #tpu.memory_space<vmem>>, vector<4000x16xf32>
    %get3A_2 = arith.constant 0 : index
    %get3A_3 = arith.constant 0 : index
    %get3A_4 = vector.load %arg2[%get3A_2, %get3A_3] : memref<16x128xf32, #tpu.memory_space<vmem>>, vector<16x128xf32>
    %dot_general3A = arith.constant dense<0.000000e+00> : vector<4000x128xf32>
    %dot_general3A_5 = tpu.matmul %get3A_1, %get3A_4, %dot_general3A {dimension_numbers = #tpu.dot_dimension_numbers<[1], [0], [0], [1], [0, 0, 1, 1], [], []>, transpose_lhs_hint = false} : vector<4000x16xf32>, vector<16x128xf32>, vector<4000x128xf32> -> vector<4000x128xf32>
    %swap3A = arith.constant 0 : index
    %swap3A_6 = arith.constant 0 : index
    %swap3A_7 = vector.load %arg3[%swap3A, %swap3A_6] : memref<4000x128xf32, #tpu.memory_space<vmem>>, vector<4000x128xf32>
    tpu.vector_store %arg3[%swap3A, %swap3A_6], %dot_general3A_5 {strides = array<i32>} : memref<4000x128xf32, #tpu.memory_space<vmem>>, vector<4000x128xf32>,
    return
  }
  func.func @transform_0(%arg0: i32) -> (i32, i32) {
    %c0_i32 = arith.constant 0 : i32
    %c0_i32_0 = arith.constant 0 : i32
    return %arg0, %c0_i32 : i32, i32
  }
  func.func @transform_1(%arg0: i32) -> (i32, i32) {
    %c0_i32 = arith.constant 0 : i32
    %c0_i32_0 = arith.constant 0 : i32
    %c0_i32_1 = arith.constant 0 : i32
    return %c0_i32, %c0_i32_0 : i32, i32
  }
  func.func @transform_2(%arg0: i32) -> (i32, i32) {
    %c0_i32 = arith.constant 0 : i32
    %c0_i32_0 = arith.constant 0 : i32
    return %arg0, %c0_i32 : i32, i32
  }
}

module attributes {stable_mosaic.version = 14 : i64} {
  func.func @_g_kernel(%arg0: memref<10000x128xf32, #tpu.memory_space<vmem>>, %arg1: memref<128x128xf32, #tpu.memory_space<vmem>>, %arg2: memref<1x128xf32, #tpu.memory_space<vmem>>, %arg3: memref<10000x128xf32, #tpu.memory_space<vmem>>) attributes {dimension_semantics = [], scalar_prefetch = 0 : i64, scratch_operands = 0 : i64, tpu.core_type = #tpu.core_type<tc>} {
    %get3A = arith.constant 0 : index
    %get3A_0 = arith.constant 0 : index
    %get3A_1 = vector.load %arg0[%get3A, %get3A_0] : memref<10000x128xf32, #tpu.memory_space<vmem>>, vector<10000x128xf32>
    %get3A_2 = arith.constant 0 : index
    %get3A_3 = arith.constant 0 : index
    %get3A_4 = vector.load %arg1[%get3A_2, %get3A_3] : memref<128x128xf32, #tpu.memory_space<vmem>>, vector<128x128xf32>
    %dot_general3A = arith.constant dense<0.000000e+00> : vector<10000x128xf32>
    %dot_general3A_5 = tpu.matmul %get3A_1, %get3A_4, %dot_general3A {dimension_numbers = #tpu.dot_dimension_numbers<[1], [0], [0], [1], [0, 0, 1, 1], [], []>, transpose_lhs_hint = false} : vector<10000x128xf32>, vector<128x128xf32>, vector<10000x128xf32> -> vector<10000x128xf32>
    %get3A_6 = arith.constant 0 : index
    %get3A_7 = arith.constant 0 : index
    %get3A_8 = vector.load %arg2[%get3A_6, %get3A_7] : memref<1x128xf32, #tpu.memory_space<vmem>>, vector<1x128xf32>
    %add3A = vector.broadcast %get3A_8 : vector<1x128xf32> to vector<10000x128xf32>
    %add3A_9 = arith.addf %dot_general3A_5, %add3A : vector<10000x128xf32>
    %swap3A = arith.constant 0 : index
    %swap3A_10 = arith.constant 0 : index
    %swap3A_11 = vector.load %arg3[%swap3A, %swap3A_10] : memref<10000x128xf32, #tpu.memory_space<vmem>>, vector<10000x128xf32>
    tpu.vector_store %arg3[%swap3A, %swap3A_10], %add3A_9 {strides = array<i32>} : memref<10000x128xf32, #tpu.memory_space<vmem>>, vector<10000x128xf32>,
    return
  }
}

module attributes {stable_mosaic.version = 14 : i64} {
  func.func @_final_kernel(%arg0: i32, %arg1: memref<2000x128xf32, #tpu.memory_space<vmem>>, %arg2: memref<2x2000x128xf32, #tpu.memory_space<vmem>>, %arg3: memref<2000x32xf32, #tpu.memory_space<vmem>>, %arg4: memref<128x128xf32, #tpu.memory_space<vmem>>, %arg5: memref<1x128xf32, #tpu.memory_space<vmem>>, %arg6: memref<128x128xf32, #tpu.memory_space<vmem>>, %arg7: memref<128x128xf32, #tpu.memory_space<vmem>>, %arg8: memref<1x128xf32, #tpu.memory_space<vmem>>, %arg9: memref<128x128xf32, #tpu.memory_space<vmem>>, %arg10: memref<1x128xf32, #tpu.memory_space<vmem>>, %arg11: memref<2000x128xf32, #tpu.memory_space<vmem>>) attributes {dimension_semantics = [#tpu.dimension_semantics<arbitrary>], iteration_bounds = array<i64: 5>, scalar_prefetch = 0 : i64, scratch_operands = 0 : i64, tpu.core_type = #tpu.core_type<tc>, window_params = [{transform_indices = @transform_0, window_bounds = array<i64: 2000, 128>}, {transform_indices = @transform_1, window_bounds = array<i64: 2, 2000, 128>}, {transform_indices = @transform_2, window_bounds = array<i64: 2000, 32>}, {pipeline_mode = #tpu.pipeline_mode<synchronous>, transform_indices = @transform_3, window_bounds = array<i64: 128, 128>}, {pipeline_mode = #tpu.pipeline_mode<synchronous>, transform_indices = @transform_4, window_bounds = array<i64: 1, 128>}, {pipeline_mode = #tpu.pipeline_mode<synchronous>, transform_indices = @transform_5, window_bounds = array<i64: 128, 128>}, {pipeline_mode = #tpu.pipeline_mode<synchronous>, transform_indices = @transform_6, window_bounds = array<i64: 128, 128>}, {pipeline_mode = #tpu.pipeline_mode<synchronous>, transform_indices = @transform_7, window_bounds = array<i64: 1, 128>}, {pipeline_mode = #tpu.pipeline_mode<synchronous>, transform_indices = @transform_8, window_bounds = array<i64: 128, 128>}, {pipeline_mode = #tpu.pipeline_mode<synchronous>, transform_indices = @transform_9, window_bounds = array<i64: 1, 128>}, {transform_indices = @transform_10, window_bounds = array<i64: 2000, 128>}]} {
    %get3A = arith.constant 0 : index
    %get3A_0 = arith.constant 0 : index
    %get3A_1 = arith.constant 0 : index
    %get3A_2 = vector.load %arg2[%get3A, %get3A_0, %get3A_1] : memref<2x2000x128xf32, #tpu.memory_space<vmem>>, vector<1x2000x128xf32>
    %get3A_3 = vector.shape_cast %get3A_2 : vector<1x2000x128xf32> to vector<2000x128xf32>
    %get3A_4 = arith.constant 1 : index
    %get3A_5 = arith.constant 0 : index
    %get3A_6 = arith.constant 0 : index
    %get3A_7 = vector.load %arg2[%get3A_4, %get3A_5, %get3A_6] : memref<2x2000x128xf32, #tpu.memory_space<vmem>>, vector<1x2000x128xf32>
    %get3A_8 = vector.shape_cast %get3A_7 : vector<1x2000x128xf32> to vector<2000x128xf32>
    %add3A = arith.addf %get3A_3, %get3A_8 : vector<2000x128xf32>
    %get3A_9 = arith.constant 0 : index
    %get3A_10 = arith.constant 0 : index
    %get3A_11 = vector.load %arg3[%get3A_9, %get3A_10] : memref<2000x32xf32, #tpu.memory_space<vmem>>, vector<2000x32xf32>
    %reduce_sum3A = arith.constant dense<0.000000e+00> : vector<2000xf32>
    %reduce_sum3A_12 = vector.multi_reduction <add>, %get3A_11, %reduce_sum3A [1] : vector<2000x32xf32> to vector<2000xf32>
    %broadcast_in_dim3A = vector.shape_cast %reduce_sum3A_12 : vector<2000xf32> to vector<2000x1xf32>
    %max3A = arith.constant 1.000000e+00 : f32
    %max3A_13 = vector.broadcast %max3A : f32 to vector<2000x1xf32>
    %max3A_14 = arith.maximumf %broadcast_in_dim3A, %max3A_13 : vector<2000x1xf32>
    %div3A = vector.broadcast %max3A_14 : vector<2000x1xf32> to vector<2000x128xf32>
    %div3A_15 = arith.divf %add3A, %div3A : vector<2000x128xf32>
    %get3A_16 = arith.constant 0 : index
    %get3A_17 = arith.constant 0 : index
    %get3A_18 = vector.load %arg4[%get3A_16, %get3A_17] : memref<128x128xf32, #tpu.memory_space<vmem>>, vector<128x128xf32>
    %dot_general3A = arith.constant dense<0.000000e+00> : vector<2000x128xf32>
    %dot_general3A_19 = tpu.matmul %div3A_15, %get3A_18, %dot_general3A {dimension_numbers = #tpu.dot_dimension_numbers<[1], [0], [0], [1], [0, 0, 1, 1], [], []>, transpose_lhs_hint = false} : vector<2000x128xf32>, vector<128x128xf32>, vector<2000x128xf32> -> vector<2000x128xf32>
    %get3A_20 = arith.constant 0 : index
    %get3A_21 = arith.constant 0 : index
    %get3A_22 = vector.load %arg5[%get3A_20, %get3A_21] : memref<1x128xf32, #tpu.memory_space<vmem>>, vector<1x128xf32>
    %div3A_23 = arith.divf %broadcast_in_dim3A, %max3A_14 : vector<2000x1xf32>
    %mul3A = vector.broadcast %get3A_22 : vector<1x128xf32> to vector<2000x128xf32>
    %mul3A_24 = vector.broadcast %div3A_23 : vector<2000x1xf32> to vector<2000x128xf32>
    %mul3A_25 = arith.mulf %mul3A, %mul3A_24 : vector<2000x128xf32>
    %add3A_26 = arith.addf %dot_general3A_19, %mul3A_25 : vector<2000x128xf32>
    %get3A_27 = arith.constant 0 : index
    %get3A_28 = arith.constant 0 : index
    %get3A_29 = vector.load %arg1[%get3A_27, %get3A_28] : memref<2000x128xf32, #tpu.memory_space<vmem>>, vector<2000x128xf32>
    %get3A_30 = arith.constant 0 : index
    %get3A_31 = arith.constant 0 : index
    %get3A_32 = vector.load %arg6[%get3A_30, %get3A_31] : memref<128x128xf32, #tpu.memory_space<vmem>>, vector<128x128xf32>
    %dot_general3A_33 = arith.constant dense<0.000000e+00> : vector<2000x128xf32>
    %dot_general3A_34 = tpu.matmul %get3A_29, %get3A_32, %dot_general3A_33 {dimension_numbers = #tpu.dot_dimension_numbers<[1], [0], [0], [1], [0, 0, 1, 1], [], []>, transpose_lhs_hint = false} : vector<2000x128xf32>, vector<128x128xf32>, vector<2000x128xf32> -> vector<2000x128xf32>
    %get3A_35 = arith.constant 0 : index
    %get3A_36 = arith.constant 0 : index
    %get3A_37 = vector.load %arg7[%get3A_35, %get3A_36] : memref<128x128xf32, #tpu.memory_space<vmem>>, vector<128x128xf32>
    %dot_general3A_38 = arith.constant dense<0.000000e+00> : vector<2000x128xf32>
    %dot_general3A_39 = tpu.matmul %add3A_26, %get3A_37, %dot_general3A_38 {dimension_numbers = #tpu.dot_dimension_numbers<[1], [0], [0], [1], [0, 0, 1, 1], [], []>, transpose_lhs_hint = false} : vector<2000x128xf32>, vector<128x128xf32>, vector<2000x128xf32> -> vector<2000x128xf32>
    %add3A_40 = arith.addf %dot_general3A_34, %dot_general3A_39 : vector<2000x128xf32>
    %get3A_41 = arith.constant 0 : index
    %get3A_42 = arith.constant 0 : index
    %get3A_43 = vector.load %arg8[%get3A_41, %get3A_42] : memref<1x128xf32, #tpu.memory_space<vmem>>, vector<1x128xf32>
    %add3A_44 = vector.broadcast %get3A_43 : vector<1x128xf32> to vector<2000x128xf32>
    %add3A_45 = arith.addf %add3A_40, %add3A_44 : vector<2000x128xf32>
    %max3A_46 = arith.constant 0.000000e+00 : f32
    %max3A_47 = vector.broadcast %max3A_46 : f32 to vector<2000x128xf32>
    %max3A_48 = arith.maximumf %add3A_45, %max3A_47 : vector<2000x128xf32>
    %get3A_49 = arith.constant 0 : index
    %get3A_50 = arith.constant 0 : index
    %get3A_51 = vector.load %arg9[%get3A_49, %get3A_50] : memref<128x128xf32, #tpu.memory_space<vmem>>, vector<128x128xf32>
    %dot_general3A_52 = arith.constant dense<0.000000e+00> : vector<2000x128xf32>
    %dot_general3A_53 = tpu.matmul %max3A_48, %get3A_51, %dot_general3A_52 {dimension_numbers = #tpu.dot_dimension_numbers<[1], [0], [0], [1], [0, 0, 1, 1], [], []>, transpose_lhs_hint = false} : vector<2000x128xf32>, vector<128x128xf32>, vector<2000x128xf32> -> vector<2000x128xf32>
    %get3A_54 = arith.constant 0 : index
    %get3A_55 = arith.constant 0 : index
    %get3A_56 = vector.load %arg10[%get3A_54, %get3A_55] : memref<1x128xf32, #tpu.memory_space<vmem>>, vector<1x128xf32>
    %add3A_57 = vector.broadcast %get3A_56 : vector<1x128xf32> to vector<2000x128xf32>
    %add3A_58 = arith.addf %dot_general3A_53, %add3A_57 : vector<2000x128xf32>
    %swap3A = arith.constant 0 : index
    %swap3A_59 = arith.constant 0 : index
    %swap3A_60 = vector.load %arg11[%swap3A, %swap3A_59] : memref<2000x128xf32, #tpu.memory_space<vmem>>, vector<2000x128xf32>
    tpu.vector_store %arg11[%swap3A, %swap3A_59], %add3A_58 {strides = array<i32>} : memref<2000x128xf32, #tpu.memory_space<vmem>>, vector<2000x128xf32>,
    return
  }
  func.func @transform_0(%arg0: i32) -> (i32, i32) {
    %c0_i32 = arith.constant 0 : i32
    %c0_i32_0 = arith.constant 0 : i32
    return %arg0, %c0_i32 : i32, i32
  }
  func.func @transform_1(%arg0: i32) -> (i32, i32, i32) {
    %c0_i32 = arith.constant 0 : i32
    %c0_i32_0 = arith.constant 0 : i32
    %c0_i32_1 = arith.constant 0 : i32
    return %c0_i32, %arg0, %c0_i32_0 : i32, i32, i32
  }
  func.func @transform_2(%arg0: i32) -> (i32, i32) {
    %c0_i32 = arith.constant 0 : i32
    %c0_i32_0 = arith.constant 0 : i32
    return %arg0, %c0_i32 : i32, i32
  }
  func.func @transform_3(%arg0: i32) -> (i32, i32) {
    %c0_i32 = arith.constant 0 : i32
    %c0_i32_0 = arith.constant 0 : i32
    %c0_i32_1 = arith.constant 0 : i32
    return %c0_i32, %c0_i32_0 : i32, i32
  }
  func.func @transform_4(%arg0: i32) -> (i32, i32) {
    %c0_i32 = arith.constant 0 : i32
    %c0_i32_0 = arith.constant 0 : i32
    %c0_i32_1 = arith.constant 0 : i32
    return %c0_i32, %c0_i32_0 : i32, i32
  }
  func.func @transform_5(%arg0: i32) -> (i32, i32) {
    %c0_i32 = arith.constant 0 : i32
    %c0_i32_0 = arith.constant 0 : i32
    %c0_i32_1 = arith.constant 0 : i32
    return %c0_i32, %c0_i32_0 : i32, i32
  }
  func.func @transform_6(%arg0: i32) -> (i32, i32) {
    %c0_i32 = arith.constant 0 : i32
    %c0_i32_0 = arith.constant 0 : i32
    %c0_i32_1 = arith.constant 0 : i32
    return %c0_i32, %c0_i32_0 : i32, i32
  }
  func.func @transform_7(%arg0: i32) -> (i32, i32) {
    %c0_i32 = arith.constant 0 : i32
    %c0_i32_0 = arith.constant 0 : i32
    %c0_i32_1 = arith.constant 0 : i32
    return %c0_i32, %c0_i32_0 : i32, i32
  }
  func.func @transform_8(%arg0: i32) -> (i32, i32) {
    %c0_i32 = arith.constant 0 : i32
    %c0_i32_0 = arith.constant 0 : i32
    %c0_i32_1 = arith.constant 0 : i32
    return %c0_i32, %c0_i32_0 : i32, i32
  }
  func.func @transform_9(%arg0: i32) -> (i32, i32) {
    %c0_i32 = arith.constant 0 : i32
    %c0_i32_0 = arith.constant 0 : i32
    %c0_i32_1 = arith.constant 0 : i32
    return %c0_i32, %c0_i32_0 : i32, i32
  }
  func.func @transform_10(%arg0: i32) -> (i32, i32) {
    %c0_i32 = arith.constant 0 : i32
    %c0_i32_0 = arith.constant 0 : i32
    return %arg0, %c0_i32 : i32, i32
  }
}

</mosaic_0001>

<sc_bundles>
// kernel: kernel.6.cloned.1.call-start
scs
__scs_entry_jumppad:
0x0: {  	(pc) =	sbr.rel $0x88, $3  }
0x1: {  	(tag) =	ssettag $0x0;
	lr =	simm.s32 $0x1  }
0x2: {  	[smem:$0x3F96] =	sst lr;
	_ =	strace $0xD0000000  }
0x3: {  	_ = 	snop  }
0x4: {  	_ = 	snop  }
0x5: {  	_ = 	snop  }
0x6: {  	_ = 	snop  }
0x7: {  	_ = 	snop  }
__scs_overlays_trampoline_lowered:
0x8: {  	[smem:$0x3FA5] =	sst s0  }
0x9: {  	[smem:$0x3FA6] =	sst s1  }
0xa: {  	[smem:$0x3FA7] =	sst s2  }
0xb: {  	[smem:$0x3FA8] =	sst s3  }
0xc: {  	[smem:$0x3FA9] =	sst s4  }
0xd: {  	[smem:$0x3FAA] =	sst s5  }
0xe: {  	[smem:$0x3FAB] =	sst s6  }
0xf: {  	[smem:$0x3FAC] =	sst s7  }
0x10: {  	[smem:$0x3FAD] =	sst s8  }
0x11: {  	[smem:$0x3FAE] =	sst s9;
	s0 =	simm.s32 @!p0 $0x0  }
0x12: {  	s1 =	sld [smem:$0x3F94];
	s0 =	simm.s32 @p0 $0x1  }
0x13: {  	[smem:$0x3FAF] =	sst s0;
	s0 =	simm.s32 @!p1 $0x0  }
0x14: {  	s2 =	sld [smem:$0x3F93];
	s0 =	simm.s32 @p1 $0x1  }
0x15: {  	[smem:$0x3FB0] =	sst s0;
	s0 =	simm.s32 @!p2 $0x0  }
0x16: {  	s3 =	sld [smem:$0x3FDB];
	s0 =	simm.s32 @p2 $0x1  }
0x17: {  	s4 =	simm.s32 $0x1BF5;
	[smem:$0x3FB2] =	sst s0  }
0x18: {  	s0 =	sld [smem:$0x3F95];
	_ =	swait.ge [sflag:s4], $0x0  }
0x19: {  	s7 =	sld [smem:$0x3F96]  }
0x1a: {  	s8 =	sadd.s32 $0xFFFFE003, lr  }
0x1b: {  	s9 =	sadd.s32 $0xFFFFFEF7, lr;
	s5 =	simm.s32 $0xFFFFFFFF;
	p2 =	slt.u32 s8, $0xFFFFF086  }
0x1c: {  	p1 =	slt.u32 s9, $0xF7A;
	s5 =	simm.s32 @!p2 $0x0  }
0x1d: {  	s5 =	simm.s32 @p1 $0x1;
	p0 =	seq.s32 s7, s2  }
0x1e: {  	s7 =	smul.u32 @!p0 $0xF7A, s2;
	p2 =	seq.s32 @!p0 s5, $0x0  }
0x1f: {  	s9 =	smul.u32 $0xF7A, s1;
	s8 =	simm.s32 @!p0 $0x1BF5;
	p2 =	por !p2, p0  }
0x20: {  	[sflag:s8] =	ssyncset.s32 @!p0 $0xFFFFF086;
	s6 =	sadd.s32 @!p0 s3, s7;
	s7 =	simm.s32 @!p0 $0x108  }
0x21: {  	s3 =	sadd.s32 s3, s9;
	s6 =	sadd.s32 @!p0 $0x88, s6;
	s7 =	simm.s32 @p2 $0x1082  }
0x22: {  	[simem:s7], [sflag:s8] =	dma.local @!p0 [hbm:s6], $0xF7A  }
0x23: {  	s9 =	sor.u32 $0xD0000000, s2;
	s6 =	simm.s32 $0x108;
	_ =	swait.ge @!p0 [sflag:s8], $0x0  }
0x24: {  	s3 =	sadd.s32 $0x88, s3;
	s6 =	simm.s32 @!p1 $0x1082;
	[sflag:s4] =	ssyncset.s32 $0xFFFFF086  }
0x25: {  	[simem:s6], [sflag:s4] =	dma.local [hbm:s3], $0xF7A  }
0x26: {  	[smem:$0x3F96] =	sst s1;
	(tag) =	ssettag s2;
	_ =	strace s9  }
0x27: {  	s1 =	sld [smem:$0x3FA6]  }
0x28: {  	s2 =	sld [smem:$0x3FA7]  }
0x29: {  	s4 =	sld [smem:$0x3FA9]  }
0x2a: {  	p0 =	seq.s32 s5, $0x0;
	s5 =	sld [smem:$0x3FAA]  }
0x2b: {  	s6 =	sld [smem:$0x3FAB]  }
0x2c: {  	s7 =	sld [smem:$0x3FAC]  }
0x2d: {  	s3 =	simm.s32 $0x108;
	s8 =	sld [smem:$0x3FAD]  }
0x2e: {  	s3 =	simm.s32 @!p0 $0x1082;
	s9 =	sld [smem:$0x3FAE]  }
0x2f: {  	lr =	sadd.s32 s0, s3;
	s0 =	sld [smem:$0x3FA5]  }
0x30: {  	s3 =	sld [smem:$0x3FA8]  }
0x31: {  	[smem:$0x3FB1] =	sst s10  }
0x32: {  	s10 =	sld [smem:$0x3FAF];
	_ =	sdelay $0x3  }
0x33: {  	p0 =	seq.s32 s10, $0x1;
	s10 =	sld [smem:$0x3FB1];
	_ =	sdelay $0x3  }
0x34: {  	[smem:$0x3FB1] =	sst s10  }
0x35: {  	s10 =	sld [smem:$0x3FB0];
	_ =	sdelay $0x3  }
0x36: {  	p1 =	seq.s32 s10, $0x1;
	s10 =	sld [smem:$0x3FB1];
	_ =	sdelay $0x3  }
0x37: {  	[smem:$0x3FB1] =	sst s10  }
0x38: {  	s10 =	sld [smem:$0x3FB2]  }
0x39: {  	_ = 	snop;
	(pc) =	sbr.ind lr, $3  }
0x3a: {  	_ = 	snop  }
0x3b: {  	_ = 	snop  }
0x3c: {  	p2 =	seq.s32 s10, $0x1;
	s10 =	sld [smem:$0x3FB1]  }
0x3d: {  	_ =	shalt  }
0x3e: {  	_ =	shalt  }
0x3f: {  	_ =	shalt  }
0x40: {  	_ =	shalt  }
0x41: {  	_ =	shalt  }
0x42: {  	_ =	shalt  }
0x43: {  	_ =	shalt  }
0x44: {  	_ =	shalt  }
0x45: {  	_ =	shalt  }
0x46: {  	_ =	shalt  }
0x47: {  	_ =	shalt  }
0x48: {  	_ =	shalt  }
0x49: {  	_ =	shalt  }
0x4a: {  	_ =	shalt  }
0x4b: {  	_ =	shalt  }
0x4c: {  	_ =	shalt  }
0x4d: {  	_ =	shalt  }
0x4e: {  	_ =	shalt  }
0x4f: {  	_ =	shalt  }
0x50: {  	_ =	shalt  }
0x51: {  	_ =	shalt  }
0x52: {  	_ =	shalt  }
0x53: {  	_ =	shalt  }
0x54: {  	_ =	shalt  }
0x55: {  	_ =	shalt  }
0x56: {  	_ =	shalt  }
0x57: {  	_ =	shalt  }
0x58: {  	_ =	shalt  }
0x59: {  	_ =	shalt  }
0x5a: {  	_ =	shalt  }
0x5b: {  	_ =	shalt  }
0x5c: {  	_ =	shalt  }
0x5d: {  	_ =	shalt  }
0x5e: {  	_ =	shalt  }
0x5f: {  	_ =	shalt  }
0x60: {  	_ =	shalt  }
0x61: {  	_ =	shalt  }
0x62: {  	_ =	shalt  }
0x63: {  	_ =	shalt  }
0x64: {  	_ =	shalt  }
0x65: {  	_ =	shalt  }
0x66: {  	_ =	shalt  }
0x67: {  	_ =	shalt  }
0x68: {  	_ =	shalt  }
0x69: {  	_ =	shalt  }
0x6a: {  	_ =	shalt  }
0x6b: {  	_ =	shalt  }
0x6c: {  	_ =	shalt  }
0x6d: {  	_ =	shalt  }
0x6e: {  	_ =	shalt  }
0x6f: {  	_ =	shalt  }
0x70: {  	_ =	shalt  }
0x71: {  	_ =	shalt  }
0x72: {  	_ =	shalt  }
0x73: {  	_ =	shalt  }
0x74: {  	_ =	shalt  }
0x75: {  	_ =	shalt  }
0x76: {  	_ =	shalt  }
0x77: {  	_ =	shalt  }
0x78: {  	_ =	shalt  }
0x79: {  	_ =	shalt  }
0x7a: {  	_ =	shalt  }
0x7b: {  	_ =	shalt  }
0x7c: {  	_ =	shalt  }
0x7d: {  	_ =	shalt  }
0x7e: {  	_ =	shalt  }
0x7f: {  	_ =	shalt  }
0x80: {  	_ =	shalt  }
0x81: {  	_ =	shalt  }
0x82: {  	_ =	shalt  }
0x83: {  	_ =	shalt  }
0x84: {  	_ =	shalt  }
0x85: {  	_ =	shalt  }
0x86: {  	_ =	shalt  }
0x87: {  	_ =	shalt  }
.Lfunc_end0:
.L_simem_size_0:
called_computation_lowered:
.L_overlay_start_0:
0x88: {  	s2 =	sld [smem:$0x3FD9]  }
0x89: {  	s3 =	sld [smem:$0x3FFE];
	_ =	sdelay $0x1  }
0x8a: {  	s1 =	srdreg.scid  }
0x8b: {  	s0 =	sand.u32 $0x1, s1  }
0x8c: {  	s17 =	sshll.u32 s0, $0xA;
	s2 =	sadd.s32 s3, s2  }
0x8d: {  	s2 =	sadd.s32 s2, s17  }
0x8e: {  	[smem:$0x3FBD] =	sst s2  }
0x8f: {  	_ = 	snop  }
0x90: {  	s2 =	sld [smem:$0x3FD0];
	(tm) =	ssettm $0x1  }
0x91: {  	s18 =	sld [smem:$0x3FFB];
	_ =	sdelay $0x3  }
0x92: {  	_ =	strace s18  }
0x93: {  	s3 =	sld [smem:$0x3FFC];
	_ =	sdelay $0x3  }
0x94: {  	_ =	strace s3  }
0x95: {  	s3 =	sld [smem:$0x3FFD];
	_ =	sdelay $0x3  }
0x96: {  	_ =	strace s3  }
0x97: {  	_ =	strace $0x8FFFFFFF  }
0x98: {  	s19 =	sld [smem:$0x3FDB];
	_ =	sdelay $0x1  }
0x99: {  	s4 =	simm.s32 $_scs_section_size  }
0x9a: {  	s5 =	simm.s32 $_size__tile_overlayer_lowered;
	s6 =	simm.s32 $_tile_overlayer_lowered  }
0x9b: {  	s22 =	simm.s32 $0x1BFF;
	s21 =	sshll.u32 s6, $0x1;
	s3 =	sadd.s32 s4, s19  }
0x9c: {  	s7 =	simm.s32 $0x0;
	s20 =	sshll.u32 s5, $0x1;
	s5 =	sadd.s32 s21, s3  }
0x9d: {  	[timem:s7], [sflag:s22] =	dma.local [hbm:s5], s20  }
0x9e: {  	_ =	swait.ge [sflag:s22], s20  }
0x9f: {  	s4 =	ssub.s32 $0x0, s20;
	[sflag:s22] =	ssyncset.done $0x0  }
0xa0: {  	[sflag:s22] =	ssyncadd.s32 s4;
	_ =	sdelay $0x1  }
0xa1: {  	s23 =	simm.s32 $0x1B8B  }
0xa2: {  	_ =	swait.ge [sflag:s23], $0x1  }
0xa3: {  	[sflag:s23] =	ssyncset.done $0x0  }
0xa4: {  	s25 =	simm.s32 $0x1B8E;
	s24 =	sld [smem:$0x3FFE];
	[sflag:s23] =	ssyncadd.s32 $0xFFFFFFFF  }
0xa5: {  	s26 =	simm.s32 $execute0_lowered;
	[smem:$0x3FD2] =	sst s25  }
0xa6: {  	s5 =	sshll.u32 s26, $0x1;
	_ =	strace $0x80000046;
	[dreg:$0x1] =	wrdreg $0xFFFFFFFF  }
0xa7: {  	s28 =	simm.s32 $_size_execute0_lowered;
	s3 =	sadd.s32 s3, s5;
	[dreg:$0x0] =	wrdreg $0x0  }
0xa8: {  	s5 =	sshll.u32 s28, $0x1;
	[dreg:$0x2] =	wrdreg s3  }
0xa9: {  	[dreg:$0x3] =	wrdreg s5  }
0xaa: {  	[dreg:$0x4] =	wrdreg $0xC0  }
0xab: {  	_ =	task [dreg:s7], $0x5FFFF  }
0xac: {  	[dreg:$0x1] =	wrdreg $0xFFFFFFFF  }
0xad: {  	[dreg:$0x0] =	wrdreg $0x60  }
0xae: {  	[dreg:$0x2] =	wrdreg s2  }
0xaf: {  	[dreg:$0x3] =	wrdreg s24  }
0xb0: {  	[dreg:$0x4] =	wrdreg $0x0  }
0xb1: {  	[dreg:$0x5] =	wrdreg $0x9  }
0xb2: {  	_ =	task.clear_ibuf [dreg:s7], $0x6FFFF;
	_ =	strace $0x90000046  }
0xb3: {  	s29 =	simm.s32 $0x9;
	_ =	strace $0x80000048  }
0xb4: {  	_ =	swait.ge [sflag:s29], $0x1  }
0xb5: {  	[sflag:s29] =	ssyncadd.s32 $0xFFFFFFFF  }
0xb6: {  	_ =	strace $0x90000048  }
0xb7: {  	_ =	sfence  }
0xb8: {  	s30 =	sld [smem:$0x0];
	_ =	sdelay $0x2  }
0xb9: {  	s31 =	sshll.u32 s1, $0xD;
	s1 =	sshrl.u32 s1, $0x2  }
0xba: {  	s3 =	sand.u32 $0x4000, s31;
	s1 =	sadd.s32 s1, s30  }
0xbb: {  	s0 =	sor.u32 s3, s0;
	s1 =	sshll.u32 s1, $0x11  }
0xbc: {  	s0 =	sor.u32 s1, s0  }
0xbd: {  	s0 =	sadd.s32 $0x8F2B, s0  }
0xbe: {  	[sflag:s0] =	ssyncadd.remote.s32 $0x1  }
0xbf: {  	_ =	sfence.sel $0xFFFF  }
0xc0: {  	[dreg:$0x0] =	wrdreg $0xFFFFFFFF;
	(pc) =	sbr.abs _section_cstart, $3  }
0xc1: {  	[dreg:$0x1] =	wrdreg $0xFFFFFFFF  }
0xc2: {  	_ =	task.clear_ibuf [dreg:s7], $0x2FFFF;
	_ =	strace $0x9FFFFFFF  }
0xc3: {  	(tm) =	ssettm $0x7FFFFFFF  }
tec
execute0_lowered:
.L_overlay_start_1:
0x0: {  	(tag) =	ssettag $0x1  }
0x1: {  	s0 =	rddreg [dreg:$0x0]  }
0x2: {  	s2 =	rddreg [dreg:$0x1]  }
0x3: {  	s1 =	srdreg.scid;
	s3 =	rddreg [dreg:$0x2]  }
0x4: {  	s11 =	stileid.u32;
	s4 =	simm.s32 $0x0;
	s30 =	simm.s32 $0x15180  }
0x5: {  	s31 =	simm.s32 $0x9;
	s28 =	simm.s32 $0x2;
	s5 =	sand.u32 $0x1, s1  }
0x6: {  	[smem:$0x7FF] =	sst s4;
	s8 =	smul.u32 $0x13C00, s11;
	s9 =	sadd.s32 $0x33600, s2  }
0x7: {  	s1 =	sshll.u32 s5, $0x4;
	_ =	strace $0x80000047;
	s14 =	ssub.s32 $0x2, s5  }
0x8: {  	s5 =	smul.u32 $0x13C000, s5;
	s6 =	sor.u32 s11, s1;
	s10 =	sshrl.u32 s14, $0x1  }
0x9: {  	s11 =	smul.u32 $0x4F000, s11;
	s12 =	sadd.s32 $0x5000, s8;
	s16 =	sadd.s32 $0x7800, s8  }
0xa: {  	s17 =	sadd.s32 $0xA000, s8;
	s18 =	sadd.s32 $0xC800, s8;
	s19 =	sadd.s32 $0xF000, s8  }
0xb: {  	s7 =	smul.u32 $0x4F0, s6;
	s1 =	ssub.s32 s14, s10;
	s10 =	sadd.s32 $0x2800, s8  }
0xc: {  	s13 =	sadd.s32 s8, s5;
	s8 =	sadd.s32 $0x11800, s8;
	s20 =	sadd.s32 s5, s12  }
0xd: {  	s21 =	sadd.s32 s5, s16;
	s24 =	sadd.s32 s5, s18;
	s12 =	sadd.s32 s12, s3  }
0xe: {  	s25 =	sadd.s32 s5, s19;
	s16 =	sadd.s32 s16, s3;
	[dreg:$0xe] =	wrdreg s12  }
0xf: {  	s18 =	sadd.s32 s18, s3;
	s14 =	sadd.s32 s5, s10;
	[dreg:$0xf] =	wrdreg s16  }
0x10: {  	s13 =	sshrl.u32 s13, $0x3;
	s1 =	smax.u32 s1, $0x1;
	[dreg:$0x11] =	wrdreg s18  }
0x11: {  	s14 =	sshrl.u32 s14, $0x3;
	s13 =	sadd.s32 s9, s13;
	[dreg:$0x1d] =	wrdreg s1  }
0x12: {  	s7 =	sadd.s32 s7, s2;
	s1 =	simm.s32 $0x13C00;
	[dreg:$0x4] =	wrdreg s13  }
0x13: {  	s15 =	sadd.s32 s9, s14;
	s13 =	sshrl.u32 s20, $0x3;
	s14 =	sshrl.u32 s21, $0x3  }
0x14: {  	s20 =	sadd.s32 s19, s3;
	s21 =	smul.u32 $0x4E200, s6;
	[dreg:$0x5] =	wrdreg s15  }
0x15: {  	s15 =	sadd.s32 s5, s17;
	s13 =	sadd.s32 s9, s13;
	[dreg:$0x12] =	wrdreg s20  }
0x16: {  	s22 =	sadd.s32 s9, s14;
	s5 =	sadd.s32 s5, s8;
	[dreg:$0x6] =	wrdreg s13  }
0x17: {  	s14 =	sshrl.u32 s25, $0x3;
	s17 =	sadd.s32 s17, s3;
	[dreg:$0x7] =	wrdreg s22  }
0x18: {  	s8 =	sadd.s32 s8, s3;
	s15 =	sshrl.u32 s15, $0x3;
	[dreg:$0x10] =	wrdreg s17  }
0x19: {  	s13 =	sshrl.u32 s24, $0x3;
	s26 =	sadd.s32 s9, s14;
	[dreg:$0x13] =	wrdreg s8  }
0x1a: {  	s5 =	sshrl.u32 s5, $0x3;
	s17 =	sadd.s32 $0x29800, s7;
	[dreg:$0xa] =	wrdreg s26  }
0x1b: {  	s14 =	sadd.s32 $0x15E00, s2;
	s23 =	sadd.s32 s9, s15;
	[dreg:$0x1c] =	wrdreg s17  }
0x1c: {  	s7 =	simm.s32 $0x1;
	s13 =	sadd.s32 s9, s13;
	[dreg:$0x8] =	wrdreg s23  }
0x1d: {  	s8 =	simm.s32 $0x13D80;
	s5 =	sadd.s32 s9, s5;
	[dreg:$0x9] =	wrdreg s13  }
0x1e: {  	s9 =	sshrl.u32 s11, $0x2;
	s11 =	sadd.s32 s10, s3;
	[dreg:$0xb] =	wrdreg s5  }
0x1f: {  	s13 =	sadd.s32 $0x9ED800, s2;
	s9 =	sadd.s32 s9, s3;
	[dreg:$0xd] =	wrdreg s11  }
0x20: {  	s15 =	sadd.s32 $0x2400, s2;
	s5 =	sadd.s32 s13, s21;
	[dreg:$0xc] =	wrdreg s9  }
0x21: {  	s2 =	smul.u32 $0x4E20, s6;
	s19 =	sadd.s32 $0x1400, s9;
	[dreg:$0x16] =	wrdreg s5  }
0x22: {  	s17 =	simm.s32 $0x16700;
	s20 =	sadd.s32 $0x3C00, s9;
	[dreg:$0x1e] =	wrdreg s19  }
0x23: {  	s21 =	sadd.s32 $0x6400, s9;
	s22 =	sshrl.u32 s2, $0x3;
	[dreg:$0x1f] =	wrdreg s20  }
0x24: {  	s24 =	sadd.s32 $0x28, s2;
	[smem:$0x7F8] =	sst s21;
	s23 =	sadd.s32 s14, s22  }
0x25: {  	s29 =	sadd.s32 $0x50, s2;
	s6 =	sadd.s32 s15, s22;
	[dreg:$0x14] =	wrdreg s23  }
0x26: {  	s25 =	sshrl.u32 s24, $0x3;
	s22 =	sadd.s32 $0x8C00, s9;
	[dreg:$0x15] =	wrdreg s6  }
0x27: {  	s26 =	sshll.u32 s24, $0x4;
	s24 =	sadd.s32 $0xDC00, s9;
	[smem:$0x7F9] =	sst s22  }
0x28: {  	s19 =	simm.s32 $0x4;
	s10 =	sadd.s32 s14, s25;
	[smem:$0x7FB] =	sst s24  }
0x29: {  	s20 =	simm.s32 $0x6;
	s5 =	sadd.s32 s15, s25;
	[dreg:$0x17] =	wrdreg s10  }
0x2a: {  	s12 =	sshrl.u32 s29, $0x3;
	s11 =	sadd.s32 s13, s26;
	[dreg:$0x18] =	wrdreg s5  }
0x2b: {  	s16 =	sadd.s32 s14, s12;
	s6 =	sadd.s32 $0xA0, s2;
	[dreg:$0x19] =	wrdreg s11  }
0x2c: {  	s23 =	sadd.s32 $0xB400, s9;
	s25 =	sadd.s32 $0x10400, s9;
	[dreg:$0x1a] =	wrdreg s16  }
0x2d: {  	s26 =	sadd.s32 $0x12C00, s9;
	s9 =	simm.s32 $0x28;
	[smem:$0x7FA] =	sst s23  }
0x2e: {  	s24 =	simm.s32 $0x5;
	s22 =	simm.s32 $0x7;
	[smem:$0x7FC] =	sst s25  }
0x2f: {  	s5 =	sadd.s32 s15, s12;
	[smem:$0x7FD] =	sst s26;
	s10 =	simm.s32 $0x16580  }
0x30: {  	s12 =	simm.s32 $0x3;
	s25 =	simm.s32 $0x18F00;
	s23 =	simm.s32 $0x8  }
0x31: {  	v0 =	vimm.f32 $0.0e+00;
	v1 =	vimm.f32 $1.000000000e+00;
	vm0 =	vcmask $0x3F20;
	s11 =	simm.s32 $0x0;
	[dreg:$0x1b] =	wrdreg s5;
	s5 =	sadd.s32 $0x78, s2  }
.LBB2_1:
0x32: {  	[smem:$0x7F7] =	sst s11;
	s2 =	simm.s32 $0x0;
	s11 =	simm.s32 $0x200  }
.LBB2_2:
0x33: {  	p0 =	sne.s32 s11, $0x4E00;
	[tilespmem:s2+$0x151F0] =	vst v0  }
0x34: {  	[tilespmem:s2+$0x15180] =	vst v0  }
0x35: {  	[tilespmem:s2+$0x15190] =	vst v0  }
.Ltmp0:
0x36: {  	[tilespmem:s2+$0x151A0] =	vst v0;
	(pc) =	sbr.rel @p0 .LBB2_2-.Ltmp0, $4  }
0x37: {  	[tilespmem:s2+$0x151B0] =	vst v0  }
0x38: {  	[tilespmem:s2+$0x151C0] =	vst v0  }
0x39: {  	[tilespmem:s2+$0x151D0] =	vst v0  }
0x3a: {  	[tilespmem:s2+$0x151E0] =	vst v0;
	s2 =	sshra.s32 s11, $0x2;
	s11 =	sadd.s32 $0x200, s11  }
0x3b: {  	[tilespmem:s2+$0x151F0] =	vst v0  }
0x3c: {  	[tilespmem:s2+$0x15180] =	vst v0  }
0x3d: {  	[tilespmem:s2+$0x15190] =	vst v0  }
0x3e: {  	[tilespmem:s2+$0x151A0] =	vst v0  }
0x3f: {  	[tilespmem:s2+$0x151B0] =	vst v0  }
0x40: {  	[tilespmem:s2+$0x151C0] =	vst v0  }
0x41: {  	[tilespmem:s2+$0x151D0] =	vst v0  }
0x42: {  	[tilespmem:s2+$0x151E0] =	vst v0;
	s2 =	simm.s32 $0x40;
	s11 =	simm.s32 $0x0  }
.LBB2_4:
0x43: {  	p0 =	sne.s32 s2, $0x9DC0;
	[tilespmem:s11+$0x18F00] =	vst v0;
	s11 =	smov.u32 s2;
	s2 =	sadd.s32 $0x40, s2  }
.Ltmp1:
0x44: {  	(pc) =	sbr.rel @p0 .LBB2_4-.Ltmp1, $2  }
0x45: {  	_ =	sdelay $0x2  }
0x46: {  	s11 =	sshra.s32 s11, $0x2  }
0x47: {  	[tilespmem:s11+$0x18F00] =	vst v0;
	s2 =	rddreg [dreg:$0xc]  }
0x48: {  	[spmem:s2] =	stream.linear.scatter [tilespmem:s30], [sflag:$0x9], $0x1400, $0x38;
	[tilespmem:$0x1B680] =	vst v63  }
0x49: {  	_ =	swait.ge [sflag:s31], $0x1400  }
0x4a: {  	[sflag:s31] =	ssyncset.done $0x0  }
0x4b: {  	s16 =	rddreg [dreg:$0x1e];
	[sflag:s31] =	ssyncadd.s32 $0xFFFFEC00  }
0x4c: {  	[spmem:s16] =	stream.linear.scatter [tilespmem:s30], [sflag:$0x9], $0x1400, $0x38;
	[tilespmem:$0x1B680] =	vst v63  }
0x4d: {  	_ =	swait.ge [sflag:s31], $0x1400  }
0x4e: {  	[sflag:s31] =	ssyncset.done $0x0  }
0x4f: {  	s21 =	rddreg [dreg:$0xd];
	[sflag:s31] =	ssyncadd.s32 $0xFFFFEC00  }
0x50: {  	[spmem:s21] =	stream.linear.scatter [tilespmem:s30], [sflag:$0x9], $0x1400, $0x38;
	[tilespmem:$0x1B680] =	vst v63  }
0x51: {  	_ =	swait.ge [sflag:s31], $0x1400  }
0x52: {  	[sflag:s31] =	ssyncset.done $0x0  }
0x53: {  	s26 =	rddreg [dreg:$0x1f];
	[sflag:s31] =	ssyncadd.s32 $0xFFFFEC00  }
0x54: {  	[spmem:s26] =	stream.linear.scatter [tilespmem:s30], [sflag:$0x9], $0x1400, $0x38;
	[tilespmem:$0x1B680] =	vst v63  }
0x55: {  	_ =	swait.ge [sflag:s31], $0x1400  }
0x56: {  	[sflag:s31] =	ssyncset.done $0x0  }
0x57: {  	s11 =	rddreg [dreg:$0xe];
	[sflag:s31] =	ssyncadd.s32 $0xFFFFEC00  }
0x58: {  	[spmem:s11] =	stream.linear.scatter [tilespmem:s30], [sflag:$0x9], $0x1400, $0x38;
	[tilespmem:$0x1B680] =	vst v63  }
0x59: {  	_ =	swait.ge [sflag:s31], $0x1400  }
0x5a: {  	s16 =	sld [smem:$0x7F8]  }
0x5b: {  	[sflag:s31] =	ssyncset.done $0x0  }
0x5c: {  	[sflag:s31] =	ssyncadd.s32 $0xFFFFEC00  }
0x5d: {  	[spmem:s16] =	stream.linear.scatter [tilespmem:s30], [sflag:$0x9], $0x1400, $0x38;
	[tilespmem:$0x1B680] =	vst v63  }
0x5e: {  	_ =	swait.ge [sflag:s31], $0x1400  }
0x5f: {  	[sflag:s31] =	ssyncset.done $0x0  }
0x60: {  	s21 =	rddreg [dreg:$0xf];
	[sflag:s31] =	ssyncadd.s32 $0xFFFFEC00  }
0x61: {  	[spmem:s21] =	stream.linear.scatter [tilespmem:s30], [sflag:$0x9], $0x1400, $0x38;
	[tilespmem:$0x1B680] =	vst v63  }
0x62: {  	_ =	swait.ge [sflag:s31], $0x1400  }
0x63: {  	s26 =	sld [smem:$0x7F9]  }
0x64: {  	[sflag:s31] =	ssyncset.done $0x0  }
0x65: {  	[sflag:s31] =	ssyncadd.s32 $0xFFFFEC00  }
0x66: {  	[spmem:s26] =	stream.linear.scatter [tilespmem:s30], [sflag:$0x9], $0x1400, $0x38;
	[tilespmem:$0x1B680] =	vst v63  }
0x67: {  	_ =	swait.ge [sflag:s31], $0x1400  }
0x68: {  	[sflag:s31] =	ssyncset.done $0x0  }
0x69: {  	s11 =	rddreg [dreg:$0x10];
	[sflag:s31] =	ssyncadd.s32 $0xFFFFEC00  }
0x6a: {  	[spmem:s11] =	stream.linear.scatter [tilespmem:s30], [sflag:$0x9], $0x1400, $0x38;
	[tilespmem:$0x1B680] =	vst v63  }
0x6b: {  	_ =	swait.ge [sflag:s31], $0x1400  }
0x6c: {  	s16 =	sld [smem:$0x7FA]  }
0x6d: {  	[sflag:s31] =	ssyncset.done $0x0  }
0x6e: {  	[sflag:s31] =	ssyncadd.s32 $0xFFFFEC00  }
0x6f: {  	[spmem:s16] =	stream.linear.scatter [tilespmem:s30], [sflag:$0x9], $0x1400, $0x38;
	[tilespmem:$0x1B680] =	vst v63  }
0x70: {  	_ =	swait.ge [sflag:s31], $0x1400  }
0x71: {  	[sflag:s31] =	ssyncset.done $0x0  }
0x72: {  	[sflag:s31] =	ssyncadd.s32 $0xFFFFEC00  }
0x73: {  	[spmem:s18] =	stream.linear.scatter [tilespmem:s30], [sflag:$0x9], $0x1400, $0x38;
	[tilespmem:$0x1B680] =	vst v63  }
0x74: {  	_ =	swait.ge [sflag:s31], $0x1400  }
0x75: {  	s21 =	sld [smem:$0x7FB]  }
0x76: {  	[sflag:s31] =	ssyncset.done $0x0  }
0x77: {  	[sflag:s31] =	ssyncadd.s32 $0xFFFFEC00  }
0x78: {  	[spmem:s21] =	stream.linear.scatter [tilespmem:s30], [sflag:$0x9], $0x1400, $0x38;
	[tilespmem:$0x1B680] =	vst v63  }
0x79: {  	_ =	swait.ge [sflag:s31], $0x1400  }
0x7a: {  	[sflag:s31] =	ssyncset.done $0x0  }
0x7b: {  	s26 =	rddreg [dreg:$0x12];
	[sflag:s31] =	ssyncadd.s32 $0xFFFFEC00  }
0x7c: {  	[spmem:s26] =	stream.linear.scatter [tilespmem:s30], [sflag:$0x9], $0x1400, $0x38;
	[tilespmem:$0x1B680] =	vst v63  }
0x7d: {  	_ =	swait.ge [sflag:s31], $0x1400  }
0x7e: {  	s11 =	sld [smem:$0x7FC]  }
0x7f: {  	[sflag:s31] =	ssyncset.done $0x0  }
0x80: {  	[sflag:s31] =	ssyncadd.s32 $0xFFFFEC00  }
0x81: {  	[spmem:s11] =	stream.linear.scatter [tilespmem:s30], [sflag:$0x9], $0x1400, $0x38;
	[tilespmem:$0x1B680] =	vst v63  }
0x82: {  	_ =	swait.ge [sflag:s31], $0x1400  }
0x83: {  	[sflag:s31] =	ssyncset.done $0x0  }
0x84: {  	s16 =	rddreg [dreg:$0x13];
	[sflag:s31] =	ssyncadd.s32 $0xFFFFEC00  }
0x85: {  	[spmem:s16] =	stream.linear.scatter [tilespmem:s30], [sflag:$0x9], $0x1400, $0x38;
	[tilespmem:$0x1B680] =	vst v63  }
0x86: {  	_ =	swait.ge [sflag:s31], $0x1400  }
0x87: {  	s18 =	sld [smem:$0x7FD]  }
0x88: {  	[sflag:s31] =	ssyncset.done $0x0  }
0x89: {  	[sflag:s31] =	ssyncadd.s32 $0xFFFFEC00  }
0x8a: {  	[spmem:s18] =	stream.linear.scatter [tilespmem:s30], [sflag:$0x9], $0x1000, $0x38;
	[tilespmem:$0x1B680] =	vst v63  }
0x8b: {  	_ =	swait.ge [sflag:s31], $0x1000  }
0x8c: {  	[sflag:s31] =	ssyncset.done $0x0  }
0x8d: {  	[sflag:s31] =	ssyncadd.s32 $0xFFFFF000  }
0x8e: {  	[bflag:$0x0] =	sbarrier.arrive $0xFFFF  }
0x8f: {  	s2 =	simm.s32 $0x0;
	s21 =	rddreg [dreg:$0x14]  }
0x90: {  	[tilespmem:s1], [sflag:$0x1] =	stream.linear.gather [hbm4b:s21+s2], $0x28, $0x38;
	[tilespmem:$0x1B680] =	vst v63  }
0x91: {  	s16 =	simm.s32 $0x13C80;
	s26 =	rddreg [dreg:$0x15]  }
0x92: {  	[tilespmem:s16], [sflag:$0x1] =	stream.linear.gather [hbm4b:s26+s2], $0x28, $0x38;
	[tilespmem:$0x1B680] =	vst v63  }
0x93: {  	_ =	swait.ge [sflag:s7], $0x28  }
0x94: {  	[sflag:s7] =	ssyncset.done $0x0  }
0x95: {  	[sflag:s7] =	ssyncadd.s32 $0xFFFFFFD8  }
0x96: {  	_ =	swait.ge [sflag:s7], $0x28  }
0x97: {  	[sflag:s7] =	ssyncset.done $0x0  }
0x98: {  	s16 =	rddreg [dreg:$0x16];
	[sflag:s7] =	ssyncadd.s32 $0xFFFFFFD8  }
0x99: {  	[tilespmem:s8], [sflag:$0x3] =	stream.linear.gather [hbm4b:s16+s2], $0x1400, $0x38;
	[tilespmem:$0x1B680] =	vst v63  }
0x9a: {  	_ = 	snop  }
0x9b: {  	[tilespmem:s30], [sflag:$0x5] =	stream.indirect.gather [hbm4b:s0+s9], $0x80, s1, s9, $0xb8;
	[tilespmem:$0x1B680] =	vst v63  }
0x9c: {  	s18 =	rddreg [dreg:$0x17]  }
0x9d: {  	[tilespmem:s10], [sflag:$0x2] =	stream.linear.gather [hbm4b:s18+s2], $0x28, $0x38;
	[tilespmem:$0x1B680] =	vst v63  }
0x9e: {  	s26 =	simm.s32 $0x16600;
	s21 =	rddreg [dreg:$0x18]  }
0x9f: {  	[tilespmem:s26], [sflag:$0x2] =	stream.linear.gather [hbm4b:s21+s2], $0x28, $0x38;
	[tilespmem:$0x1B680] =	vst v63  }
0xa0: {  	_ =	swait.ge [sflag:s12], $0x1400  }
0xa1: {  	[sflag:s12] =	ssyncset.done $0x0  }
0xa2: {  	[sflag:s12] =	ssyncadd.s32 $0xFFFFEC00  }
0xa3: {  	_ =	swait.ge [sflag:s24], $0x1400  }
0xa4: {  	[sflag:s24] =	ssyncset.done $0x0  }
0xa5: {  	s2 =	simm.s32 $0x0;
	[sflag:s24] =	ssyncadd.s32 $0xFFFFEC00  }
0xa6: {  	v8 =	vld [tilespmem:s2+$0x15180]  }
0xa7: {  	v13 =	vld [tilespmem:s2+$0x15190]  }
0xa8: {  	v7 =	vld [tilespmem:s2+$0x151A0]  }
0xa9: {  	v6 =	vld [tilespmem:s2+$0x151B0]  }
0xaa: {  	v5 =	vld [tilespmem:s2+$0x151C0]  }
0xab: {  	v4 =	vld [tilespmem:s2+$0x151D0]  }
0xac: {  	v3 =	vld [tilespmem:s2+$0x151E0]  }
0xad: {  	v2 =	vld [tilespmem:s2+$0x151F0]  }
0xae: {  	v14 =	vld [tilespmem:s2+$0x13D80]  }
0xaf: {  	v15 =	vld [tilespmem:s2+$0x13D90]  }
0xb0: {  	v12 =	vld [tilespmem:s2+$0x13DA0]  }
0xb1: {  	v11 =	vld [tilespmem:s2+$0x13DB0]  }
0xb2: {  	v10 =	vld [tilespmem:s2+$0x13DC0]  }
0xb3: {  	v9 =	vld [tilespmem:s2+$0x13DD0];
	v14 =	vadd.f32 v8, v14  }
0xb4: {  	s11 =	simm.s32 $0x200;
	v13 =	vadd.f32 v13, v15;
	v8 =	vld [tilespmem:s2+$0x13DE0]  }
.LBB2_6:
0xb5: {  	s16 =	sshra.s32 s11, $0x2;
	p0 =	sne.s32 s11, $0x4E00;
	v14 =	vmax.f32 v14, $0.0e+00;
	v7 =	vadd.f32 v7, v12;
	v12 =	vld [tilespmem:s2+$0x13DF0]  }
0xb6: {  	v15 =	vld [tilespmem:s16+$0x15180];
	[tilespmem:s2+$0x13D80] =	vst v14;
	v13 =	vmax.f32 v13, $0.0e+00;
	v6 =	vadd.f32 v6, v11  }
0xb7: {  	v16 =	vld [tilespmem:s16+$0x15190];
	[tilespmem:s2+$0x13D90] =	vst v13;
	v11 =	vmax.f32 v7, $0.0e+00;
	v5 =	vadd.f32 v5, v10  }
0xb8: {  	v7 =	vld [tilespmem:s16+$0x151A0];
	[tilespmem:s2+$0x13DA0] =	vst v11;
	v10 =	vmax.f32 v6, $0.0e+00;
	v4 =	vadd.f32 v4, v9  }
0xb9: {  	v6 =	vld [tilespmem:s16+$0x151B0];
	[tilespmem:s2+$0x13DB0] =	vst v10;
	v9 =	vmax.f32 v5, $0.0e+00;
	v3 =	vadd.f32 v3, v8  }
0xba: {  	v5 =	vld [tilespmem:s16+$0x151C0];
	[tilespmem:s2+$0x13DC0] =	vst v9;
	v8 =	vmax.f32 v4, $0.0e+00;
	v2 =	vadd.f32 v2, v12  }
0xbb: {  	v4 =	vld [tilespmem:s16+$0x151D0];
	[tilespmem:s2+$0x13DD0] =	vst v8;
	v8 =	vmax.f32 v3, $0.0e+00  }
0xbc: {  	v3 =	vld [tilespmem:s16+$0x151E0];
	[tilespmem:s2+$0x13DE0] =	vst v8;
	v8 =	vmax.f32 v2, $0.0e+00  }
0xbd: {  	v2 =	vld [tilespmem:s16+$0x151F0];
	[tilespmem:s2+$0x13DF0] =	vst v8;
	s2 =	smov.u32 s16  }
0xbe: {  	v8 =	vld [tilespmem:s2+$0x13D80]  }
0xbf: {  	v13 =	vld [tilespmem:s2+$0x13D90]  }
.Ltmp2:
0xc0: {  	v12 =	vld [tilespmem:s2+$0x13DA0];
	(pc) =	sbr.rel @p0 .LBB2_6-.Ltmp2, $4  }
0xc1: {  	v11 =	vld [tilespmem:s2+$0x13DB0]  }
0xc2: {  	v10 =	vld [tilespmem:s2+$0x13DC0]  }
0xc3: {  	v14 =	vadd.f32 v15, v8;
	v9 =	vld [tilespmem:s2+$0x13DD0]  }
0xc4: {  	s11 =	sadd.s32 $0x200, s11;
	v13 =	vadd.f32 v16, v13;
	v8 =	vld [tilespmem:s2+$0x13DE0]  }
0xc5: {  	v14 =	vmax.f32 v14, $0.0e+00;
	v7 =	vadd.f32 v7, v12;
	v63 =	vld [tilespmem:s2+$0x13DF0]  }
0xc6: {  	[tilespmem:s2+$0x13D80] =	vst v14;
	v13 =	vmax.f32 v13, $0.0e+00;
	v6 =	vadd.f32 v6, v11  }
0xc7: {  	[tilespmem:s2+$0x13D90] =	vst v13;
	v7 =	vmax.f32 v7, $0.0e+00;
	v5 =	vadd.f32 v5, v10  }
0xc8: {  	[tilespmem:s2+$0x13DA0] =	vst v7;
	v6 =	vmax.f32 v6, $0.0e+00;
	v4 =	vadd.f32 v4, v9  }
0xc9: {  	[tilespmem:s2+$0x13DB0] =	vst v6;
	v5 =	vmax.f32 v5, $0.0e+00;
	v3 =	vadd.f32 v3, v8  }
0xca: {  	[tilespmem:s2+$0x13DC0] =	vst v5;
	v4 =	vmax.f32 v4, $0.0e+00;
	v2 =	vadd.f32 v2, v63  }
0xcb: {  	[tilespmem:s2+$0x13DD0] =	vst v4;
	v3 =	vmax.f32 v3, $0.0e+00  }
0xcc: {  	[tilespmem:s2+$0x13DE0] =	vst v3;
	v2 =	vmax.f32 v2, $0.0e+00  }
0xcd: {  	[tilespmem:s2+$0x13DF0] =	vst v2  }
0xce: {  	v2 =	vld [tilespmem:$0x13C80];
	_ =	sdelay $0x6  }
0xcf: {  	[tilespmem:$0x13D00] =	vst v2  }
0xd0: {  	[tilespmem:v2+s25+$0x0] =	vst.idx.add.f32.msk $0xffff, v1  }
0xd1: {  	v2 =	vld [tilespmem:$0x13C90];
	_ =	sdelay $0x6  }
0xd2: {  	[tilespmem:$0x13D10] =	vst v2  }
0xd3: {  	[tilespmem:v2+s25+$0x0] =	vst.idx.add.f32.msk $0xffff, v1  }
0xd4: {  	v2 =	vld [tilespmem:$0x13C98];
	_ =	sdelay $0x6  }
0xd5: {  	[tilespmem:$0x13D18] =	vst v2  }
0xd6: {  	s26 =	simm.s32 $0x13D00;
	[tilespmem:v2+s25+$0x0] =	vst.idx.add.f32.msk vm0, v1  }
0xd7: {  	[spmem:s3] =	stream.indirect.scatter.add.f32 [tilespmem:s8], [sflag:$0x7], $0x80, s26, s9, $0xb8;
	[tilespmem:$0x1B680] =	vst v63  }
0xd8: {  	_ =	swait.ge [sflag:s28], $0x28  }
0xd9: {  	[sflag:s28] =	ssyncset.done $0x0  }
0xda: {  	[sflag:s28] =	ssyncadd.s32 $0xFFFFFFD8  }
0xdb: {  	_ =	swait.ge [sflag:s28], $0x28  }
0xdc: {  	[sflag:s28] =	ssyncset.done $0x0  }
0xdd: {  	s16 =	simm.s32 $0x0;
	s11 =	rddreg [dreg:$0x19];
	[sflag:s28] =	ssyncadd.s32 $0xFFFFFFD8  }
0xde: {  	[tilespmem:s17], [sflag:$0x4] =	stream.linear.gather [hbm4b:s11+s16], $0x1400, $0x38;
	[tilespmem:$0x1B680] =	vst v63  }
0xdf: {  	s18 =	simm.s32 $0x17B00  }
0xe0: {  	[tilespmem:s18], [sflag:$0x6] =	stream.indirect.gather [hbm4b:s0+s9], $0x80, s10, s9, $0xb8;
	[tilespmem:$0x1B680] =	vst v63  }
0xe1: {  	s21 =	rddreg [dreg:$0x1a]  }
0xe2: {  	[tilespmem:s1], [sflag:$0x1] =	stream.linear.gather [hbm4b:s21+s16], $0x28, $0x38;
	[tilespmem:$0x1B680] =	vst v63  }
0xe3: {  	s26 =	rddreg [dreg:$0x1b];
	s11 =	simm.s32 $0x13C80  }
0xe4: {  	[tilespmem:s11], [sflag:$0x1] =	stream.linear.gather [hbm4b:s26+s16], $0x28, $0x38;
	[tilespmem:$0x1B680] =	vst v63  }
.LBB2_8:
0xe5: {  	_ =	swait.ge [sflag:s19], $0x1400  }
0xe6: {  	[sflag:s19] =	ssyncset.done $0x0  }
0xe7: {  	[sflag:s19] =	ssyncadd.s32 $0xFFFFEC00  }
0xe8: {  	_ =	swait.ge [sflag:s20], $0x1400  }
0xe9: {  	[sflag:s20] =	ssyncset.done $0x0  }
0xea: {  	s2 =	simm.s32 $0x0;
	[sflag:s20] =	ssyncadd.s32 $0xFFFFEC00  }
0xeb: {  	v8 =	vld [tilespmem:s2+$0x17B00]  }
0xec: {  	v13 =	vld [tilespmem:s2+$0x17B10]  }
0xed: {  	v7 =	vld [tilespmem:s2+$0x17B20]  }
0xee: {  	v6 =	vld [tilespmem:s2+$0x17B30]  }
0xef: {  	v5 =	vld [tilespmem:s2+$0x17B40]  }
0xf0: {  	v4 =	vld [tilespmem:s2+$0x17B50]  }
0xf1: {  	v3 =	vld [tilespmem:s2+$0x17B60]  }
0xf2: {  	v2 =	vld [tilespmem:s2+$0x17B70]  }
0xf3: {  	v14 =	vld [tilespmem:s2+$0x16700]  }
0xf4: {  	v15 =	vld [tilespmem:s2+$0x16710]  }
0xf5: {  	v12 =	vld [tilespmem:s2+$0x16720]  }
0xf6: {  	v11 =	vld [tilespmem:s2+$0x16730]  }
0xf7: {  	v10 =	vld [tilespmem:s2+$0x16740]  }
0xf8: {  	v9 =	vld [tilespmem:s2+$0x16750];
	v14 =	vadd.f32 v8, v14  }
0xf9: {  	s11 =	simm.s32 $0x200;
	v13 =	vadd.f32 v13, v15;
	v8 =	vld [tilespmem:s2+$0x16760]  }
.LBB2_9:
0xfa: {  	s18 =	sshra.s32 s11, $0x2;
	p0 =	sne.s32 s11, $0x4E00;
	v14 =	vmax.f32 v14, $0.0e+00;
	v7 =	vadd.f32 v7, v12;
	v12 =	vld [tilespmem:s2+$0x16770]  }
0xfb: {  	v15 =	vld [tilespmem:s18+$0x17B00];
	[tilespmem:s2+$0x16700] =	vst v14;
	v13 =	vmax.f32 v13, $0.0e+00;
	v6 =	vadd.f32 v6, v11  }
0xfc: {  	v16 =	vld [tilespmem:s18+$0x17B10];
	[tilespmem:s2+$0x16710] =	vst v13;
	v11 =	vmax.f32 v7, $0.0e+00;
	v5 =	vadd.f32 v5, v10  }
0xfd: {  	v7 =	vld [tilespmem:s18+$0x17B20];
	[tilespmem:s2+$0x16720] =	vst v11;
	v10 =	vmax.f32 v6, $0.0e+00;
	v4 =	vadd.f32 v4, v9  }
0xfe: {  	v6 =	vld [tilespmem:s18+$0x17B30];
	[tilespmem:s2+$0x16730] =	vst v10;
	v9 =	vmax.f32 v5, $0.0e+00;
	v3 =	vadd.f32 v3, v8  }
0xff: {  	v5 =	vld [tilespmem:s18+$0x17B40];
	[tilespmem:s2+$0x16740] =	vst v9;
	v8 =	vmax.f32 v4, $0.0e+00;
	v2 =	vadd.f32 v2, v12  }
0x100: {  	v4 =	vld [tilespmem:s18+$0x17B50];
	[tilespmem:s2+$0x16750] =	vst v8;
	v8 =	vmax.f32 v3, $0.0e+00  }
0x101: {  	v3 =	vld [tilespmem:s18+$0x17B60];
	[tilespmem:s2+$0x16760] =	vst v8;
	v8 =	vmax.f32 v2, $0.0e+00  }
0x102: {  	v2 =	vld [tilespmem:s18+$0x17B70];
	[tilespmem:s2+$0x16770] =	vst v8;
	s2 =	smov.u32 s18  }
0x103: {  	v8 =	vld [tilespmem:s2+$0x16700]  }
0x104: {  	v13 =	vld [tilespmem:s2+$0x16710]  }
.Ltmp3:
0x105: {  	v12 =	vld [tilespmem:s2+$0x16720];
	(pc) =	sbr.rel @p0 .LBB2_9-.Ltmp3, $4  }
0x106: {  	v11 =	vld [tilespmem:s2+$0x16730]  }
0x107: {  	v10 =	vld [tilespmem:s2+$0x16740]  }
0x108: {  	v14 =	vadd.f32 v15, v8;
	v9 =	vld [tilespmem:s2+$0x16750]  }
0x109: {  	s11 =	sadd.s32 $0x200, s11;
	v13 =	vadd.f32 v16, v13;
	v8 =	vld [tilespmem:s2+$0x16760]  }
0x10a: {  	v14 =	vmax.f32 v14, $0.0e+00;
	v7 =	vadd.f32 v7, v12;
	v12 =	vld [tilespmem:s2+$0x16770]  }
0x10b: {  	[tilespmem:s2+$0x16700] =	vst v14;
	v13 =	vmax.f32 v13, $0.0e+00;
	v6 =	vadd.f32 v6, v11  }
0x10c: {  	[tilespmem:s2+$0x16710] =	vst v13;
	v7 =	vmax.f32 v7, $0.0e+00;
	v5 =	vadd.f32 v5, v10  }
0x10d: {  	[tilespmem:s2+$0x16720] =	vst v7;
	v6 =	vmax.f32 v6, $0.0e+00;
	v4 =	vadd.f32 v4, v9  }
0x10e: {  	[tilespmem:s2+$0x16730] =	vst v6;
	v5 =	vmax.f32 v5, $0.0e+00;
	v3 =	vadd.f32 v3, v8  }
0x10f: {  	[tilespmem:s2+$0x16740] =	vst v5;
	v4 =	vmax.f32 v4, $0.0e+00;
	v2 =	vadd.f32 v2, v12  }
0x110: {  	[tilespmem:s2+$0x16750] =	vst v4;
	v3 =	vmax.f32 v3, $0.0e+00  }
0x111: {  	[tilespmem:s2+$0x16760] =	vst v3;
	v2 =	vmax.f32 v2, $0.0e+00  }
0x112: {  	[tilespmem:s2+$0x16770] =	vst v2  }
0x113: {  	v2 =	vld [tilespmem:$0x16600];
	_ =	sdelay $0x6  }
0x114: {  	[tilespmem:$0x16680] =	vst v2  }
0x115: {  	[tilespmem:v2+s25+$0x0] =	vst.idx.add.f32.msk $0xffff, v1  }
0x116: {  	v2 =	vld [tilespmem:$0x16610];
	_ =	sdelay $0x6  }
0x117: {  	[tilespmem:$0x16690] =	vst v2  }
0x118: {  	[tilespmem:v2+s25+$0x0] =	vst.idx.add.f32.msk $0xffff, v1  }
0x119: {  	v2 =	vld [tilespmem:$0x16618];
	_ =	sdelay $0x6  }
0x11a: {  	[tilespmem:$0x16698] =	vst v2  }
0x11b: {  	s26 =	simm.s32 $0x16680;
	[tilespmem:v2+s25+$0x0] =	vst.idx.add.f32.msk vm0, v1  }
0x11c: {  	[spmem:s3] =	stream.indirect.scatter.add.f32 [tilespmem:s17], [sflag:$0x8], $0x80, s26, s9, $0xb8;
	[tilespmem:$0x1B680] =	vst v63  }
0x11d: {  	_ =	swait.ge [sflag:s22], $0x1400  }
0x11e: {  	[sflag:s22] =	ssyncset.done $0x0  }
0x11f: {  	[sflag:s22] =	ssyncadd.s32 $0xFFFFEC00  }
0x120: {  	_ =	swait.ge [sflag:s7], $0x28  }
0x121: {  	s2 =	smul.u32 $0x50, s16;
	[sflag:s7] =	ssyncset.done $0x0  }
0x122: {  	[sflag:s7] =	ssyncadd.s32 $0xFFFFFFD8  }
0x123: {  	s11 =	sadd.s32 s2, s29;
	_ =	swait.ge [sflag:s7], $0x28  }
0x124: {  	s11 =	sshll.u32 s11, $0x4;
	[sflag:s7] =	ssyncset.done $0x0  }
0x125: {  	s18 =	simm.s32 $0x0;
	s11 =	sadd.s32 s13, s11;
	[sflag:s7] =	ssyncadd.s32 $0xFFFFFFD8  }
0x126: {  	[tilespmem:s8], [sflag:$0x3] =	stream.linear.gather [hbm4b:s11+s18], $0x1400, $0x38;
	[tilespmem:$0x1B680] =	vst v63  }
0x127: {  	s11 =	sadd.s32 s2, s5  }
0x128: {  	s26 =	sshrl.u32 s11, $0x3  }
0x129: {  	[tilespmem:s30], [sflag:$0x5] =	stream.indirect.gather [hbm4b:s0+s9], $0x80, s1, s9, $0xb8;
	[tilespmem:$0x1B680] =	vst v63  }
0x12a: {  	s21 =	sadd.s32 s14, s26  }
0x12b: {  	[tilespmem:s10], [sflag:$0x2] =	stream.linear.gather [hbm4b:s21+s18], $0x28, $0x38;
	[tilespmem:$0x1B680] =	vst v63  }
0x12c: {  	s21 =	sadd.s32 s15, s26;
	s26 =	simm.s32 $0x16600  }
0x12d: {  	[tilespmem:s26], [sflag:$0x2] =	stream.linear.gather [hbm4b:s21+s18], $0x28, $0x38;
	[tilespmem:$0x1B680] =	vst v63  }
0x12e: {  	_ =	swait.ge [sflag:s12], $0x1400  }
0x12f: {  	[sflag:s12] =	ssyncset.done $0x0  }
0x130: {  	[sflag:s12] =	ssyncadd.s32 $0xFFFFEC00  }
0x131: {  	_ =	swait.ge [sflag:s24], $0x1400  }
0x132: {  	[sflag:s24] =	ssyncset.done $0x0  }
0x133: {  	s26 =	simm.s32 $0x0;
	[sflag:s24] =	ssyncadd.s32 $0xFFFFEC00  }
0x134: {  	v8 =	vld [tilespmem:s26+$0x15180]  }
0x135: {  	v13 =	vld [tilespmem:s26+$0x15190]  }
0x136: {  	v7 =	vld [tilespmem:s26+$0x151A0]  }
0x137: {  	v6 =	vld [tilespmem:s26+$0x151B0]  }
0x138: {  	v5 =	vld [tilespmem:s26+$0x151C0]  }
0x139: {  	v4 =	vld [tilespmem:s26+$0x151D0]  }
0x13a: {  	v3 =	vld [tilespmem:s26+$0x151E0]  }
0x13b: {  	v2 =	vld [tilespmem:s26+$0x151F0]  }
0x13c: {  	v14 =	vld [tilespmem:s26+$0x13D80]  }
0x13d: {  	v15 =	vld [tilespmem:s26+$0x13D90]  }
0x13e: {  	v12 =	vld [tilespmem:s26+$0x13DA0]  }
0x13f: {  	v11 =	vld [tilespmem:s26+$0x13DB0]  }
0x140: {  	v10 =	vld [tilespmem:s26+$0x13DC0]  }
0x141: {  	v9 =	vld [tilespmem:s26+$0x13DD0];
	v14 =	vadd.f32 v8, v14  }
0x142: {  	s18 =	simm.s32 $0x200;
	v13 =	vadd.f32 v13, v15;
	v8 =	vld [tilespmem:s26+$0x13DE0]  }
.LBB2_11:
0x143: {  	s21 =	sshra.s32 s18, $0x2;
	p0 =	sne.s32 s18, $0x4E00;
	v14 =	vmax.f32 v14, $0.0e+00;
	v7 =	vadd.f32 v7, v12;
	v12 =	vld [tilespmem:s26+$0x13DF0]  }
0x144: {  	v15 =	vld [tilespmem:s21+$0x15180];
	[tilespmem:s26+$0x13D80] =	vst v14;
	v13 =	vmax.f32 v13, $0.0e+00;
	v6 =	vadd.f32 v6, v11  }
0x145: {  	v16 =	vld [tilespmem:s21+$0x15190];
	[tilespmem:s26+$0x13D90] =	vst v13;
	v11 =	vmax.f32 v7, $0.0e+00;
	v5 =	vadd.f32 v5, v10  }
0x146: {  	v7 =	vld [tilespmem:s21+$0x151A0];
	[tilespmem:s26+$0x13DA0] =	vst v11;
	v10 =	vmax.f32 v6, $0.0e+00;
	v4 =	vadd.f32 v4, v9  }
0x147: {  	v6 =	vld [tilespmem:s21+$0x151B0];
	[tilespmem:s26+$0x13DB0] =	vst v10;
	v9 =	vmax.f32 v5, $0.0e+00;
	v3 =	vadd.f32 v3, v8  }
0x148: {  	v5 =	vld [tilespmem:s21+$0x151C0];
	[tilespmem:s26+$0x13DC0] =	vst v9;
	v8 =	vmax.f32 v4, $0.0e+00;
	v2 =	vadd.f32 v2, v12  }
0x149: {  	v4 =	vld [tilespmem:s21+$0x151D0];
	[tilespmem:s26+$0x13DD0] =	vst v8;
	v8 =	vmax.f32 v3, $0.0e+00  }
0x14a: {  	v3 =	vld [tilespmem:s21+$0x151E0];
	[tilespmem:s26+$0x13DE0] =	vst v8;
	v8 =	vmax.f32 v2, $0.0e+00  }
0x14b: {  	v2 =	vld [tilespmem:s21+$0x151F0];
	[tilespmem:s26+$0x13DF0] =	vst v8;
	s26 =	smov.u32 s21  }
0x14c: {  	v8 =	vld [tilespmem:s26+$0x13D80]  }
0x14d: {  	v13 =	vld [tilespmem:s26+$0x13D90]  }
.Ltmp4:
0x14e: {  	v12 =	vld [tilespmem:s26+$0x13DA0];
	(pc) =	sbr.rel @p0 .LBB2_11-.Ltmp4, $4  }
0x14f: {  	v11 =	vld [tilespmem:s26+$0x13DB0]  }
0x150: {  	v10 =	vld [tilespmem:s26+$0x13DC0]  }
0x151: {  	v14 =	vadd.f32 v15, v8;
	v9 =	vld [tilespmem:s26+$0x13DD0]  }
0x152: {  	s18 =	sadd.s32 $0x200, s18;
	v13 =	vadd.f32 v16, v13;
	v8 =	vld [tilespmem:s26+$0x13DE0]  }
0x153: {  	v14 =	vmax.f32 v14, $0.0e+00;
	v7 =	vadd.f32 v7, v12;
	v63 =	vld [tilespmem:s26+$0x13DF0]  }
0x154: {  	[tilespmem:s26+$0x13D80] =	vst v14;
	v13 =	vmax.f32 v13, $0.0e+00;
	v6 =	vadd.f32 v6, v11  }
0x155: {  	[tilespmem:s26+$0x13D90] =	vst v13;
	v7 =	vmax.f32 v7, $0.0e+00;
	v5 =	vadd.f32 v5, v10  }
0x156: {  	[tilespmem:s26+$0x13DA0] =	vst v7;
	v6 =	vmax.f32 v6, $0.0e+00;
	v4 =	vadd.f32 v4, v9  }
0x157: {  	[tilespmem:s26+$0x13DB0] =	vst v6;
	v5 =	vmax.f32 v5, $0.0e+00;
	v3 =	vadd.f32 v3, v8  }
0x158: {  	[tilespmem:s26+$0x13DC0] =	vst v5;
	v4 =	vmax.f32 v4, $0.0e+00;
	v2 =	vadd.f32 v2, v63  }
0x159: {  	[tilespmem:s26+$0x13DD0] =	vst v4;
	v3 =	vmax.f32 v3, $0.0e+00  }
0x15a: {  	[tilespmem:s26+$0x13DE0] =	vst v3;
	v2 =	vmax.f32 v2, $0.0e+00  }
0x15b: {  	[tilespmem:s26+$0x13DF0] =	vst v2  }
0x15c: {  	v2 =	vld [tilespmem:$0x13C80];
	_ =	sdelay $0x6  }
0x15d: {  	[tilespmem:$0x13D00] =	vst v2  }
0x15e: {  	[tilespmem:v2+s25+$0x0] =	vst.idx.add.f32.msk $0xffff, v1  }
0x15f: {  	v2 =	vld [tilespmem:$0x13C90];
	_ =	sdelay $0x6  }
0x160: {  	[tilespmem:$0x13D10] =	vst v2  }
0x161: {  	[tilespmem:v2+s25+$0x0] =	vst.idx.add.f32.msk $0xffff, v1  }
0x162: {  	v2 =	vld [tilespmem:$0x13C98];
	_ =	sdelay $0x6  }
0x163: {  	[tilespmem:$0x13D18] =	vst v2  }
0x164: {  	s18 =	simm.s32 $0x13D00;
	[tilespmem:v2+s25+$0x0] =	vst.idx.add.f32.msk vm0, v1  }
0x165: {  	[spmem:s3] =	stream.indirect.scatter.add.f32 [tilespmem:s8], [sflag:$0x7], $0x80, s18, s9, $0xb8;
	[tilespmem:$0x1B680] =	vst v63  }
0x166: {  	_ =	swait.ge [sflag:s23], $0x1400  }
0x167: {  	[sflag:s23] =	ssyncset.done $0x0  }
0x168: {  	[sflag:s23] =	ssyncadd.s32 $0xFFFFEC00  }
0x169: {  	_ =	swait.ge [sflag:s28], $0x28  }
0x16a: {  	[sflag:s28] =	ssyncset.done $0x0  }
0x16b: {  	[sflag:s28] =	ssyncadd.s32 $0xFFFFFFD8  }
0x16c: {  	p0 =	seq.s32 s16, $0xF8;
	_ =	swait.ge [sflag:s28], $0x28  }
.Ltmp5:
0x16d: {  	s11 =	sshll.u32 s11, $0x4;
	[sflag:s28] =	ssyncset.done $0x0;
	(pc) =	sbr.rel @p0 .LBB2_14-.Ltmp5, $4  }
0x16e: {  	s11 =	sadd.s32 s13, s11;
	[sflag:s28] =	ssyncadd.s32 $0xFFFFFFD8  }
0x16f: {  	[tilespmem:s17], [sflag:$0x4] =	stream.linear.gather [hbm4b:s11+s4], $0x1400, $0x38;
	[tilespmem:$0x1B680] =	vst v63  }
0x170: {  	s26 =	simm.s32 $0x17B00  }
0x171: {  	[tilespmem:s26], [sflag:$0x6] =	stream.indirect.gather [hbm4b:s0+s9], $0x80, s10, s9, $0xb8;
	[tilespmem:$0x1B680] =	vst v63  }
0x172: {  	s2 =	sadd.s32 s2, s6  }
.Ltmp6:
0x173: {  	s2 =	sshrl.u32 s2, $0x3;
	(pc) =	sbr.rel .LBB2_8-.Ltmp6, $4  }
0x174: {  	s11 =	sadd.s32 s14, s2  }
0x175: {  	[tilespmem:s1], [sflag:$0x1] =	stream.linear.gather [hbm4b:s11+s4], $0x28, $0x38;
	[tilespmem:$0x1B680] =	vst v63  }
0x176: {  	s26 =	simm.s32 $0x13C80;
	s16 =	sadd.s32 $0x1, s16;
	s2 =	sadd.s32 s15, s2  }
0x177: {  	[tilespmem:s26], [sflag:$0x1] =	stream.linear.gather [hbm4b:s2+s4], $0x28, $0x38;
	[tilespmem:$0x1B680] =	vst v63  }
.LBB2_14:
0x178: {  	_ =	swait.ge [sflag:s19], $0x1400  }
0x179: {  	[sflag:s19] =	ssyncset.done $0x0  }
0x17a: {  	[sflag:s19] =	ssyncadd.s32 $0xFFFFEC00  }
0x17b: {  	_ =	swait.ge [sflag:s20], $0x1400  }
0x17c: {  	[sflag:s20] =	ssyncset.done $0x0  }
0x17d: {  	s2 =	simm.s32 $0x0;
	[sflag:s20] =	ssyncadd.s32 $0xFFFFEC00  }
0x17e: {  	v8 =	vld [tilespmem:s2+$0x17B00]  }
0x17f: {  	v13 =	vld [tilespmem:s2+$0x17B10]  }
0x180: {  	v7 =	vld [tilespmem:s2+$0x17B20]  }
0x181: {  	v6 =	vld [tilespmem:s2+$0x17B30]  }
0x182: {  	v5 =	vld [tilespmem:s2+$0x17B40]  }
0x183: {  	v4 =	vld [tilespmem:s2+$0x17B50]  }
0x184: {  	v3 =	vld [tilespmem:s2+$0x17B60]  }
0x185: {  	v2 =	vld [tilespmem:s2+$0x17B70]  }
0x186: {  	v14 =	vld [tilespmem:s2+$0x16700]  }
0x187: {  	v15 =	vld [tilespmem:s2+$0x16710]  }
0x188: {  	v12 =	vld [tilespmem:s2+$0x16720]  }
0x189: {  	v11 =	vld [tilespmem:s2+$0x16730]  }
0x18a: {  	v10 =	vld [tilespmem:s2+$0x16740]  }
0x18b: {  	v9 =	vld [tilespmem:s2+$0x16750];
	v14 =	vadd.f32 v8, v14  }
0x18c: {  	s11 =	simm.s32 $0x200;
	s18 =	rddreg [dreg:$0x11];
	v13 =	vadd.f32 v13, v15;
	v8 =	vld [tilespmem:s2+$0x16760]  }
.LBB2_15:
0x18d: {  	s16 =	sshra.s32 s11, $0x2;
	p0 =	sne.s32 s11, $0x4E00;
	v14 =	vmax.f32 v14, $0.0e+00;
	v7 =	vadd.f32 v7, v12;
	v12 =	vld [tilespmem:s2+$0x16770]  }
0x18e: {  	v15 =	vld [tilespmem:s16+$0x17B00];
	[tilespmem:s2+$0x16700] =	vst v14;
	v13 =	vmax.f32 v13, $0.0e+00;
	v6 =	vadd.f32 v6, v11  }
0x18f: {  	v16 =	vld [tilespmem:s16+$0x17B10];
	[tilespmem:s2+$0x16710] =	vst v13;
	v11 =	vmax.f32 v7, $0.0e+00;
	v5 =	vadd.f32 v5, v10  }
0x190: {  	v7 =	vld [tilespmem:s16+$0x17B20];
	[tilespmem:s2+$0x16720] =	vst v11;
	v10 =	vmax.f32 v6, $0.0e+00;
	v4 =	vadd.f32 v4, v9  }
0x191: {  	v6 =	vld [tilespmem:s16+$0x17B30];
	[tilespmem:s2+$0x16730] =	vst v10;
	v9 =	vmax.f32 v5, $0.0e+00;
	v3 =	vadd.f32 v3, v8  }
0x192: {  	v5 =	vld [tilespmem:s16+$0x17B40];
	[tilespmem:s2+$0x16740] =	vst v9;
	v8 =	vmax.f32 v4, $0.0e+00;
	v2 =	vadd.f32 v2, v12  }
0x193: {  	v4 =	vld [tilespmem:s16+$0x17B50];
	[tilespmem:s2+$0x16750] =	vst v8;
	v8 =	vmax.f32 v3, $0.0e+00  }
0x194: {  	v3 =	vld [tilespmem:s16+$0x17B60];
	[tilespmem:s2+$0x16760] =	vst v8;
	v8 =	vmax.f32 v2, $0.0e+00  }
0x195: {  	v2 =	vld [tilespmem:s16+$0x17B70];
	[tilespmem:s2+$0x16770] =	vst v8;
	s2 =	smov.u32 s16  }
0x196: {  	v8 =	vld [tilespmem:s2+$0x16700]  }
0x197: {  	v13 =	vld [tilespmem:s2+$0x16710]  }
.Ltmp7:
0x198: {  	v12 =	vld [tilespmem:s2+$0x16720];
	(pc) =	sbr.rel @p0 .LBB2_15-.Ltmp7, $4  }
0x199: {  	v11 =	vld [tilespmem:s2+$0x16730]  }
0x19a: {  	v10 =	vld [tilespmem:s2+$0x16740]  }
0x19b: {  	v14 =	vadd.f32 v15, v8;
	v9 =	vld [tilespmem:s2+$0x16750]  }
0x19c: {  	s11 =	sadd.s32 $0x200, s11;
	v13 =	vadd.f32 v16, v13;
	v8 =	vld [tilespmem:s2+$0x16760]  }
0x19d: {  	v14 =	vmax.f32 v14, $0.0e+00;
	v7 =	vadd.f32 v7, v12;
	v63 =	vld [tilespmem:s2+$0x16770]  }
0x19e: {  	[tilespmem:s2+$0x16700] =	vst v14;
	v13 =	vmax.f32 v13, $0.0e+00;
	v6 =	vadd.f32 v6, v11  }
0x19f: {  	[tilespmem:s2+$0x16710] =	vst v13;
	v7 =	vmax.f32 v7, $0.0e+00;
	v5 =	vadd.f32 v5, v10  }
0x1a0: {  	[tilespmem:s2+$0x16720] =	vst v7;
	v6 =	vmax.f32 v6, $0.0e+00;
	v4 =	vadd.f32 v4, v9  }
0x1a1: {  	[tilespmem:s2+$0x16730] =	vst v6;
	v5 =	vmax.f32 v5, $0.0e+00;
	v3 =	vadd.f32 v3, v8  }
0x1a2: {  	[tilespmem:s2+$0x16740] =	vst v5;
	v4 =	vmax.f32 v4, $0.0e+00;
	v2 =	vadd.f32 v2, v63  }
0x1a3: {  	[tilespmem:s2+$0x16750] =	vst v4;
	v3 =	vmax.f32 v3, $0.0e+00  }
0x1a4: {  	[tilespmem:s2+$0x16760] =	vst v3;
	v2 =	vmax.f32 v2, $0.0e+00  }
0x1a5: {  	[tilespmem:s2+$0x16770] =	vst v2  }
0x1a6: {  	v2 =	vld [tilespmem:$0x16600];
	_ =	sdelay $0x6  }
0x1a7: {  	[tilespmem:$0x16680] =	vst v2  }
0x1a8: {  	[tilespmem:v2+s25+$0x0] =	vst.idx.add.f32.msk $0xffff, v1  }
0x1a9: {  	v2 =	vld [tilespmem:$0x16610];
	_ =	sdelay $0x6  }
0x1aa: {  	[tilespmem:$0x16690] =	vst v2  }
0x1ab: {  	[tilespmem:v2+s25+$0x0] =	vst.idx.add.f32.msk $0xffff, v1  }
0x1ac: {  	v2 =	vld [tilespmem:$0x16618];
	_ =	sdelay $0x6  }
0x1ad: {  	[tilespmem:$0x16698] =	vst v2  }
0x1ae: {  	s11 =	simm.s32 $0x16680;
	[tilespmem:v2+s25+$0x0] =	vst.idx.add.f32.msk vm0, v1  }
0x1af: {  	[spmem:s3] =	stream.indirect.scatter.add.f32 [tilespmem:s17], [sflag:$0x8], $0x80, s11, s9, $0xb8;
	[tilespmem:$0x1B680] =	vst v63  }
0x1b0: {  	_ =	swait.ge [sflag:s22], $0x1400  }
0x1b1: {  	[sflag:s22] =	ssyncset.done $0x0  }
0x1b2: {  	[sflag:s22] =	ssyncadd.s32 $0xFFFFEC00  }
0x1b3: {  	_ =	swait.ge [sflag:s23], $0x1400  }
0x1b4: {  	[sflag:s23] =	ssyncset.done $0x0  }
0x1b5: {  	[sflag:s23] =	ssyncadd.s32 $0xFFFFEC00  }
0x1b6: {  	s16 =	stileid.u32;
	[bflag:$0x0] =	sbarrier.arrive $0xFFFF  }
0x1b7: {  	s2 =	sshll.u32 s16, $0x6;
	s11 =	rddreg [dreg:$0xc]  }
0x1b8: {  	s2 =	sor.u32 $0x1C09, s2;
	s16 =	rddreg [dreg:$0x4];
	s11 =	sshrl.u32 s11, $0x3  }
0x1b9: {  	[hbm:s16], [sflag:s2] =	dma.local [spmem:s11], $0x500  }
0x1ba: {  	_ =	swait.ge [sflag:s31], $0x500  }
0x1bb: {  	[sflag:s31] =	ssyncset.done $0x0;
	s21 =	rddreg [dreg:$0xd]  }
0x1bc: {  	s26 =	rddreg [dreg:$0x5];
	[sflag:s31] =	ssyncadd.s32 $0xFFFFFB00;
	s11 =	sshrl.u32 s21, $0x3  }
0x1bd: {  	[hbm:s26], [sflag:s2] =	dma.local [spmem:s11], $0x500  }
0x1be: {  	_ =	swait.ge [sflag:s31], $0x500  }
0x1bf: {  	[sflag:s31] =	ssyncset.done $0x0;
	s21 =	rddreg [dreg:$0xe]  }
0x1c0: {  	s26 =	rddreg [dreg:$0x6];
	[sflag:s31] =	ssyncadd.s32 $0xFFFFFB00;
	s11 =	sshrl.u32 s21, $0x3  }
0x1c1: {  	[hbm:s26], [sflag:s2] =	dma.local [spmem:s11], $0x500  }
0x1c2: {  	_ =	swait.ge [sflag:s31], $0x500  }
0x1c3: {  	[sflag:s31] =	ssyncset.done $0x0;
	s21 =	rddreg [dreg:$0xf]  }
0x1c4: {  	s26 =	rddreg [dreg:$0x7];
	[sflag:s31] =	ssyncadd.s32 $0xFFFFFB00;
	s11 =	sshrl.u32 s21, $0x3  }
0x1c5: {  	[hbm:s26], [sflag:s2] =	dma.local [spmem:s11], $0x500  }
0x1c6: {  	_ =	swait.ge [sflag:s31], $0x500  }
0x1c7: {  	[sflag:s31] =	ssyncset.done $0x0;
	s21 =	rddreg [dreg:$0x10]  }
0x1c8: {  	s26 =	rddreg [dreg:$0x8];
	[sflag:s31] =	ssyncadd.s32 $0xFFFFFB00;
	s11 =	sshrl.u32 s21, $0x3  }
0x1c9: {  	[hbm:s26], [sflag:s2] =	dma.local [spmem:s11], $0x500  }
0x1ca: {  	_ =	swait.ge [sflag:s31], $0x500  }
0x1cb: {  	[sflag:s31] =	ssyncset.done $0x0  }
0x1cc: {  	s21 =	sshrl.u32 s18, $0x3;
	s26 =	rddreg [dreg:$0x9];
	[sflag:s31] =	ssyncadd.s32 $0xFFFFFB00  }
0x1cd: {  	[hbm:s26], [sflag:s2] =	dma.local [spmem:s21], $0x500  }
0x1ce: {  	_ =	swait.ge [sflag:s31], $0x500  }
0x1cf: {  	[sflag:s31] =	ssyncset.done $0x0;
	s21 =	rddreg [dreg:$0x12]  }
0x1d0: {  	s26 =	rddreg [dreg:$0xa];
	[sflag:s31] =	ssyncadd.s32 $0xFFFFFB00;
	s11 =	sshrl.u32 s21, $0x3  }
0x1d1: {  	[hbm:s26], [sflag:s2] =	dma.local [spmem:s11], $0x500  }
0x1d2: {  	_ =	swait.ge [sflag:s31], $0x500  }
0x1d3: {  	[sflag:s31] =	ssyncset.done $0x0;
	s21 =	rddreg [dreg:$0x13]  }
0x1d4: {  	s26 =	rddreg [dreg:$0xb];
	[sflag:s31] =	ssyncadd.s32 $0xFFFFFB00;
	s11 =	sshrl.u32 s21, $0x3  }
0x1d5: {  	[hbm:s26], [sflag:s2] =	dma.local [spmem:s11], $0x480  }
0x1d6: {  	_ =	swait.ge [sflag:s31], $0x480  }
0x1d7: {  	[sflag:s31] =	ssyncset.done $0x0  }
0x1d8: {  	s16 =	rddreg [dreg:$0x1c];
	[sflag:s31] =	ssyncadd.s32 $0xFFFFFB80  }
0x1d9: {  	[hbm4b:s16+s4] =	stream.linear.scatter [tilespmem:s25], [sflag:$0x9], $0x2780, $0x38;
	[tilespmem:$0x1B680] =	vst v63  }
0x1da: {  	_ =	swait.ge [sflag:s31], $0x2780  }
0x1db: {  	s21 =	sld [smem:$0x7F7];
	_ =	sdelay $0x2  }
0x1dc: {  	s26 =	rddreg [dreg:$0x1d];
	s11 =	sadd.s32 $0x1, s21  }
0x1dd: {  	p0 =	sne.s32 s11, s26  }
.Ltmp8:
0x1de: {  	_ = 	snop;
	(pc) =	sbr.rel @p0 .LBB2_1-.Ltmp8, $3  }
0x1df: {  	_ =	sdelay $0x1  }
0x1e0: {  	[sflag:s31] =	ssyncset.done $0x0  }
0x1e1: {  	[sflag:s31] =	ssyncadd.s32 $0xFFFFD880  }
0x1e2: {  	_ =	sfence.sel $0x180000  }
0x1e3: {  	[bflag:$0x0] =	sbarrier.arrive $0xFFFF  }
0x1e4: {  	_ =	strace $0x90000047  }
0x1e5: {  	s0 =	stileid.u32;
	[bflag:$0x2] =	sbarrier.arrive $0xFFFF  }
0x1e6: {  	p0 =	sne.s32 s0, $0x0;
	s0 =	rddreg [dreg:$0x3]  }
0x1e7: {  	s0 =	sadd.s32 @!p0 $0x100000, s0  }
0x1e8: {  	[sflag:s0] =	ssyncadd.tile.s32 @!p0 $0x1;
	_ =	shalt  }
.Lfunc_end2:
_tile_overlayer_lowered:
.L_overlay_start_2:
0x1e9: {  	(tag) =	ssettag $0x2  }
0x1ea: {  	s0 =	rddreg [dreg:$0x0];
	s2 =	stileid.u32  }
0x1eb: {  	s1 =	rddreg [dreg:$0x1];
	p0 =	sne.s32 s2, $0x0  }
0x1ec: {  	s3 =	rddreg [dreg:$0x2];
	[bflag:$0x3] =	sbarrier.arrive $0xFFFF;
	s2 =	simm.s32 @!p0 $0x1C09  }
0x1ed: {  	[timem:s3], [sflag:s2] =	dma.local @!p0 [hbm:s0], s1  }
0x1ee: {  	s0 =	simm.s32 @!p0 $0x9  }
0x1ef: {  	_ =	swait.ge @!p0 [sflag:s0], s1  }
0x1f0: {  	s1 =	ssub.s32 @!p0 $0x0, s1;
	[sflag:s0] =	ssyncset.done @!p0 $0x0  }
0x1f1: {  	[sflag:s0] =	ssyncadd.s32 @!p0 s1  }
0x1f2: {  	[bflag:$0x3] =	sbarrier.arrive $0xFFFF  }
0x1f3: {  	_ =	shalt  }

</sc_bundles>
